<compile_context>
chip_gen: v7x
topology: tpu7x:2x2x1
jax: 0.10.2.dev20260603
libtpu: 0.0.44.dev20260713+nightly
codegen_flags: <defaults>
</compile_context>

<pallas_src>
import functools

import jax
import jax.numpy as jnp
from jax import lax
from jax.experimental import pallas as pl
from jax.experimental.pallas import tpu as pltpu
from jax.experimental.pallas import tpu_sc as plsc

N = 50000
E = 1_600_000
NC, NS, L = 2, 16, 16
NW = NC * NS
NPAD = 53248
SEG = NPAD // NS
B = 1024
TBLK = (E + B - 1) // B
ELAST = E - B
EDUP = (TBLK - 1) * B
R2C = NPAD // NW
W2C = R2C * 3

_mesh = plsc.VectorSubcoreMesh(core_axis_name="c", subcore_axis_name="s")
_params = pltpu.CompilerParams(needs_layout_passes=False)

_GDN = lax.GatherDimensionNumbers(
    offset_dims=(), collapsed_slice_dims=(0,), start_index_map=(0,))


def _take16(x, idx):
    return lax.gather(x, idx[:, None], _GDN, slice_sizes=(1,),
                      mode=lax.GatherScatterMode.PROMISE_IN_BOUNDS)

_NI = 3
_NF = 7


@functools.partial(
    pl.kernel,
    out_type=jax.ShapeDtypeStruct((NC * 3 * NPAD,), jnp.float32),
    mesh=_mesh,
    compiler_params=_params,
    scratch_types=(
        [pltpu.VMEM_SHARED((NPAD,), jnp.float32) for _ in range(6)]
        + [pltpu.VMEM((2 * B,), jnp.int32) for _ in range(2 * _NI)]
        + [pltpu.VMEM((3 * B,), jnp.float32) for _ in range(2)]
        + [pltpu.VMEM((B,), jnp.float32) for _ in range(6)]
        + [pltpu.VMEM((2 * B,), jnp.float32) for _ in range(12)]
        + [pltpu.SemaphoreType.DMA for _ in range(5)]
    ),
)
def _edge_kernel(dip_h, zeros_h, idx_h, vec_h, out_h, *refs):
    DS = refs[0:3]
    AS = refs[3:6]
    RAW = (refs[6], refs[7])
    IDX = (refs[8], refs[9])
    IDXS = (refs[10], refs[11])
    VRAW = (refs[12], refs[13])
    VX = (refs[14], refs[15])
    VY = (refs[16], refs[17])
    VZ = (refs[18], refs[19])
    D = tuple((refs[20 + 2 * c], refs[21 + 2 * c]) for c in range(3))
    C = tuple((refs[26 + 2 * c], refs[27 + 2 * c]) for c in range(3))
    gsem0, gsem1, ssem0, ssem1, lsem = refs[32:]
    gsem = (gsem0, gsem1)
    ssem = (ssem0, ssem1)

    cid = lax.axis_index("c")
    sid = lax.axis_index("s")
    s0 = pl.multiple_of(sid * SEG, 128)
    for c in range(3):
        pltpu.sync_copy(dip_h.at[pl.ds(pl.multiple_of(c * NPAD + s0, 128), SEG)],
                        DS[c].at[pl.ds(s0, SEG)])
        pltpu.sync_copy(zeros_h.at[pl.ds(s0, SEG)], AS[c].at[pl.ds(s0, SEG)])
    plsc.subcore_barrier()

    wid = sid * NC + cid
    blo = (wid * TBLK) // NW
    bhi = ((wid + 1) * TBLK) // NW

    iota = lax.broadcasted_iota(jnp.int32, (L,), 0)
    p_ev = (iota * 2) % L
    p_od = p_ev + 1
    half = iota < (L // 2)
    P3 = tuple((iota * 3 + k) % L for k in range(3))
    LIMA = (6, 5, 5)
    LIMB = (11, 11, 10)

    def eoff(b):
        return pl.multiple_of(
            jnp.where(b >= TBLK - 1, ELAST, b * B).astype(jnp.int32), 128)

    def fire_linear(b, p):
        e0 = eoff(b)
        pltpu.async_copy(idx_h.at[pl.ds(pl.multiple_of(e0 * 2, 128), 2 * B)],
                         RAW[p], lsem)
        pltpu.async_copy(vec_h.at[pl.ds(pl.multiple_of(e0 * 3, 128), 3 * B)],
                         VRAW[p], lsem)

    def drain_linear(b, p):
        e0 = eoff(b)
        pltpu.make_async_copy(idx_h.at[pl.ds(pl.multiple_of(e0 * 2, 128), 2 * B)],
                              RAW[p], lsem).wait()
        pltpu.make_async_copy(vec_h.at[pl.ds(pl.multiple_of(e0 * 3, 128), 3 * B)],
                              VRAW[p], lsem).wait()

    def deint_idx(p):
        raw, idx = RAW[p], IDX[p]

        def dop(m, carry):
            a = raw[pl.ds(m * 2 * L, L)]
            b2 = raw[pl.ds(m * 2 * L + L, L)]
            ga = _take16(a, p_ev)
            gb = _take16(b2, p_ev)
            idx[pl.ds(m * L, L)] = jnp.where(half, ga, gb)
            ga = _take16(a, p_od)
            gb = _take16(b2, p_od)
            idx[pl.ds(B + m * L, L)] = jnp.where(half, ga, gb)
            return carry

        lax.fori_loop(0, B // L, dop, 0)

    def deint_vec(p):
        raw = VRAW[p]
        dsts = (VX[p], VY[p], VZ[p])

        def dop(m, carry):
            a = raw[pl.ds(m * 3 * L, L)]
            b2 = raw[pl.ds(m * 3 * L + L, L)]
            c2 = raw[pl.ds(m * 3 * L + 2 * L, L)]
            w = pl.ds(m * L, L)
            for k in range(3):
                ga = _take16(a, P3[k])
                gb = _take16(b2, P3[k])
                gc = _take16(c2, P3[k])
                dsts[k][w] = jnp.where(iota < LIMA[k], ga,
                                       jnp.where(iota < LIMB[k], gb, gc))
            return carry

        lax.fori_loop(0, B // L, dop, 0)

    def copy_idx(p):
        def cop(m, carry):
            w = pl.ds(m * L, L)
            IDXS[p][w] = IDX[p][w]
            return carry
        lax.fori_loop(0, 2 * B // L, cop, 0)

    def fire_gathers(p):
        for c in range(3):
            pltpu.async_copy(DS[c].at[IDX[p]], D[c][p], gsem[p])

    def drain_gathers(p):
        for c in range(3):
            pltpu.make_async_copy(DS[c].at[IDX[p]], D[c][p], gsem[p]).wait()

    def fire_scatters(p):
        for c in range(3):
            pltpu.async_copy(C[c][p], AS[c].at[IDXS[p]], ssem[p], add=True)

    def drain_scatters(p):
        for c in range(3):
            pltpu.make_async_copy(C[c][p], AS[c].at[IDXS[p]], ssem[p]).wait()

    def compute(b, p):
        vx_v, vy_v, vz_v = VX[p], VY[p], VZ[p]
        dx_v, dy_v, dz_v = D[0][p], D[1][p], D[2][p]
        cx_v, cy_v, cz_v = C[0][p], C[1][p], C[2][p]
        e0 = eoff(b)
        live = b < bhi
        islast = e0 == ELAST

        def vop(m, c3):
            wi = pl.ds(m * L, L)
            wj = pl.ds(B + m * L, L)
            vx = vx_v[wi]
            vy = vy_v[wi]
            vz = vz_v[wi]
            r2 = vx * vx + vy * vy + vz * vz
            bits = lax.bitcast_convert_type(r2, jnp.int32)
            y = lax.bitcast_convert_type(
                jnp.int32(0x5F3759DF) - (bits >> 1), jnp.float32)
            y = y * (1.5 - 0.5 * r2 * y * y)
            y = y * (1.5 - 0.5 * r2 * y * y)
            y = y * (1.5 - 0.5 * r2 * y * y)
            y2 = y * y
            sh = 0.5 * (y2 * y)
            th = 3.0 * (y2 * sh)
            keep = live & (~islast | ((e0 + m * L + iota) >= EDUP))
            sh = jnp.where(keep, sh, 0.0)
            th = jnp.where(keep, th, 0.0)
            djx = dx_v[wj]
            djy = dy_v[wj]
            djz = dz_v[wj]
            aj = (djx * vx + djy * vy + djz * vz) * th
            cx_v[wi] = djx * sh - vx * aj
            cy_v[wi] = djy * sh - vy * aj
            cz_v[wi] = djz * sh - vz * aj
            dix = dx_v[wi]
            diy = dy_v[wi]
            diz = dz_v[wi]
            ai = (dix * vx + diy * vy + diz * vz) * th
            cx_v[wj] = dix * sh - vx * ai
            cy_v[wj] = diy * sh - vy * ai
            cz_v[wj] = diz * sh - vz * ai
            return c3

        lax.fori_loop(0, B // L, vop, 0)

    fire_linear(blo, 0)
    drain_linear(blo, 0)
    deint_idx(0)
    fire_gathers(0)

    def superblock(t, carry):
        for p in (0, 1):
            b = blo + 2 * t + p
            drain_gathers(p)
            copy_idx(p)
            fire_linear(b + 1, p ^ 1)
            deint_vec(p)
            compute(b, p)
            if p == 0:
                @pl.when(t > 0)
                def _():
                    drain_scatters(1)
            else:
                drain_scatters(0)
            fire_scatters(p)
            drain_linear(b + 1, p ^ 1)
            deint_idx(p ^ 1)
            fire_gathers(p ^ 1)
        return carry

    nsup = (bhi - blo + 1) // 2
    lax.fori_loop(0, nsup, superblock, 0)
    drain_scatters(1)
    drain_gathers(0)
    plsc.subcore_barrier()
    for c in range(3):
        o = pl.multiple_of((cid * 3 + c) * NPAD + s0, 128)
        pltpu.sync_copy(AS[c].at[pl.ds(s0, SEG)], out_h.at[pl.ds(o, SEG)])


@functools.partial(
    pl.kernel,
    out_type=jax.ShapeDtypeStruct((NPAD * 3,), jnp.float32),
    mesh=_mesh,
    compiler_params=_params,
    scratch_types=(
        [pltpu.VMEM((R2C,), jnp.float32) for _ in range(6)]
        + [pltpu.VMEM((W2C,), jnp.float32)]
    ),
)
def _combine_kernel(p_h, out_h, p0x, p0y, p0z, p1x, p1y, p1z, stage):
    cid = lax.axis_index("c")
    sid = lax.axis_index("s")
    wid = sid * NC + cid
    r0 = pl.multiple_of(wid * R2C, 128)
    bufs = (p0x, p0y, p0z, p1x, p1y, p1z)
    for g in range(NC):
        for c in range(3):
            o = pl.multiple_of((g * 3 + c) * NPAD + r0, 128)
            pltpu.sync_copy(p_h.at[pl.ds(o, R2C)], bufs[g * 3 + c])
    i3 = lax.broadcasted_iota(jnp.int32, (L,), 0) * 3

    def vop(m, carry):
        w = pl.ds(m * L, L)
        x = p0x[w] + p1x[w]
        y = p0y[w] + p1y[w]
        z = p0z[w] + p1z[w]
        base = m * (3 * L) + i3
        plsc.store_scatter(stage, [base], x)
        plsc.store_scatter(stage, [base + 1], y)
        plsc.store_scatter(stage, [base + 2], z)
        return carry

    lax.fori_loop(0, R2C // L, vop, 0)
    pltpu.sync_copy(stage, out_h.at[pl.ds(pl.multiple_of(wid * W2C, 128), W2C)])


def kernel(dipoles, cell, positions, neighbor_indices, neighbor_vectors):
    del cell, positions
    idx = neighbor_indices.astype(jnp.int32).reshape(-1)
    vec = neighbor_vectors.astype(jnp.float32).reshape(-1)
    dip = jnp.concatenate(
        [dipoles.astype(jnp.float32).T,
         jnp.zeros((3, NPAD - N), jnp.float32)], axis=1).reshape(-1)
    zeros = jnp.zeros((NPAD,), jnp.float32)
    part = _edge_kernel(dip, zeros, idx, vec)
    flat = _combine_kernel(part)
    return flat[: N * 3].reshape(N, 3)

# --- scband reference (transcript-rebuilt; emitter-appended) ---
"""Pipeline reference for scband-calculator-dipole-13812614824523 (READ-ONLY COPY).

The authoritative reference and input builder live on the scoring server;
editing this copy changes nothing except your own understanding.
"""

import jax, jax.numpy as jnp
import numpy as np

N_NODES = 50000
N_EDGES = 1600000
PREFACTOR = 1.0
FULL_NEIGHBOR_LIST = False


def setup_inputs(seed: int = 0) -> dict:
    key = jax.random.key(seed)
    k1, k2, k3, k4 = jax.random.split(key, 4)
    dipoles = jax.random.normal(k1, (N_NODES, 3), dtype=jnp.float32)
    cell = jax.random.normal(k2, (3, 3), dtype=jnp.float32)
    positions = jax.random.normal(k3, (N_NODES, 3), dtype=jnp.float32)
    neighbor_indices = jax.random.randint(k4, (N_EDGES, 2), 0, N_NODES, dtype=jnp.int64)
    neighbor_vectors = jax.random.normal(jax.random.fold_in(key, 5), (N_EDGES, 3), dtype=jnp.float32)
    return {
        "dipoles": dipoles,
        "cell": cell,
        "positions": positions,
        "neighbor_indices": neighbor_indices,
        "neighbor_vectors": neighbor_vectors,
    }


def _potential_dipole_from_dist(vectors):
    # PotentialDipole (smearing=None): bare dipole-dipole kernel
    # scalar: 1/r^3  (shape [P, 1]), tensor: 3 * (r outer r) / r^5 (shape [P, 3, 3])
    r = jnp.linalg.norm(vectors, axis=1, keepdims=True)  # [P, 1]
    scalar = 1.0 / (r ** 3)  # [P, 1]
    outer = vectors[:, :, None] * vectors[:, None, :]  # [P, 3, 3]
    tensor = 3.0 * outer / (r[:, :, None] ** 5)  # [P, 3, 3]
    return scalar, tensor


def reference(dipoles, cell, positions, neighbor_indices, neighbor_vectors):
    scalar, tensor = _potential_dipole_from_dist(neighbor_vectors)
    atom_is = neighbor_indices[:, 0]
    atom_js = neighbor_indices[:, 1]
    d_j = jnp.take(dipoles, atom_js, axis=0)
    contributions_is = d_j * scalar - jnp.einsum('ij,ijk->ik', d_j, tensor)
    potential = jnp.zeros_like(dipoles)
    potential = potential.at[atom_is].add(contributions_is)
    if not FULL_NEIGHBOR_LIST:
        d_i = jnp.take(dipoles, atom_is, axis=0)
        contributions_js = d_i * scalar - jnp.einsum('ij,ijk->ik', d_i, tensor)
        potential = potential.at[atom_js].add(contributions_js)
    potential_sr = potential / 2
    return PREFACTOR * potential_sr

if __name__ == "__main__":
    import jax
    _d = setup_inputs()
    print(jax.jit(kernel)(*tuple(_d.values())))

</pallas_src>

<mosaic_0001>
#map = affine_map<(d0, d1) -> (0)>
module attributes {stable_mosaic.version = 14 : i64} {
  func.func @_edge_kernel(%arg0: i32, %arg1: i32, %arg2: memref<159744xf32, #tpu.memory_space<hbm>>, %arg3: memref<53248xf32, #tpu.memory_space<hbm>>, %arg4: memref<3200000xi32, #tpu.memory_space<hbm>>, %arg5: memref<4800000xf32, #tpu.memory_space<hbm>>, %arg6: memref<319488xf32, #tpu.memory_space<hbm>>, %arg7: memref<53248xf32, #tpu.memory_space<vmem_shared>>, %arg8: memref<53248xf32, #tpu.memory_space<vmem_shared>>, %arg9: memref<53248xf32, #tpu.memory_space<vmem_shared>>, %arg10: memref<53248xf32, #tpu.memory_space<vmem_shared>>, %arg11: memref<53248xf32, #tpu.memory_space<vmem_shared>>, %arg12: memref<53248xf32, #tpu.memory_space<vmem_shared>>, %arg13: memref<2048xi32, #tpu.memory_space<vmem>>, %arg14: memref<2048xi32, #tpu.memory_space<vmem>>, %arg15: memref<2048xi32, #tpu.memory_space<vmem>>, %arg16: memref<2048xi32, #tpu.memory_space<vmem>>, %arg17: memref<2048xi32, #tpu.memory_space<vmem>>, %arg18: memref<2048xi32, #tpu.memory_space<vmem>>, %arg19: memref<3072xf32, #tpu.memory_space<vmem>>, %arg20: memref<3072xf32, #tpu.memory_space<vmem>>, %arg21: memref<1024xf32, #tpu.memory_space<vmem>>, %arg22: memref<1024xf32, #tpu.memory_space<vmem>>, %arg23: memref<1024xf32, #tpu.memory_space<vmem>>, %arg24: memref<1024xf32, #tpu.memory_space<vmem>>, %arg25: memref<1024xf32, #tpu.memory_space<vmem>>, %arg26: memref<1024xf32, #tpu.memory_space<vmem>>, %arg27: memref<2048xf32, #tpu.memory_space<vmem>>, %arg28: memref<2048xf32, #tpu.memory_space<vmem>>, %arg29: memref<2048xf32, #tpu.memory_space<vmem>>, %arg30: memref<2048xf32, #tpu.memory_space<vmem>>, %arg31: memref<2048xf32, #tpu.memory_space<vmem>>, %arg32: memref<2048xf32, #tpu.memory_space<vmem>>, %arg33: memref<2048xf32, #tpu.memory_space<vmem>>, %arg34: memref<2048xf32, #tpu.memory_space<vmem>>, %arg35: memref<2048xf32, #tpu.memory_space<vmem>>, %arg36: memref<2048xf32, #tpu.memory_space<vmem>>, %arg37: memref<2048xf32, #tpu.memory_space<vmem>>, %arg38: memref<2048xf32, #tpu.memory_space<vmem>>, %arg39: memref<!tpu.dma_semaphore, #tpu.memory_space<semaphore_mem>>, %arg40: memref<!tpu.dma_semaphore, #tpu.memory_space<semaphore_mem>>, %arg41: memref<!tpu.dma_semaphore, #tpu.memory_space<semaphore_mem>>, %arg42: memref<!tpu.dma_semaphore, #tpu.memory_space<semaphore_mem>>, %arg43: memref<!tpu.dma_semaphore, #tpu.memory_space<semaphore_mem>>) attributes {dimension_semantics = [#tpu.dimension_semantics<core_parallel>, #tpu.dimension_semantics<subcore_parallel>], iteration_bounds = array<i64: 2, 16>, scalar_prefetch = 0 : i64, scratch_operands = 37 : i64, tpu.core_type = #tpu.core_type<sc_vector_subcore>, window_params = [{transform_indices = #map}, {transform_indices = #map}, {transform_indices = #map}, {transform_indices = #map}, {transform_indices = #map}]} {
    %mul3A = arith.constant 3328 : i32
    %mul3A_0 = arith.muli %arg1, %mul3A : i32
    %multiple_of3A = tpu.assume_multiple %mul3A_0, 128 : i32
    %add3A = arith.constant 0 : i32
    %add3A_1 = arith.addi %add3A, %multiple_of3A : i32
    %multiple_of3A_2 = tpu.assume_multiple %add3A_1, 128 : i32
    "tpu.region"() ({
      %run_scoped3A = tpu.sem_alloc : memref<!tpu.dma_semaphore, #tpu.memory_space<semaphore_mem>>
      %dma_start3A_286 = tpu.memref_slice %arg7[%multiple_of3A] : memref<53248xf32, #tpu.memory_space<vmem_shared>> -> memref<3328xf32, #tpu.memory_space<vmem_shared>>
      %dma_start3A_287 = tpu.memref_slice %arg2[%multiple_of3A_2] : memref<159744xf32, #tpu.memory_space<hbm>> -> memref<3328xf32, #tpu.memory_space<hbm>>
      tpu.enqueue_dma source(%dma_start3A_287 : memref<3328xf32, #tpu.memory_space<hbm>>) target(%dma_start3A_286 : memref<3328xf32, #tpu.memory_space<vmem_shared>>) target_semaphore(%run_scoped3A : memref<!tpu.dma_semaphore, #tpu.memory_space<semaphore_mem>>)
      %dma_wait3A_288 = tpu.memref_slice %arg7[%multiple_of3A] : memref<53248xf32, #tpu.memory_space<vmem_shared>> -> memref<3328xf32, #tpu.memory_space<vmem_shared>>
      %dma_wait3A_289 = tpu.memref_slice %arg2[%multiple_of3A_2] : memref<159744xf32, #tpu.memory_space<hbm>> -> memref<3328xf32, #tpu.memory_space<hbm>>
      tpu.wait_dma2 semaphore(%run_scoped3A : memref<!tpu.dma_semaphore, #tpu.memory_space<semaphore_mem>>) src(%dma_wait3A_289 : memref<3328xf32, #tpu.memory_space<hbm>>) dst(%dma_wait3A_288 : memref<3328xf32, #tpu.memory_space<vmem_shared>>)
      tpu.yield
    }) : () -> ()
    "tpu.region"() ({
      %run_scoped3A = tpu.sem_alloc : memref<!tpu.dma_semaphore, #tpu.memory_space<semaphore_mem>>
      %dma_start3A_286 = tpu.memref_slice %arg10[%multiple_of3A] : memref<53248xf32, #tpu.memory_space<vmem_shared>> -> memref<3328xf32, #tpu.memory_space<vmem_shared>>
      %dma_start3A_287 = tpu.memref_slice %arg3[%multiple_of3A] : memref<53248xf32, #tpu.memory_space<hbm>> -> memref<3328xf32, #tpu.memory_space<hbm>>
      tpu.enqueue_dma source(%dma_start3A_287 : memref<3328xf32, #tpu.memory_space<hbm>>) target(%dma_start3A_286 : memref<3328xf32, #tpu.memory_space<vmem_shared>>) target_semaphore(%run_scoped3A : memref<!tpu.dma_semaphore, #tpu.memory_space<semaphore_mem>>)
      %dma_wait3A_288 = tpu.memref_slice %arg10[%multiple_of3A] : memref<53248xf32, #tpu.memory_space<vmem_shared>> -> memref<3328xf32, #tpu.memory_space<vmem_shared>>
      %dma_wait3A_289 = tpu.memref_slice %arg3[%multiple_of3A] : memref<53248xf32, #tpu.memory_space<hbm>> -> memref<3328xf32, #tpu.memory_space<hbm>>
      tpu.wait_dma2 semaphore(%run_scoped3A : memref<!tpu.dma_semaphore, #tpu.memory_space<semaphore_mem>>) src(%dma_wait3A_289 : memref<3328xf32, #tpu.memory_space<hbm>>) dst(%dma_wait3A_288 : memref<3328xf32, #tpu.memory_space<vmem_shared>>)
      tpu.yield
    }) : () -> ()
    %add3A_3 = arith.constant 53248 : i32
    %add3A_4 = arith.addi %add3A_3, %multiple_of3A : i32
    %multiple_of3A_5 = tpu.assume_multiple %add3A_4, 128 : i32
    "tpu.region"() ({
      %run_scoped3A = tpu.sem_alloc : memref<!tpu.dma_semaphore, #tpu.memory_space<semaphore_mem>>
      %dma_start3A_286 = tpu.memref_slice %arg8[%multiple_of3A] : memref<53248xf32, #tpu.memory_space<vmem_shared>> -> memref<3328xf32, #tpu.memory_space<vmem_shared>>
      %dma_start3A_287 = tpu.memref_slice %arg2[%multiple_of3A_5] : memref<159744xf32, #tpu.memory_space<hbm>> -> memref<3328xf32, #tpu.memory_space<hbm>>
      tpu.enqueue_dma source(%dma_start3A_287 : memref<3328xf32, #tpu.memory_space<hbm>>) target(%dma_start3A_286 : memref<3328xf32, #tpu.memory_space<vmem_shared>>) target_semaphore(%run_scoped3A : memref<!tpu.dma_semaphore, #tpu.memory_space<semaphore_mem>>)
      %dma_wait3A_288 = tpu.memref_slice %arg8[%multiple_of3A] : memref<53248xf32, #tpu.memory_space<vmem_shared>> -> memref<3328xf32, #tpu.memory_space<vmem_shared>>
      %dma_wait3A_289 = tpu.memref_slice %arg2[%multiple_of3A_5] : memref<159744xf32, #tpu.memory_space<hbm>> -> memref<3328xf32, #tpu.memory_space<hbm>>
      tpu.wait_dma2 semaphore(%run_scoped3A : memref<!tpu.dma_semaphore, #tpu.memory_space<semaphore_mem>>) src(%dma_wait3A_289 : memref<3328xf32, #tpu.memory_space<hbm>>) dst(%dma_wait3A_288 : memref<3328xf32, #tpu.memory_space<vmem_shared>>)
      tpu.yield
    }) : () -> ()
    "tpu.region"() ({
      %run_scoped3A = tpu.sem_alloc : memref<!tpu.dma_semaphore, #tpu.memory_space<semaphore_mem>>
      %dma_start3A_286 = tpu.memref_slice %arg11[%multiple_of3A] : memref<53248xf32, #tpu.memory_space<vmem_shared>> -> memref<3328xf32, #tpu.memory_space<vmem_shared>>
      %dma_start3A_287 = tpu.memref_slice %arg3[%multiple_of3A] : memref<53248xf32, #tpu.memory_space<hbm>> -> memref<3328xf32, #tpu.memory_space<hbm>>
      tpu.enqueue_dma source(%dma_start3A_287 : memref<3328xf32, #tpu.memory_space<hbm>>) target(%dma_start3A_286 : memref<3328xf32, #tpu.memory_space<vmem_shared>>) target_semaphore(%run_scoped3A : memref<!tpu.dma_semaphore, #tpu.memory_space<semaphore_mem>>)
      %dma_wait3A_288 = tpu.memref_slice %arg11[%multiple_of3A] : memref<53248xf32, #tpu.memory_space<vmem_shared>> -> memref<3328xf32, #tpu.memory_space<vmem_shared>>
      %dma_wait3A_289 = tpu.memref_slice %arg3[%multiple_of3A] : memref<53248xf32, #tpu.memory_space<hbm>> -> memref<3328xf32, #tpu.memory_space<hbm>>
      tpu.wait_dma2 semaphore(%run_scoped3A : memref<!tpu.dma_semaphore, #tpu.memory_space<semaphore_mem>>) src(%dma_wait3A_289 : memref<3328xf32, #tpu.memory_space<hbm>>) dst(%dma_wait3A_288 : memref<3328xf32, #tpu.memory_space<vmem_shared>>)
      tpu.yield
    }) : () -> ()
    %add3A_6 = arith.constant 106496 : i32
    %add3A_7 = arith.addi %add3A_6, %multiple_of3A : i32
    %multiple_of3A_8 = tpu.assume_multiple %add3A_7, 128 : i32
    "tpu.region"() ({
      %run_scoped3A = tpu.sem_alloc : memref<!tpu.dma_semaphore, #tpu.memory_space<semaphore_mem>>
      %dma_start3A_286 = tpu.memref_slice %arg9[%multiple_of3A] : memref<53248xf32, #tpu.memory_space<vmem_shared>> -> memref<3328xf32, #tpu.memory_space<vmem_shared>>
      %dma_start3A_287 = tpu.memref_slice %arg2[%multiple_of3A_8] : memref<159744xf32, #tpu.memory_space<hbm>> -> memref<3328xf32, #tpu.memory_space<hbm>>
      tpu.enqueue_dma source(%dma_start3A_287 : memref<3328xf32, #tpu.memory_space<hbm>>) target(%dma_start3A_286 : memref<3328xf32, #tpu.memory_space<vmem_shared>>) target_semaphore(%run_scoped3A : memref<!tpu.dma_semaphore, #tpu.memory_space<semaphore_mem>>)
      %dma_wait3A_288 = tpu.memref_slice %arg9[%multiple_of3A] : memref<53248xf32, #tpu.memory_space<vmem_shared>> -> memref<3328xf32, #tpu.memory_space<vmem_shared>>
      %dma_wait3A_289 = tpu.memref_slice %arg2[%multiple_of3A_8] : memref<159744xf32, #tpu.memory_space<hbm>> -> memref<3328xf32, #tpu.memory_space<hbm>>
      tpu.wait_dma2 semaphore(%run_scoped3A : memref<!tpu.dma_semaphore, #tpu.memory_space<semaphore_mem>>) src(%dma_wait3A_289 : memref<3328xf32, #tpu.memory_space<hbm>>) dst(%dma_wait3A_288 : memref<3328xf32, #tpu.memory_space<vmem_shared>>)
      tpu.yield
    }) : () -> ()
    "tpu.region"() ({
      %run_scoped3A = tpu.sem_alloc : memref<!tpu.dma_semaphore, #tpu.memory_space<semaphore_mem>>
      %dma_start3A_286 = tpu.memref_slice %arg12[%multiple_of3A] : memref<53248xf32, #tpu.memory_space<vmem_shared>> -> memref<3328xf32, #tpu.memory_space<vmem_shared>>
      %dma_start3A_287 = tpu.memref_slice %arg3[%multiple_of3A] : memref<53248xf32, #tpu.memory_space<hbm>> -> memref<3328xf32, #tpu.memory_space<hbm>>
      tpu.enqueue_dma source(%dma_start3A_287 : memref<3328xf32, #tpu.memory_space<hbm>>) target(%dma_start3A_286 : memref<3328xf32, #tpu.memory_space<vmem_shared>>) target_semaphore(%run_scoped3A : memref<!tpu.dma_semaphore, #tpu.memory_space<semaphore_mem>>)
      %dma_wait3A_288 = tpu.memref_slice %arg12[%multiple_of3A] : memref<53248xf32, #tpu.memory_space<vmem_shared>> -> memref<3328xf32, #tpu.memory_space<vmem_shared>>
      %dma_wait3A_289 = tpu.memref_slice %arg3[%multiple_of3A] : memref<53248xf32, #tpu.memory_space<hbm>> -> memref<3328xf32, #tpu.memory_space<hbm>>
      tpu.wait_dma2 semaphore(%run_scoped3A : memref<!tpu.dma_semaphore, #tpu.memory_space<semaphore_mem>>) src(%dma_wait3A_289 : memref<3328xf32, #tpu.memory_space<hbm>>) dst(%dma_wait3A_288 : memref<3328xf32, #tpu.memory_space<vmem_shared>>)
      tpu.yield
    }) : () -> ()
    %barrier3A = arith.constant 0 : index
    tpu.barrier barrier_id(%barrier3A)
    %mul3A_9 = arith.constant 2 : i32
    %mul3A_10 = arith.muli %arg1, %mul3A_9 : i32
    %add3A_11 = arith.addi %mul3A_10, %arg0 : i32
    %mul3A_12 = arith.constant 1563 : i32
    %mul3A_13 = arith.muli %add3A_11, %mul3A_12 : i32
    %jit3A = arith.constant 32 : i32
    %div3A = arith.divsi %mul3A_13, %jit3A : i32
    %sign3A = arith.constant 0 : i32
    %sign3A_14 = arith.cmpi sgt, %mul3A_13, %sign3A : i32
    %sign3A_15 = arith.extui %sign3A_14 : i1 to i32
    %sign3A_16 = arith.constant 0 : i32
    %sign3A_17 = arith.cmpi slt, %mul3A_13, %sign3A_16 : i32
    %sign3A_18 = arith.extui %sign3A_17 : i1 to i32
    %sign3A_19 = arith.subi %sign3A_15, %sign3A_18 : i32
    %sign3A_20 = arith.constant 0 : i32
    %sign3A_21 = arith.cmpi sgt, %jit3A, %sign3A_20 : i32
    %sign3A_22 = arith.extui %sign3A_21 : i1 to i32
    %sign3A_23 = arith.constant 0 : i32
    %sign3A_24 = arith.cmpi slt, %jit3A, %sign3A_23 : i32
    %sign3A_25 = arith.extui %sign3A_24 : i1 to i32
    %sign3A_26 = arith.subi %sign3A_22, %sign3A_25 : i32
    %ne3A = arith.cmpi ne, %sign3A_19, %sign3A_26 : i32
    %rem3A = arith.remsi %mul3A_13, %jit3A : i32
    %ne3A_27 = arith.constant 0 : i32
    %ne3A_28 = arith.cmpi ne, %rem3A, %ne3A_27 : i32
    %and3A = arith.andi %ne3A, %ne3A_28 : i1
    %sub3A = arith.constant 1 : i32
    %sub3A_29 = arith.subi %div3A, %sub3A : i32
    %select_n3A = arith.select %and3A, %sub3A_29, %div3A : i32
    %add3A_30 = arith.constant 1 : i32
    %add3A_31 = arith.addi %add3A_11, %add3A_30 : i32
    %mul3A_32 = arith.constant 1563 : i32
    %mul3A_33 = arith.muli %add3A_31, %mul3A_32 : i32
    %jit3A_34 = arith.constant 32 : i32
    %div3A_35 = arith.divsi %mul3A_33, %jit3A_34 : i32
    %sign3A_36 = arith.constant 0 : i32
    %sign3A_37 = arith.cmpi sgt, %mul3A_33, %sign3A_36 : i32
    %sign3A_38 = arith.extui %sign3A_37 : i1 to i32
    %sign3A_39 = arith.constant 0 : i32
    %sign3A_40 = arith.cmpi slt, %mul3A_33, %sign3A_39 : i32
    %sign3A_41 = arith.extui %sign3A_40 : i1 to i32
    %sign3A_42 = arith.subi %sign3A_38, %sign3A_41 : i32
    %sign3A_43 = arith.constant 0 : i32
    %sign3A_44 = arith.cmpi sgt, %jit3A_34, %sign3A_43 : i32
    %sign3A_45 = arith.extui %sign3A_44 : i1 to i32
    %sign3A_46 = arith.constant 0 : i32
    %sign3A_47 = arith.cmpi slt, %jit3A_34, %sign3A_46 : i32
    %sign3A_48 = arith.extui %sign3A_47 : i1 to i32
    %sign3A_49 = arith.subi %sign3A_45, %sign3A_48 : i32
    %ne3A_50 = arith.cmpi ne, %sign3A_42, %sign3A_49 : i32
    %rem3A_51 = arith.remsi %mul3A_33, %jit3A_34 : i32
    %ne3A_52 = arith.constant 0 : i32
    %ne3A_53 = arith.cmpi ne, %rem3A_51, %ne3A_52 : i32
    %and3A_54 = arith.andi %ne3A_50, %ne3A_53 : i1
    %sub3A_55 = arith.constant 1 : i32
    %sub3A_56 = arith.subi %div3A_35, %sub3A_55 : i32
    %select_n3A_57 = arith.select %and3A_54, %sub3A_56, %div3A_35 : i32
    %iota3A = tpu.iota {dimensions = array<i32: 0>} : vector<16xi32>
    %mul3A_58 = arith.constant 2 : i32
    %mul3A_59 = vector.broadcast %mul3A_58 : i32 to vector<16xi32>
    %mul3A_60 = arith.muli %iota3A, %mul3A_59 : vector<16xi32>
    %jit3A_61 = arith.constant 16 : i32
    %eq3A = arith.constant 0 : i32
    %eq3A_62 = arith.cmpi eq, %jit3A_61, %eq3A : i32
    %jit3A_63 = arith.constant 1 : i32
    %select_n3A_64 = arith.select %eq3A_62, %jit3A_63, %jit3A_61 : i32
    %rem3A_65 = vector.broadcast %select_n3A_64 : i32 to vector<16xi32>
    %rem3A_66 = arith.remsi %mul3A_60, %rem3A_65 : vector<16xi32>
    %ne3A_67 = arith.constant 0 : i32
    %ne3A_68 = vector.broadcast %ne3A_67 : i32 to vector<16xi32>
    %ne3A_69 = arith.cmpi ne, %rem3A_66, %ne3A_68 : vector<16xi32>
    %lt3A = arith.constant 0 : i32
    %lt3A_70 = vector.broadcast %lt3A : i32 to vector<16xi32>
    %lt3A_71 = arith.cmpi slt, %rem3A_66, %lt3A_70 : vector<16xi32>
    %lt3A_72 = arith.constant 0 : i32
    %lt3A_73 = arith.cmpi slt, %select_n3A_64, %lt3A_72 : i32
    %ne3A_74 = vector.broadcast %lt3A_73 : i1 to vector<16xi1>
    %ne3A_75 = vector.broadcast %ne3A_74 : vector<16xi1> to vector<16xi1>
    %ne3A_76 = arith.xori %lt3A_71, %ne3A_75 : vector<16xi1>
    %and3A_77 = arith.andi %ne3A_76, %ne3A_69 : vector<16xi1>
    %add3A_78 = vector.broadcast %select_n3A_64 : i32 to vector<16xi32>
    %add3A_79 = arith.addi %rem3A_66, %add3A_78 : vector<16xi32>
    %select_n3A_80 = arith.select %and3A_77, %add3A_79, %rem3A_66 : vector<16xi1>, vector<16xi32>
    %add3A_81 = arith.constant 1 : i32
    %add3A_82 = vector.broadcast %add3A_81 : i32 to vector<16xi32>
    %add3A_83 = arith.addi %select_n3A_80, %add3A_82 : vector<16xi32>
    %lt3A_84 = arith.constant 8 : i32
    %lt3A_85 = vector.broadcast %lt3A_84 : i32 to vector<16xi32>
    %lt3A_86 = arith.cmpi slt, %iota3A, %lt3A_85 : vector<16xi32>
    %mul3A_87 = arith.constant 3 : i32
    %mul3A_88 = vector.broadcast %mul3A_87 : i32 to vector<16xi32>
    %mul3A_89 = arith.muli %iota3A, %mul3A_88 : vector<16xi32>
    %add3A_90 = arith.constant 0 : i32
    %add3A_91 = vector.broadcast %add3A_90 : i32 to vector<16xi32>
    %add3A_92 = arith.addi %mul3A_89, %add3A_91 : vector<16xi32>
    %jit3A_93 = arith.constant 16 : i32
    %eq3A_94 = arith.constant 0 : i32
    %eq3A_95 = arith.cmpi eq, %jit3A_93, %eq3A_94 : i32
    %jit3A_96 = arith.constant 1 : i32
    %select_n3A_97 = arith.select %eq3A_95, %jit3A_96, %jit3A_93 : i32
    %rem3A_98 = vector.broadcast %select_n3A_97 : i32 to vector<16xi32>
    %rem3A_99 = arith.remsi %add3A_92, %rem3A_98 : vector<16xi32>
    %ne3A_100 = arith.constant 0 : i32
    %ne3A_101 = vector.broadcast %ne3A_100 : i32 to vector<16xi32>
    %ne3A_102 = arith.cmpi ne, %rem3A_99, %ne3A_101 : vector<16xi32>
    %lt3A_103 = arith.constant 0 : i32
    %lt3A_104 = vector.broadcast %lt3A_103 : i32 to vector<16xi32>
    %lt3A_105 = arith.cmpi slt, %rem3A_99, %lt3A_104 : vector<16xi32>
    %lt3A_106 = arith.constant 0 : i32
    %lt3A_107 = arith.cmpi slt, %select_n3A_97, %lt3A_106 : i32
    %ne3A_108 = vector.broadcast %lt3A_107 : i1 to vector<16xi1>
    %ne3A_109 = vector.broadcast %ne3A_108 : vector<16xi1> to vector<16xi1>
    %ne3A_110 = arith.xori %lt3A_105, %ne3A_109 : vector<16xi1>
    %and3A_111 = arith.andi %ne3A_110, %ne3A_102 : vector<16xi1>
    %add3A_112 = vector.broadcast %select_n3A_97 : i32 to vector<16xi32>
    %add3A_113 = arith.addi %rem3A_99, %add3A_112 : vector<16xi32>
    %select_n3A_114 = arith.select %and3A_111, %add3A_113, %rem3A_99 : vector<16xi1>, vector<16xi32>
    %mul3A_115 = arith.constant 3 : i32
    %mul3A_116 = vector.broadcast %mul3A_115 : i32 to vector<16xi32>
    %mul3A_117 = arith.muli %iota3A, %mul3A_116 : vector<16xi32>
    %add3A_118 = arith.constant 1 : i32
    %add3A_119 = vector.broadcast %add3A_118 : i32 to vector<16xi32>
    %add3A_120 = arith.addi %mul3A_117, %add3A_119 : vector<16xi32>
    %jit3A_121 = arith.constant 16 : i32
    %eq3A_122 = arith.constant 0 : i32
    %eq3A_123 = arith.cmpi eq, %jit3A_121, %eq3A_122 : i32
    %jit3A_124 = arith.constant 1 : i32
    %select_n3A_125 = arith.select %eq3A_123, %jit3A_124, %jit3A_121 : i32
    %rem3A_126 = vector.broadcast %select_n3A_125 : i32 to vector<16xi32>
    %rem3A_127 = arith.remsi %add3A_120, %rem3A_126 : vector<16xi32>
    %ne3A_128 = arith.constant 0 : i32
    %ne3A_129 = vector.broadcast %ne3A_128 : i32 to vector<16xi32>
    %ne3A_130 = arith.cmpi ne, %rem3A_127, %ne3A_129 : vector<16xi32>
    %lt3A_131 = arith.constant 0 : i32
    %lt3A_132 = vector.broadcast %lt3A_131 : i32 to vector<16xi32>
    %lt3A_133 = arith.cmpi slt, %rem3A_127, %lt3A_132 : vector<16xi32>
    %lt3A_134 = arith.constant 0 : i32
    %lt3A_135 = arith.cmpi slt, %select_n3A_125, %lt3A_134 : i32
    %ne3A_136 = vector.broadcast %lt3A_135 : i1 to vector<16xi1>
    %ne3A_137 = vector.broadcast %ne3A_136 : vector<16xi1> to vector<16xi1>
    %ne3A_138 = arith.xori %lt3A_133, %ne3A_137 : vector<16xi1>
    %and3A_139 = arith.andi %ne3A_138, %ne3A_130 : vector<16xi1>
    %add3A_140 = vector.broadcast %select_n3A_125 : i32 to vector<16xi32>
    %add3A_141 = arith.addi %rem3A_127, %add3A_140 : vector<16xi32>
    %select_n3A_142 = arith.select %and3A_139, %add3A_141, %rem3A_127 : vector<16xi1>, vector<16xi32>
    %mul3A_143 = arith.constant 3 : i32
    %mul3A_144 = vector.broadcast %mul3A_143 : i32 to vector<16xi32>
    %mul3A_145 = arith.muli %iota3A, %mul3A_144 : vector<16xi32>
    %add3A_146 = arith.constant 2 : i32
    %add3A_147 = vector.broadcast %add3A_146 : i32 to vector<16xi32>
    %add3A_148 = arith.addi %mul3A_145, %add3A_147 : vector<16xi32>
    %jit3A_149 = arith.constant 16 : i32
    %eq3A_150 = arith.constant 0 : i32
    %eq3A_151 = arith.cmpi eq, %jit3A_149, %eq3A_150 : i32
    %jit3A_152 = arith.constant 1 : i32
    %select_n3A_153 = arith.select %eq3A_151, %jit3A_152, %jit3A_149 : i32
    %rem3A_154 = vector.broadcast %select_n3A_153 : i32 to vector<16xi32>
    %rem3A_155 = arith.remsi %add3A_148, %rem3A_154 : vector<16xi32>
    %ne3A_156 = arith.constant 0 : i32
    %ne3A_157 = vector.broadcast %ne3A_156 : i32 to vector<16xi32>
    %ne3A_158 = arith.cmpi ne, %rem3A_155, %ne3A_157 : vector<16xi32>
    %lt3A_159 = arith.constant 0 : i32
    %lt3A_160 = vector.broadcast %lt3A_159 : i32 to vector<16xi32>
    %lt3A_161 = arith.cmpi slt, %rem3A_155, %lt3A_160 : vector<16xi32>
    %lt3A_162 = arith.constant 0 : i32
    %lt3A_163 = arith.cmpi slt, %select_n3A_153, %lt3A_162 : i32
    %ne3A_164 = vector.broadcast %lt3A_163 : i1 to vector<16xi1>
    %ne3A_165 = vector.broadcast %ne3A_164 : vector<16xi1> to vector<16xi1>
    %ne3A_166 = arith.xori %lt3A_161, %ne3A_165 : vector<16xi1>
    %and3A_167 = arith.andi %ne3A_166, %ne3A_158 : vector<16xi1>
    %add3A_168 = vector.broadcast %select_n3A_153 : i32 to vector<16xi32>
    %add3A_169 = arith.addi %rem3A_155, %add3A_168 : vector<16xi32>
    %select_n3A_170 = arith.select %and3A_167, %add3A_169, %rem3A_155 : vector<16xi1>, vector<16xi32>
    %ge3A = arith.constant 1562 : i32
    %ge3A_171 = arith.cmpi sge, %select_n3A, %ge3A : i32
    %mul3A_172 = arith.constant 1024 : i32
    %mul3A_173 = arith.muli %select_n3A, %mul3A_172 : i32
    %jit3A_174 = arith.constant 1598976 : i32
    %select_n3A_175 = arith.select %ge3A_171, %jit3A_174, %mul3A_173 : i32
    %multiple_of3A_176 = tpu.assume_multiple %select_n3A_175, 128 : i32
    %mul3A_177 = arith.constant 2 : i32
    %mul3A_178 = arith.muli %multiple_of3A_176, %mul3A_177 : i32
    %multiple_of3A_179 = tpu.assume_multiple %mul3A_178, 128 : i32
    %dma_start3A = tpu.memref_slice %arg4[%multiple_of3A_179] : memref<3200000xi32, #tpu.memory_space<hbm>> -> memref<2048xi32, #tpu.memory_space<hbm>>
    %dma_start3A_180 = tpu.memref_slice %arg4[%multiple_of3A_179] : memref<3200000xi32, #tpu.memory_space<hbm>> -> memref<2048xi32, #tpu.memory_space<hbm>>
    tpu.enqueue_dma source(%dma_start3A_180 : memref<2048xi32, #tpu.memory_space<hbm>>) target(%arg13 : memref<2048xi32, #tpu.memory_space<vmem>>) target_semaphore(%arg43 : memref<!tpu.dma_semaphore, #tpu.memory_space<semaphore_mem>>)
    %mul3A_181 = arith.constant 3 : i32
    %mul3A_182 = arith.muli %multiple_of3A_176, %mul3A_181 : i32
    %multiple_of3A_183 = tpu.assume_multiple %mul3A_182, 128 : i32
    %dma_start3A_184 = tpu.memref_slice %arg5[%multiple_of3A_183] : memref<4800000xf32, #tpu.memory_space<hbm>> -> memref<3072xf32, #tpu.memory_space<hbm>>
    %dma_start3A_185 = tpu.memref_slice %arg5[%multiple_of3A_183] : memref<4800000xf32, #tpu.memory_space<hbm>> -> memref<3072xf32, #tpu.memory_space<hbm>>
    tpu.enqueue_dma source(%dma_start3A_185 : memref<3072xf32, #tpu.memory_space<hbm>>) target(%arg19 : memref<3072xf32, #tpu.memory_space<vmem>>) target_semaphore(%arg43 : memref<!tpu.dma_semaphore, #tpu.memory_space<semaphore_mem>>)
    %ge3A_186 = arith.constant 1562 : i32
    %ge3A_187 = arith.cmpi sge, %select_n3A, %ge3A_186 : i32
    %mul3A_188 = arith.constant 1024 : i32
    %mul3A_189 = arith.muli %select_n3A, %mul3A_188 : i32
    %jit3A_190 = arith.constant 1598976 : i32
    %select_n3A_191 = arith.select %ge3A_187, %jit3A_190, %mul3A_189 : i32
    %multiple_of3A_192 = tpu.assume_multiple %select_n3A_191, 128 : i32
    %mul3A_193 = arith.constant 2 : i32
    %mul3A_194 = arith.muli %multiple_of3A_192, %mul3A_193 : i32
    %multiple_of3A_195 = tpu.assume_multiple %mul3A_194, 128 : i32
    %dma_wait3A = tpu.memref_slice %arg4[%multiple_of3A_195] : memref<3200000xi32, #tpu.memory_space<hbm>> -> memref<2048xi32, #tpu.memory_space<hbm>>
    %dma_wait3A_196 = tpu.memref_slice %arg4[%multiple_of3A_195] : memref<3200000xi32, #tpu.memory_space<hbm>> -> memref<2048xi32, #tpu.memory_space<hbm>>
    tpu.wait_dma2 semaphore(%arg43 : memref<!tpu.dma_semaphore, #tpu.memory_space<semaphore_mem>>) src(%dma_wait3A_196 : memref<2048xi32, #tpu.memory_space<hbm>>) dst(%arg13 : memref<2048xi32, #tpu.memory_space<vmem>>)
    %mul3A_197 = arith.constant 3 : i32
    %mul3A_198 = arith.muli %multiple_of3A_192, %mul3A_197 : i32
    %multiple_of3A_199 = tpu.assume_multiple %mul3A_198, 128 : i32
    %dma_wait3A_200 = tpu.memref_slice %arg5[%multiple_of3A_199] : memref<4800000xf32, #tpu.memory_space<hbm>> -> memref<3072xf32, #tpu.memory_space<hbm>>
    %dma_wait3A_201 = tpu.memref_slice %arg5[%multiple_of3A_199] : memref<4800000xf32, #tpu.memory_space<hbm>> -> memref<3072xf32, #tpu.memory_space<hbm>>
    tpu.wait_dma2 semaphore(%arg43 : memref<!tpu.dma_semaphore, #tpu.memory_space<semaphore_mem>>) src(%dma_wait3A_201 : memref<3072xf32, #tpu.memory_space<hbm>>) dst(%arg19 : memref<3072xf32, #tpu.memory_space<vmem>>)
    %scan3A = arith.constant 0 : i32
    %scan3A_202 = arith.constant 0 : i32
    %scan3A_203 = arith.constant 64 : i32
    %scan3A_204 = arith.addi %scan3A_202, %scan3A_203 : i32
    %scan3A_205 = arith.constant 1 : i32
    scf.for %scan3A_286 = %scan3A_202 to %scan3A_204 step %scan3A_205  : i32 {
      %mul3A_287 = arith.constant 2 : i32
      %mul3A_288 = arith.muli %scan3A_286, %mul3A_287 : i32
      %mul3A_289 = arith.constant 16 : i32
      %mul3A_290 = arith.muli %mul3A_288, %mul3A_289 : i32
      %get3A = arith.index_cast %mul3A_290 : i32 to index
      %get3A_291 = tpu.vector_load %arg13[%get3A] {strides = array<i32>} : memref<2048xi32, #tpu.memory_space<vmem>>, vector<16xi32>,
      %mul3A_292 = arith.constant 2 : i32
      %mul3A_293 = arith.muli %scan3A_286, %mul3A_292 : i32
      %mul3A_294 = arith.constant 16 : i32
      %mul3A_295 = arith.muli %mul3A_293, %mul3A_294 : i32
      %add3A_296 = arith.constant 16 : i32
      %add3A_297 = arith.addi %mul3A_295, %add3A_296 : i32
      %get3A_298 = arith.index_cast %add3A_297 : i32 to index
      %get3A_299 = tpu.vector_load %arg13[%get3A_298] {strides = array<i32>} : memref<2048xi32, #tpu.memory_space<vmem>>, vector<16xi32>,
      %broadcast_in_dim3A = vector.shape_cast %select_n3A_80 : vector<16xi32> to vector<16x1xi32>
      %gather3A = vector.shape_cast %broadcast_in_dim3A : vector<16x1xi32> to vector<16xi32>
      %gather3A_300 = tpu.dynamic_gather %get3A_291[%gather3A] in [0] : vector<16xi32>, vector<16xi32> -> vector<16xi32>
      %broadcast_in_dim3A_301 = vector.shape_cast %select_n3A_80 : vector<16xi32> to vector<16x1xi32>
      %gather3A_302 = vector.shape_cast %broadcast_in_dim3A_301 : vector<16x1xi32> to vector<16xi32>
      %gather3A_303 = tpu.dynamic_gather %get3A_299[%gather3A_302] in [0] : vector<16xi32>, vector<16xi32> -> vector<16xi32>
      %select_n3A_304 = arith.select %lt3A_86, %gather3A_300, %gather3A_303 : vector<16xi1>, vector<16xi32>
      %mul3A_305 = arith.constant 16 : i32
      %mul3A_306 = arith.muli %scan3A_286, %mul3A_305 : i32
      %swap3A = arith.index_cast %mul3A_306 : i32 to index
      %swap3A_307 = tpu.vector_load %arg15[%swap3A] {strides = array<i32>} : memref<2048xi32, #tpu.memory_space<vmem>>, vector<16xi32>,
      tpu.vector_store %arg15[%swap3A], %select_n3A_304 {strides = array<i32>} : memref<2048xi32, #tpu.memory_space<vmem>>, vector<16xi32>,
      %broadcast_in_dim3A_308 = vector.shape_cast %add3A_83 : vector<16xi32> to vector<16x1xi32>
      %gather3A_309 = vector.shape_cast %broadcast_in_dim3A_308 : vector<16x1xi32> to vector<16xi32>
      %gather3A_310 = tpu.dynamic_gather %get3A_291[%gather3A_309] in [0] : vector<16xi32>, vector<16xi32> -> vector<16xi32>
      %broadcast_in_dim3A_311 = vector.shape_cast %add3A_83 : vector<16xi32> to vector<16x1xi32>
      %gather3A_312 = vector.shape_cast %broadcast_in_dim3A_311 : vector<16x1xi32> to vector<16xi32>
      %gather3A_313 = tpu.dynamic_gather %get3A_299[%gather3A_312] in [0] : vector<16xi32>, vector<16xi32> -> vector<16xi32>
      %select_n3A_314 = arith.select %lt3A_86, %gather3A_310, %gather3A_313 : vector<16xi1>, vector<16xi32>
      %mul3A_315 = arith.constant 16 : i32
      %mul3A_316 = arith.muli %scan3A_286, %mul3A_315 : i32
      %add3A_317 = arith.constant 1024 : i32
      %add3A_318 = arith.addi %add3A_317, %mul3A_316 : i32
      %swap3A_319 = arith.index_cast %add3A_318 : i32 to index
      %swap3A_320 = tpu.vector_load %arg15[%swap3A_319] {strides = array<i32>} : memref<2048xi32, #tpu.memory_space<vmem>>, vector<16xi32>,
      tpu.vector_store %arg15[%swap3A_319], %select_n3A_314 {strides = array<i32>} : memref<2048xi32, #tpu.memory_space<vmem>>, vector<16xi32>,
    }
    %scan3A_206 = arith.constant 64 : i32
    %dma_start3A_207 = arith.constant 0 : i32
    %dma_start3A_208 = tpu.memref_slice %arg7[%dma_start3A_207] : memref<53248xf32, #tpu.memory_space<vmem_shared>> -> memref<53248xf32, #tpu.memory_space<vmem_shared>>
    tpu.enqueue_indirect_dma source(%dma_start3A_208 : memref<53248xf32, #tpu.memory_space<vmem_shared>>) target(%arg27 : memref<2048xf32, #tpu.memory_space<vmem>>) offsets(%arg15 : memref<2048xi32, #tpu.memory_space<vmem>>) semaphore(%arg39 : memref<!tpu.dma_semaphore, #tpu.memory_space<semaphore_mem>>)
    %dma_start3A_209 = arith.constant 0 : i32
    %dma_start3A_210 = tpu.memref_slice %arg8[%dma_start3A_209] : memref<53248xf32, #tpu.memory_space<vmem_shared>> -> memref<53248xf32, #tpu.memory_space<vmem_shared>>
    tpu.enqueue_indirect_dma source(%dma_start3A_210 : memref<53248xf32, #tpu.memory_space<vmem_shared>>) target(%arg29 : memref<2048xf32, #tpu.memory_space<vmem>>) offsets(%arg15 : memref<2048xi32, #tpu.memory_space<vmem>>) semaphore(%arg39 : memref<!tpu.dma_semaphore, #tpu.memory_space<semaphore_mem>>)
    %dma_start3A_211 = arith.constant 0 : i32
    %dma_start3A_212 = tpu.memref_slice %arg9[%dma_start3A_211] : memref<53248xf32, #tpu.memory_space<vmem_shared>> -> memref<53248xf32, #tpu.memory_space<vmem_shared>>
    tpu.enqueue_indirect_dma source(%dma_start3A_212 : memref<53248xf32, #tpu.memory_space<vmem_shared>>) target(%arg31 : memref<2048xf32, #tpu.memory_space<vmem>>) offsets(%arg15 : memref<2048xi32, #tpu.memory_space<vmem>>) semaphore(%arg39 : memref<!tpu.dma_semaphore, #tpu.memory_space<semaphore_mem>>)
    %sub3A_213 = arith.subi %select_n3A_57, %select_n3A : i32
    %add3A_214 = arith.constant 1 : i32
    %add3A_215 = arith.addi %sub3A_213, %add3A_214 : i32
    %jit3A_216 = arith.constant 2 : i32
    %div3A_217 = arith.divsi %add3A_215, %jit3A_216 : i32
    %sign3A_218 = arith.constant 0 : i32
    %sign3A_219 = arith.cmpi sgt, %add3A_215, %sign3A_218 : i32
    %sign3A_220 = arith.extui %sign3A_219 : i1 to i32
    %sign3A_221 = arith.constant 0 : i32
    %sign3A_222 = arith.cmpi slt, %add3A_215, %sign3A_221 : i32
    %sign3A_223 = arith.extui %sign3A_222 : i1 to i32
    %sign3A_224 = arith.subi %sign3A_220, %sign3A_223 : i32
    %sign3A_225 = arith.constant 0 : i32
    %sign3A_226 = arith.cmpi sgt, %jit3A_216, %sign3A_225 : i32
    %sign3A_227 = arith.extui %sign3A_226 : i1 to i32
    %sign3A_228 = arith.constant 0 : i32
    %sign3A_229 = arith.cmpi slt, %jit3A_216, %sign3A_228 : i32
    %sign3A_230 = arith.extui %sign3A_229 : i1 to i32
    %sign3A_231 = arith.subi %sign3A_227, %sign3A_230 : i32
    %ne3A_232 = arith.cmpi ne, %sign3A_224, %sign3A_231 : i32
    %rem3A_233 = arith.remsi %add3A_215, %jit3A_216 : i32
    %ne3A_234 = arith.constant 0 : i32
    %ne3A_235 = arith.cmpi ne, %rem3A_233, %ne3A_234 : i32
    %and3A_236 = arith.andi %ne3A_232, %ne3A_235 : i1
    %sub3A_237 = arith.constant 1 : i32
    %sub3A_238 = arith.subi %div3A_217, %sub3A_237 : i32
    %select_n3A_239 = arith.select %and3A_236, %sub3A_238, %div3A_217 : i32
    %while3A = arith.constant 0 : i32
    %while3A_240 = arith.constant 0 : i32
    %while3A_241 = arith.subi %select_n3A_239, %while3A_240 : i32
    %while3A_242 = arith.addi %while3A_240, %while3A_241 : i32
    %while3A_243 = arith.constant 1 : i32
    %while3A_244 = arith.divsi %while3A_241, %while3A_243 : i32
    %while3A_245 = arith.muli %while3A_244, %while3A_243 : i32
    %while3A_246 = arith.addi %while3A_240, %while3A_245 : i32
    %while3A_247 = arith.constant 1 : i32
    scf.for %while3A_286 = %while3A_240 to %while3A_246 step %while3A_247  : i32 {
      %mul3A_287 = arith.constant 2 : i32
      %mul3A_288 = arith.muli %mul3A_287, %while3A_286 : i32
      %add3A_289 = arith.addi %select_n3A, %mul3A_288 : i32
      %add3A_290 = arith.constant 0 : i32
      %add3A_291 = arith.addi %add3A_289, %add3A_290 : i32
      %dma_wait3A_292 = arith.constant 0 : i32
      %dma_wait3A_293 = tpu.memref_slice %arg7[%dma_wait3A_292] : memref<53248xf32, #tpu.memory_space<vmem_shared>> -> memref<53248xf32, #tpu.memory_space<vmem_shared>>
      tpu.wait_indirect_dma semaphore(%arg39 : memref<!tpu.dma_semaphore, #tpu.memory_space<semaphore_mem>>) src(%dma_wait3A_293 : memref<53248xf32, #tpu.memory_space<vmem_shared>>) dst(%arg27 : memref<2048xf32, #tpu.memory_space<vmem>>)
      %dma_wait3A_294 = arith.constant 0 : i32
      %dma_wait3A_295 = tpu.memref_slice %arg8[%dma_wait3A_294] : memref<53248xf32, #tpu.memory_space<vmem_shared>> -> memref<53248xf32, #tpu.memory_space<vmem_shared>>
      tpu.wait_indirect_dma semaphore(%arg39 : memref<!tpu.dma_semaphore, #tpu.memory_space<semaphore_mem>>) src(%dma_wait3A_295 : memref<53248xf32, #tpu.memory_space<vmem_shared>>) dst(%arg29 : memref<2048xf32, #tpu.memory_space<vmem>>)
      %dma_wait3A_296 = arith.constant 0 : i32
      %dma_wait3A_297 = tpu.memref_slice %arg9[%dma_wait3A_296] : memref<53248xf32, #tpu.memory_space<vmem_shared>> -> memref<53248xf32, #tpu.memory_space<vmem_shared>>
      tpu.wait_indirect_dma semaphore(%arg39 : memref<!tpu.dma_semaphore, #tpu.memory_space<semaphore_mem>>) src(%dma_wait3A_297 : memref<53248xf32, #tpu.memory_space<vmem_shared>>) dst(%arg31 : memref<2048xf32, #tpu.memory_space<vmem>>)
      %scan3A_298 = arith.constant 0 : i32
      %scan3A_299 = arith.constant 0 : i32
      %scan3A_300 = arith.constant 128 : i32
      %scan3A_301 = arith.addi %scan3A_299, %scan3A_300 : i32
      %scan3A_302 = arith.constant 1 : i32
      scf.for %scan3A_485 = %scan3A_299 to %scan3A_301 step %scan3A_302  : i32 {
        %mul3A_486 = arith.constant 16 : i32
        %mul3A_487 = arith.muli %scan3A_485, %mul3A_486 : i32
        %get3A = arith.index_cast %mul3A_487 : i32 to index
        %get3A_488 = tpu.vector_load %arg15[%get3A] {strides = array<i32>} : memref<2048xi32, #tpu.memory_space<vmem>>, vector<16xi32>,
        %swap3A = arith.index_cast %mul3A_487 : i32 to index
        %swap3A_489 = tpu.vector_load %arg17[%swap3A] {strides = array<i32>} : memref<2048xi32, #tpu.memory_space<vmem>>, vector<16xi32>,
        tpu.vector_store %arg17[%swap3A], %get3A_488 {strides = array<i32>} : memref<2048xi32, #tpu.memory_space<vmem>>, vector<16xi32>,
      }
      %scan3A_303 = arith.constant 128 : i32
      %add3A_304 = arith.constant 1 : i32
      %add3A_305 = arith.addi %add3A_291, %add3A_304 : i32
      %ge3A_306 = arith.constant 1562 : i32
      %ge3A_307 = arith.cmpi sge, %add3A_305, %ge3A_306 : i32
      %mul3A_308 = arith.constant 1024 : i32
      %mul3A_309 = arith.muli %add3A_305, %mul3A_308 : i32
      %jit3A_310 = arith.constant 1598976 : i32
      %select_n3A_311 = arith.select %ge3A_307, %jit3A_310, %mul3A_309 : i32
      %multiple_of3A_312 = tpu.assume_multiple %select_n3A_311, 128 : i32
      %mul3A_313 = arith.constant 2 : i32
      %mul3A_314 = arith.muli %multiple_of3A_312, %mul3A_313 : i32
      %multiple_of3A_315 = tpu.assume_multiple %mul3A_314, 128 : i32
      %dma_start3A_316 = tpu.memref_slice %arg4[%multiple_of3A_315] : memref<3200000xi32, #tpu.memory_space<hbm>> -> memref<2048xi32, #tpu.memory_space<hbm>>
      %dma_start3A_317 = tpu.memref_slice %arg4[%multiple_of3A_315] : memref<3200000xi32, #tpu.memory_space<hbm>> -> memref<2048xi32, #tpu.memory_space<hbm>>
      tpu.enqueue_dma source(%dma_start3A_317 : memref<2048xi32, #tpu.memory_space<hbm>>) target(%arg14 : memref<2048xi32, #tpu.memory_space<vmem>>) target_semaphore(%arg43 : memref<!tpu.dma_semaphore, #tpu.memory_space<semaphore_mem>>)
      %mul3A_318 = arith.constant 3 : i32
      %mul3A_319 = arith.muli %multiple_of3A_312, %mul3A_318 : i32
      %multiple_of3A_320 = tpu.assume_multiple %mul3A_319, 128 : i32
      %dma_start3A_321 = tpu.memref_slice %arg5[%multiple_of3A_320] : memref<4800000xf32, #tpu.memory_space<hbm>> -> memref<3072xf32, #tpu.memory_space<hbm>>
      %dma_start3A_322 = tpu.memref_slice %arg5[%multiple_of3A_320] : memref<4800000xf32, #tpu.memory_space<hbm>> -> memref<3072xf32, #tpu.memory_space<hbm>>
      tpu.enqueue_dma source(%dma_start3A_322 : memref<3072xf32, #tpu.memory_space<hbm>>) target(%arg20 : memref<3072xf32, #tpu.memory_space<vmem>>) target_semaphore(%arg43 : memref<!tpu.dma_semaphore, #tpu.memory_space<semaphore_mem>>)
      %scan3A_323 = arith.constant 0 : i32
      %scan3A_324 = arith.constant 0 : i32
      %scan3A_325 = arith.constant 64 : i32
      %scan3A_326 = arith.addi %scan3A_324, %scan3A_325 : i32
      %scan3A_327 = arith.constant 1 : i32
      scf.for %scan3A_485 = %scan3A_324 to %scan3A_326 step %scan3A_327  : i32 {
        %mul3A_486 = arith.constant 3 : i32
        %mul3A_487 = arith.muli %scan3A_485, %mul3A_486 : i32
        %mul3A_488 = arith.constant 16 : i32
        %mul3A_489 = arith.muli %mul3A_487, %mul3A_488 : i32
        %get3A = arith.index_cast %mul3A_489 : i32 to index
        %get3A_490 = tpu.vector_load %arg19[%get3A] {strides = array<i32>} : memref<3072xf32, #tpu.memory_space<vmem>>, vector<16xf32>,
        %mul3A_491 = arith.constant 3 : i32
        %mul3A_492 = arith.muli %scan3A_485, %mul3A_491 : i32
        %mul3A_493 = arith.constant 16 : i32
        %mul3A_494 = arith.muli %mul3A_492, %mul3A_493 : i32
        %add3A_495 = arith.constant 16 : i32
        %add3A_496 = arith.addi %mul3A_494, %add3A_495 : i32
        %get3A_497 = arith.index_cast %add3A_496 : i32 to index
        %get3A_498 = tpu.vector_load %arg19[%get3A_497] {strides = array<i32>} : memref<3072xf32, #tpu.memory_space<vmem>>, vector<16xf32>,
        %mul3A_499 = arith.constant 3 : i32
        %mul3A_500 = arith.muli %scan3A_485, %mul3A_499 : i32
        %mul3A_501 = arith.constant 16 : i32
        %mul3A_502 = arith.muli %mul3A_500, %mul3A_501 : i32
        %add3A_503 = arith.constant 32 : i32
        %add3A_504 = arith.addi %mul3A_502, %add3A_503 : i32
        %get3A_505 = arith.index_cast %add3A_504 : i32 to index
        %get3A_506 = tpu.vector_load %arg19[%get3A_505] {strides = array<i32>} : memref<3072xf32, #tpu.memory_space<vmem>>, vector<16xf32>,
        %mul3A_507 = arith.constant 16 : i32
        %mul3A_508 = arith.muli %scan3A_485, %mul3A_507 : i32
        %broadcast_in_dim3A = vector.shape_cast %select_n3A_114 : vector<16xi32> to vector<16x1xi32>
        %gather3A = vector.shape_cast %broadcast_in_dim3A : vector<16x1xi32> to vector<16xi32>
        %gather3A_509 = tpu.dynamic_gather %get3A_490[%gather3A] in [0] : vector<16xf32>, vector<16xi32> -> vector<16xf32>
        %broadcast_in_dim3A_510 = vector.shape_cast %select_n3A_114 : vector<16xi32> to vector<16x1xi32>
        %gather3A_511 = vector.shape_cast %broadcast_in_dim3A_510 : vector<16x1xi32> to vector<16xi32>
        %gather3A_512 = tpu.dynamic_gather %get3A_498[%gather3A_511] in [0] : vector<16xf32>, vector<16xi32> -> vector<16xf32>
        %broadcast_in_dim3A_513 = vector.shape_cast %select_n3A_114 : vector<16xi32> to vector<16x1xi32>
        %gather3A_514 = vector.shape_cast %broadcast_in_dim3A_513 : vector<16x1xi32> to vector<16xi32>
        %gather3A_515 = tpu.dynamic_gather %get3A_506[%gather3A_514] in [0] : vector<16xf32>, vector<16xi32> -> vector<16xf32>
        %lt3A_516 = arith.constant 6 : i32
        %lt3A_517 = vector.broadcast %lt3A_516 : i32 to vector<16xi32>
        %lt3A_518 = arith.cmpi slt, %iota3A, %lt3A_517 : vector<16xi32>
        %lt3A_519 = arith.constant 11 : i32
        %lt3A_520 = vector.broadcast %lt3A_519 : i32 to vector<16xi32>
        %lt3A_521 = arith.cmpi slt, %iota3A, %lt3A_520 : vector<16xi32>
        %select_n3A_522 = arith.select %lt3A_521, %gather3A_512, %gather3A_515 : vector<16xi1>, vector<16xf32>
        %select_n3A_523 = arith.select %lt3A_518, %gather3A_509, %select_n3A_522 : vector<16xi1>, vector<16xf32>
        %swap3A = arith.index_cast %mul3A_508 : i32 to index
        %swap3A_524 = tpu.vector_load %arg21[%swap3A] {strides = array<i32>} : memref<1024xf32, #tpu.memory_space<vmem>>, vector<16xf32>,
        tpu.vector_store %arg21[%swap3A], %select_n3A_523 {strides = array<i32>} : memref<1024xf32, #tpu.memory_space<vmem>>, vector<16xf32>,
        %broadcast_in_dim3A_525 = vector.shape_cast %select_n3A_142 : vector<16xi32> to vector<16x1xi32>
        %gather3A_526 = vector.shape_cast %broadcast_in_dim3A_525 : vector<16x1xi32> to vector<16xi32>
        %gather3A_527 = tpu.dynamic_gather %get3A_490[%gather3A_526] in [0] : vector<16xf32>, vector<16xi32> -> vector<16xf32>
        %broadcast_in_dim3A_528 = vector.shape_cast %select_n3A_142 : vector<16xi32> to vector<16x1xi32>
        %gather3A_529 = vector.shape_cast %broadcast_in_dim3A_528 : vector<16x1xi32> to vector<16xi32>
        %gather3A_530 = tpu.dynamic_gather %get3A_498[%gather3A_529] in [0] : vector<16xf32>, vector<16xi32> -> vector<16xf32>
        %broadcast_in_dim3A_531 = vector.shape_cast %select_n3A_142 : vector<16xi32> to vector<16x1xi32>
        %gather3A_532 = vector.shape_cast %broadcast_in_dim3A_531 : vector<16x1xi32> to vector<16xi32>
        %gather3A_533 = tpu.dynamic_gather %get3A_506[%gather3A_532] in [0] : vector<16xf32>, vector<16xi32> -> vector<16xf32>
        %lt3A_534 = arith.constant 5 : i32
        %lt3A_535 = vector.broadcast %lt3A_534 : i32 to vector<16xi32>
        %lt3A_536 = arith.cmpi slt, %iota3A, %lt3A_535 : vector<16xi32>
        %lt3A_537 = arith.constant 11 : i32
        %lt3A_538 = vector.broadcast %lt3A_537 : i32 to vector<16xi32>
        %lt3A_539 = arith.cmpi slt, %iota3A, %lt3A_538 : vector<16xi32>
        %select_n3A_540 = arith.select %lt3A_539, %gather3A_530, %gather3A_533 : vector<16xi1>, vector<16xf32>
        %select_n3A_541 = arith.select %lt3A_536, %gather3A_527, %select_n3A_540 : vector<16xi1>, vector<16xf32>
        %swap3A_542 = arith.index_cast %mul3A_508 : i32 to index
        %swap3A_543 = tpu.vector_load %arg23[%swap3A_542] {strides = array<i32>} : memref<1024xf32, #tpu.memory_space<vmem>>, vector<16xf32>,
        tpu.vector_store %arg23[%swap3A_542], %select_n3A_541 {strides = array<i32>} : memref<1024xf32, #tpu.memory_space<vmem>>, vector<16xf32>,
        %broadcast_in_dim3A_544 = vector.shape_cast %select_n3A_170 : vector<16xi32> to vector<16x1xi32>
        %gather3A_545 = vector.shape_cast %broadcast_in_dim3A_544 : vector<16x1xi32> to vector<16xi32>
        %gather3A_546 = tpu.dynamic_gather %get3A_490[%gather3A_545] in [0] : vector<16xf32>, vector<16xi32> -> vector<16xf32>
        %broadcast_in_dim3A_547 = vector.shape_cast %select_n3A_170 : vector<16xi32> to vector<16x1xi32>
        %gather3A_548 = vector.shape_cast %broadcast_in_dim3A_547 : vector<16x1xi32> to vector<16xi32>
        %gather3A_549 = tpu.dynamic_gather %get3A_498[%gather3A_548] in [0] : vector<16xf32>, vector<16xi32> -> vector<16xf32>
        %broadcast_in_dim3A_550 = vector.shape_cast %select_n3A_170 : vector<16xi32> to vector<16x1xi32>
        %gather3A_551 = vector.shape_cast %broadcast_in_dim3A_550 : vector<16x1xi32> to vector<16xi32>
        %gather3A_552 = tpu.dynamic_gather %get3A_506[%gather3A_551] in [0] : vector<16xf32>, vector<16xi32> -> vector<16xf32>
        %lt3A_553 = arith.constant 5 : i32
        %lt3A_554 = vector.broadcast %lt3A_553 : i32 to vector<16xi32>
        %lt3A_555 = arith.cmpi slt, %iota3A, %lt3A_554 : vector<16xi32>
        %lt3A_556 = arith.constant 10 : i32
        %lt3A_557 = vector.broadcast %lt3A_556 : i32 to vector<16xi32>
        %lt3A_558 = arith.cmpi slt, %iota3A, %lt3A_557 : vector<16xi32>
        %select_n3A_559 = arith.select %lt3A_558, %gather3A_549, %gather3A_552 : vector<16xi1>, vector<16xf32>
        %select_n3A_560 = arith.select %lt3A_555, %gather3A_546, %select_n3A_559 : vector<16xi1>, vector<16xf32>
        %swap3A_561 = arith.index_cast %mul3A_508 : i32 to index
        %swap3A_562 = tpu.vector_load %arg25[%swap3A_561] {strides = array<i32>} : memref<1024xf32, #tpu.memory_space<vmem>>, vector<16xf32>,
        tpu.vector_store %arg25[%swap3A_561], %select_n3A_560 {strides = array<i32>} : memref<1024xf32, #tpu.memory_space<vmem>>, vector<16xf32>,
      }
      %scan3A_328 = arith.constant 64 : i32
      %ge3A_329 = arith.constant 1562 : i32
      %ge3A_330 = arith.cmpi sge, %add3A_291, %ge3A_329 : i32
      %mul3A_331 = arith.constant 1024 : i32
      %mul3A_332 = arith.muli %add3A_291, %mul3A_331 : i32
      %jit3A_333 = arith.constant 1598976 : i32
      %select_n3A_334 = arith.select %ge3A_330, %jit3A_333, %mul3A_332 : i32
      %multiple_of3A_335 = tpu.assume_multiple %select_n3A_334, 128 : i32
      %lt3A_336 = arith.cmpi slt, %add3A_291, %select_n3A_57 : i32
      %eq3A_337 = arith.constant 1598976 : i32
      %eq3A_338 = arith.cmpi eq, %multiple_of3A_335, %eq3A_337 : i32
      %scan3A_339 = arith.constant 0 : i32
      %scan3A_340 = arith.constant 0 : i32
      %scan3A_341 = arith.constant 64 : i32
      %scan3A_342 = arith.addi %scan3A_340, %scan3A_341 : i32
      %scan3A_343 = arith.constant 1 : i32
      scf.for %scan3A_485 = %scan3A_340 to %scan3A_342 step %scan3A_343  : i32 {
        %mul3A_486 = arith.constant 16 : i32
        %mul3A_487 = arith.muli %scan3A_485, %mul3A_486 : i32
        %mul3A_488 = arith.constant 16 : i32
        %mul3A_489 = arith.muli %scan3A_485, %mul3A_488 : i32
        %add3A_490 = arith.constant 1024 : i32
        %add3A_491 = arith.addi %add3A_490, %mul3A_489 : i32
        %get3A = arith.index_cast %mul3A_487 : i32 to index
        %get3A_492 = tpu.vector_load %arg21[%get3A] {strides = array<i32>} : memref<1024xf32, #tpu.memory_space<vmem>>, vector<16xf32>,
        %get3A_493 = arith.index_cast %mul3A_487 : i32 to index
        %get3A_494 = tpu.vector_load %arg23[%get3A_493] {strides = array<i32>} : memref<1024xf32, #tpu.memory_space<vmem>>, vector<16xf32>,
        %get3A_495 = arith.index_cast %mul3A_487 : i32 to index
        %get3A_496 = tpu.vector_load %arg25[%get3A_495] {strides = array<i32>} : memref<1024xf32, #tpu.memory_space<vmem>>, vector<16xf32>,
        %mul3A_497 = arith.mulf %get3A_492, %get3A_492 : vector<16xf32>
        %mul3A_498 = arith.mulf %get3A_494, %get3A_494 : vector<16xf32>
        %add3A_499 = arith.addf %mul3A_497, %mul3A_498 : vector<16xf32>
        %mul3A_500 = arith.mulf %get3A_496, %get3A_496 : vector<16xf32>
        %add3A_501 = arith.addf %add3A_499, %mul3A_500 : vector<16xf32>
        %bitcast_convert_type3A = tpu.bitcast %add3A_501 : vector<16xf32> -> vector<16xi32>
        %shift_right_arithmetic3A = arith.constant 1 : i32
        %shift_right_arithmetic3A_502 = vector.broadcast %shift_right_arithmetic3A : i32 to vector<16xi32>
        %shift_right_arithmetic3A_503 = arith.shrsi %bitcast_convert_type3A, %shift_right_arithmetic3A_502 : vector<16xi32>
        %sub3A_504 = arith.constant 1597463007 : i32
        %sub3A_505 = vector.broadcast %sub3A_504 : i32 to vector<16xi32>
        %sub3A_506 = arith.subi %sub3A_505, %shift_right_arithmetic3A_503 : vector<16xi32>
        %bitcast_convert_type3A_507 = tpu.bitcast %sub3A_506 : vector<16xi32> -> vector<16xf32>
        %mul3A_508 = arith.constant 5.000000e-01 : f32
        %mul3A_509 = vector.broadcast %mul3A_508 : f32 to vector<16xf32>
        %mul3A_510 = arith.mulf %mul3A_509, %add3A_501 : vector<16xf32>
        %mul3A_511 = arith.mulf %mul3A_510, %bitcast_convert_type3A_507 : vector<16xf32>
        %mul3A_512 = arith.mulf %mul3A_511, %bitcast_convert_type3A_507 : vector<16xf32>
        %sub3A_513 = arith.constant 1.500000e+00 : f32
        %sub3A_514 = vector.broadcast %sub3A_513 : f32 to vector<16xf32>
        %sub3A_515 = arith.subf %sub3A_514, %mul3A_512 : vector<16xf32>
        %mul3A_516 = arith.mulf %bitcast_convert_type3A_507, %sub3A_515 : vector<16xf32>
        %mul3A_517 = arith.constant 5.000000e-01 : f32
        %mul3A_518 = vector.broadcast %mul3A_517 : f32 to vector<16xf32>
        %mul3A_519 = arith.mulf %mul3A_518, %add3A_501 : vector<16xf32>
        %mul3A_520 = arith.mulf %mul3A_519, %mul3A_516 : vector<16xf32>
        %mul3A_521 = arith.mulf %mul3A_520, %mul3A_516 : vector<16xf32>
        %sub3A_522 = arith.constant 1.500000e+00 : f32
        %sub3A_523 = vector.broadcast %sub3A_522 : f32 to vector<16xf32>
        %sub3A_524 = arith.subf %sub3A_523, %mul3A_521 : vector<16xf32>
        %mul3A_525 = arith.mulf %mul3A_516, %sub3A_524 : vector<16xf32>
        %mul3A_526 = arith.constant 5.000000e-01 : f32
        %mul3A_527 = vector.broadcast %mul3A_526 : f32 to vector<16xf32>
        %mul3A_528 = arith.mulf %mul3A_527, %add3A_501 : vector<16xf32>
        %mul3A_529 = arith.mulf %mul3A_528, %mul3A_525 : vector<16xf32>
        %mul3A_530 = arith.mulf %mul3A_529, %mul3A_525 : vector<16xf32>
        %sub3A_531 = arith.constant 1.500000e+00 : f32
        %sub3A_532 = vector.broadcast %sub3A_531 : f32 to vector<16xf32>
        %sub3A_533 = arith.subf %sub3A_532, %mul3A_530 : vector<16xf32>
        %mul3A_534 = arith.mulf %mul3A_525, %sub3A_533 : vector<16xf32>
        %mul3A_535 = arith.mulf %mul3A_534, %mul3A_534 : vector<16xf32>
        %mul3A_536 = arith.mulf %mul3A_535, %mul3A_534 : vector<16xf32>
        %mul3A_537 = arith.constant 5.000000e-01 : f32
        %mul3A_538 = vector.broadcast %mul3A_537 : f32 to vector<16xf32>
        %mul3A_539 = arith.mulf %mul3A_538, %mul3A_536 : vector<16xf32>
        %mul3A_540 = arith.mulf %mul3A_535, %mul3A_539 : vector<16xf32>
        %mul3A_541 = arith.constant 3.000000e+00 : f32
        %mul3A_542 = vector.broadcast %mul3A_541 : f32 to vector<16xf32>
        %mul3A_543 = arith.mulf %mul3A_542, %mul3A_540 : vector<16xf32>
        %not3A = arith.constant true
        %not3A_544 = arith.xori %eq3A_338, %not3A : i1
        %mul3A_545 = arith.constant 16 : i32
        %mul3A_546 = arith.muli %scan3A_485, %mul3A_545 : i32
        %add3A_547 = arith.addi %multiple_of3A_335, %mul3A_546 : i32
        %add3A_548 = vector.broadcast %add3A_547 : i32 to vector<16xi32>
        %add3A_549 = arith.addi %add3A_548, %iota3A : vector<16xi32>
        %ge3A_550 = arith.constant 1599488 : i32
        %ge3A_551 = vector.broadcast %ge3A_550 : i32 to vector<16xi32>
        %ge3A_552 = arith.cmpi sge, %add3A_549, %ge3A_551 : vector<16xi32>
        %or3A = vector.broadcast %not3A_544 : i1 to vector<16xi1>
        %or3A_553 = arith.ori %or3A, %ge3A_552 : vector<16xi1>
        %and3A_554 = vector.broadcast %lt3A_336 : i1 to vector<16xi1>
        %and3A_555 = arith.andi %and3A_554, %or3A_553 : vector<16xi1>
        %jit3A_556 = arith.constant 0.000000e+00 : f32
        %broadcast_in_dim3A = vector.broadcast %jit3A_556 : f32 to vector<16xf32>
        %select_n3A_557 = arith.select %and3A_555, %mul3A_539, %broadcast_in_dim3A : vector<16xi1>, vector<16xf32>
        %jit3A_558 = arith.constant 0.000000e+00 : f32
        %broadcast_in_dim3A_559 = vector.broadcast %jit3A_558 : f32 to vector<16xf32>
        %select_n3A_560 = arith.select %and3A_555, %mul3A_543, %broadcast_in_dim3A_559 : vector<16xi1>, vector<16xf32>
        %get3A_561 = arith.index_cast %add3A_491 : i32 to index
        %get3A_562 = tpu.vector_load %arg27[%get3A_561] {strides = array<i32>} : memref<2048xf32, #tpu.memory_space<vmem>>, vector<16xf32>,
        %get3A_563 = arith.index_cast %add3A_491 : i32 to index
        %get3A_564 = tpu.vector_load %arg29[%get3A_563] {strides = array<i32>} : memref<2048xf32, #tpu.memory_space<vmem>>, vector<16xf32>,
        %get3A_565 = arith.index_cast %add3A_491 : i32 to index
        %get3A_566 = tpu.vector_load %arg31[%get3A_565] {strides = array<i32>} : memref<2048xf32, #tpu.memory_space<vmem>>, vector<16xf32>,
        %mul3A_567 = arith.mulf %get3A_562, %get3A_492 : vector<16xf32>
        %mul3A_568 = arith.mulf %get3A_564, %get3A_494 : vector<16xf32>
        %add3A_569 = arith.addf %mul3A_567, %mul3A_568 : vector<16xf32>
        %mul3A_570 = arith.mulf %get3A_566, %get3A_496 : vector<16xf32>
        %add3A_571 = arith.addf %add3A_569, %mul3A_570 : vector<16xf32>
        %mul3A_572 = arith.mulf %add3A_571, %select_n3A_560 : vector<16xf32>
        %mul3A_573 = arith.mulf %get3A_562, %select_n3A_557 : vector<16xf32>
        %mul3A_574 = arith.mulf %get3A_492, %mul3A_572 : vector<16xf32>
        %sub3A_575 = arith.subf %mul3A_573, %mul3A_574 : vector<16xf32>
        %swap3A = arith.index_cast %mul3A_487 : i32 to index
        %swap3A_576 = tpu.vector_load %arg33[%swap3A] {strides = array<i32>} : memref<2048xf32, #tpu.memory_space<vmem>>, vector<16xf32>,
        tpu.vector_store %arg33[%swap3A], %sub3A_575 {strides = array<i32>} : memref<2048xf32, #tpu.memory_space<vmem>>, vector<16xf32>,
        %mul3A_577 = arith.mulf %get3A_564, %select_n3A_557 : vector<16xf32>
        %mul3A_578 = arith.mulf %get3A_494, %mul3A_572 : vector<16xf32>
        %sub3A_579 = arith.subf %mul3A_577, %mul3A_578 : vector<16xf32>
        %swap3A_580 = arith.index_cast %mul3A_487 : i32 to index
        %swap3A_581 = tpu.vector_load %arg35[%swap3A_580] {strides = array<i32>} : memref<2048xf32, #tpu.memory_space<vmem>>, vector<16xf32>,
        tpu.vector_store %arg35[%swap3A_580], %sub3A_579 {strides = array<i32>} : memref<2048xf32, #tpu.memory_space<vmem>>, vector<16xf32>,
        %mul3A_582 = arith.mulf %get3A_566, %select_n3A_557 : vector<16xf32>
        %mul3A_583 = arith.mulf %get3A_496, %mul3A_572 : vector<16xf32>
        %sub3A_584 = arith.subf %mul3A_582, %mul3A_583 : vector<16xf32>
        %swap3A_585 = arith.index_cast %mul3A_487 : i32 to index
        %swap3A_586 = tpu.vector_load %arg37[%swap3A_585] {strides = array<i32>} : memref<2048xf32, #tpu.memory_space<vmem>>, vector<16xf32>,
        tpu.vector_store %arg37[%swap3A_585], %sub3A_584 {strides = array<i32>} : memref<2048xf32, #tpu.memory_space<vmem>>, vector<16xf32>,
        %get3A_587 = arith.index_cast %mul3A_487 : i32 to index
        %get3A_588 = tpu.vector_load %arg27[%get3A_587] {strides = array<i32>} : memref<2048xf32, #tpu.memory_space<vmem>>, vector<16xf32>,
        %get3A_589 = arith.index_cast %mul3A_487 : i32 to index
        %get3A_590 = tpu.vector_load %arg29[%get3A_589] {strides = array<i32>} : memref<2048xf32, #tpu.memory_space<vmem>>, vector<16xf32>,
        %get3A_591 = arith.index_cast %mul3A_487 : i32 to index
        %get3A_592 = tpu.vector_load %arg31[%get3A_591] {strides = array<i32>} : memref<2048xf32, #tpu.memory_space<vmem>>, vector<16xf32>,
        %mul3A_593 = arith.mulf %get3A_588, %get3A_492 : vector<16xf32>
        %mul3A_594 = arith.mulf %get3A_590, %get3A_494 : vector<16xf32>
        %add3A_595 = arith.addf %mul3A_593, %mul3A_594 : vector<16xf32>
        %mul3A_596 = arith.mulf %get3A_592, %get3A_496 : vector<16xf32>
        %add3A_597 = arith.addf %add3A_595, %mul3A_596 : vector<16xf32>
        %mul3A_598 = arith.mulf %add3A_597, %select_n3A_560 : vector<16xf32>
        %mul3A_599 = arith.mulf %get3A_588, %select_n3A_557 : vector<16xf32>
        %mul3A_600 = arith.mulf %get3A_492, %mul3A_598 : vector<16xf32>
        %sub3A_601 = arith.subf %mul3A_599, %mul3A_600 : vector<16xf32>
        %swap3A_602 = arith.index_cast %add3A_491 : i32 to index
        %swap3A_603 = tpu.vector_load %arg33[%swap3A_602] {strides = array<i32>} : memref<2048xf32, #tpu.memory_space<vmem>>, vector<16xf32>,
        tpu.vector_store %arg33[%swap3A_602], %sub3A_601 {strides = array<i32>} : memref<2048xf32, #tpu.memory_space<vmem>>, vector<16xf32>,
        %mul3A_604 = arith.mulf %get3A_590, %select_n3A_557 : vector<16xf32>
        %mul3A_605 = arith.mulf %get3A_494, %mul3A_598 : vector<16xf32>
        %sub3A_606 = arith.subf %mul3A_604, %mul3A_605 : vector<16xf32>
        %swap3A_607 = arith.index_cast %add3A_491 : i32 to index
        %swap3A_608 = tpu.vector_load %arg35[%swap3A_607] {strides = array<i32>} : memref<2048xf32, #tpu.memory_space<vmem>>, vector<16xf32>,
        tpu.vector_store %arg35[%swap3A_607], %sub3A_606 {strides = array<i32>} : memref<2048xf32, #tpu.memory_space<vmem>>, vector<16xf32>,
        %mul3A_609 = arith.mulf %get3A_592, %select_n3A_557 : vector<16xf32>
        %mul3A_610 = arith.mulf %get3A_496, %mul3A_598 : vector<16xf32>
        %sub3A_611 = arith.subf %mul3A_609, %mul3A_610 : vector<16xf32>
        %swap3A_612 = arith.index_cast %add3A_491 : i32 to index
        %swap3A_613 = tpu.vector_load %arg37[%swap3A_612] {strides = array<i32>} : memref<2048xf32, #tpu.memory_space<vmem>>, vector<16xf32>,
        tpu.vector_store %arg37[%swap3A_612], %sub3A_611 {strides = array<i32>} : memref<2048xf32, #tpu.memory_space<vmem>>, vector<16xf32>,
      }
      %scan3A_344 = arith.constant 64 : i32
      %gt3A = arith.constant 0 : i32
      %gt3A_345 = arith.cmpi sgt, %while3A_286, %gt3A : i32
      %convert_element_type3A = arith.extui %gt3A_345 : i1 to i32
      %cond3A = arith.constant 0 : i32
      %cond3A_346 = arith.cmpi ne, %convert_element_type3A, %cond3A : i32
      scf.if %cond3A_346 {
        %dma_wait3A_485 = arith.constant 0 : i32
        %dma_wait3A_486 = tpu.memref_slice %arg10[%dma_wait3A_485] : memref<53248xf32, #tpu.memory_space<vmem_shared>> -> memref<53248xf32, #tpu.memory_space<vmem_shared>>
        tpu.wait_indirect_dma semaphore(%arg42 : memref<!tpu.dma_semaphore, #tpu.memory_space<semaphore_mem>>) src(%arg34 : memref<2048xf32, #tpu.memory_space<vmem>>) dst(%dma_wait3A_486 : memref<53248xf32, #tpu.memory_space<vmem_shared>>)
        %dma_wait3A_487 = arith.constant 0 : i32
        %dma_wait3A_488 = tpu.memref_slice %arg11[%dma_wait3A_487] : memref<53248xf32, #tpu.memory_space<vmem_shared>> -> memref<53248xf32, #tpu.memory_space<vmem_shared>>
        tpu.wait_indirect_dma semaphore(%arg42 : memref<!tpu.dma_semaphore, #tpu.memory_space<semaphore_mem>>) src(%arg36 : memref<2048xf32, #tpu.memory_space<vmem>>) dst(%dma_wait3A_488 : memref<53248xf32, #tpu.memory_space<vmem_shared>>)
        %dma_wait3A_489 = arith.constant 0 : i32
        %dma_wait3A_490 = tpu.memref_slice %arg12[%dma_wait3A_489] : memref<53248xf32, #tpu.memory_space<vmem_shared>> -> memref<53248xf32, #tpu.memory_space<vmem_shared>>
        tpu.wait_indirect_dma semaphore(%arg42 : memref<!tpu.dma_semaphore, #tpu.memory_space<semaphore_mem>>) src(%arg38 : memref<2048xf32, #tpu.memory_space<vmem>>) dst(%dma_wait3A_490 : memref<53248xf32, #tpu.memory_space<vmem_shared>>)
      } else {
      }
      %dma_start3A_347 = arith.constant 0 : i32
      %dma_start3A_348 = tpu.memref_slice %arg10[%dma_start3A_347] : memref<53248xf32, #tpu.memory_space<vmem_shared>> -> memref<53248xf32, #tpu.memory_space<vmem_shared>>
      tpu.enqueue_indirect_dma source(%arg33 : memref<2048xf32, #tpu.memory_space<vmem>>) target(%dma_start3A_348 : memref<53248xf32, #tpu.memory_space<vmem_shared>>) offsets(%arg17 : memref<2048xi32, #tpu.memory_space<vmem>>) semaphore(%arg41 : memref<!tpu.dma_semaphore, #tpu.memory_space<semaphore_mem>>) {add = true}
      %dma_start3A_349 = arith.constant 0 : i32
      %dma_start3A_350 = tpu.memref_slice %arg11[%dma_start3A_349] : memref<53248xf32, #tpu.memory_space<vmem_shared>> -> memref<53248xf32, #tpu.memory_space<vmem_shared>>
      tpu.enqueue_indirect_dma source(%arg35 : memref<2048xf32, #tpu.memory_space<vmem>>) target(%dma_start3A_350 : memref<53248xf32, #tpu.memory_space<vmem_shared>>) offsets(%arg17 : memref<2048xi32, #tpu.memory_space<vmem>>) semaphore(%arg41 : memref<!tpu.dma_semaphore, #tpu.memory_space<semaphore_mem>>) {add = true}
      %dma_start3A_351 = arith.constant 0 : i32
      %dma_start3A_352 = tpu.memref_slice %arg12[%dma_start3A_351] : memref<53248xf32, #tpu.memory_space<vmem_shared>> -> memref<53248xf32, #tpu.memory_space<vmem_shared>>
      tpu.enqueue_indirect_dma source(%arg37 : memref<2048xf32, #tpu.memory_space<vmem>>) target(%dma_start3A_352 : memref<53248xf32, #tpu.memory_space<vmem_shared>>) offsets(%arg17 : memref<2048xi32, #tpu.memory_space<vmem>>) semaphore(%arg41 : memref<!tpu.dma_semaphore, #tpu.memory_space<semaphore_mem>>) {add = true}
      %add3A_353 = arith.constant 1 : i32
      %add3A_354 = arith.addi %add3A_291, %add3A_353 : i32
      %ge3A_355 = arith.constant 1562 : i32
      %ge3A_356 = arith.cmpi sge, %add3A_354, %ge3A_355 : i32
      %mul3A_357 = arith.constant 1024 : i32
      %mul3A_358 = arith.muli %add3A_354, %mul3A_357 : i32
      %jit3A_359 = arith.constant 1598976 : i32
      %select_n3A_360 = arith.select %ge3A_356, %jit3A_359, %mul3A_358 : i32
      %multiple_of3A_361 = tpu.assume_multiple %select_n3A_360, 128 : i32
      %mul3A_362 = arith.constant 2 : i32
      %mul3A_363 = arith.muli %multiple_of3A_361, %mul3A_362 : i32
      %multiple_of3A_364 = tpu.assume_multiple %mul3A_363, 128 : i32
      %dma_wait3A_365 = tpu.memref_slice %arg4[%multiple_of3A_364] : memref<3200000xi32, #tpu.memory_space<hbm>> -> memref<2048xi32, #tpu.memory_space<hbm>>
      %dma_wait3A_366 = tpu.memref_slice %arg4[%multiple_of3A_364] : memref<3200000xi32, #tpu.memory_space<hbm>> -> memref<2048xi32, #tpu.memory_space<hbm>>
      tpu.wait_dma2 semaphore(%arg43 : memref<!tpu.dma_semaphore, #tpu.memory_space<semaphore_mem>>) src(%dma_wait3A_366 : memref<2048xi32, #tpu.memory_space<hbm>>) dst(%arg14 : memref<2048xi32, #tpu.memory_space<vmem>>)
      %mul3A_367 = arith.constant 3 : i32
      %mul3A_368 = arith.muli %multiple_of3A_361, %mul3A_367 : i32
      %multiple_of3A_369 = tpu.assume_multiple %mul3A_368, 128 : i32
      %dma_wait3A_370 = tpu.memref_slice %arg5[%multiple_of3A_369] : memref<4800000xf32, #tpu.memory_space<hbm>> -> memref<3072xf32, #tpu.memory_space<hbm>>
      %dma_wait3A_371 = tpu.memref_slice %arg5[%multiple_of3A_369] : memref<4800000xf32, #tpu.memory_space<hbm>> -> memref<3072xf32, #tpu.memory_space<hbm>>
      tpu.wait_dma2 semaphore(%arg43 : memref<!tpu.dma_semaphore, #tpu.memory_space<semaphore_mem>>) src(%dma_wait3A_371 : memref<3072xf32, #tpu.memory_space<hbm>>) dst(%arg20 : memref<3072xf32, #tpu.memory_space<vmem>>)
      %scan3A_372 = arith.constant 0 : i32
      %scan3A_373 = arith.constant 0 : i32
      %scan3A_374 = arith.constant 64 : i32
      %scan3A_375 = arith.addi %scan3A_373, %scan3A_374 : i32
      %scan3A_376 = arith.constant 1 : i32
      scf.for %scan3A_485 = %scan3A_373 to %scan3A_375 step %scan3A_376  : i32 {
        %mul3A_486 = arith.constant 2 : i32
        %mul3A_487 = arith.muli %scan3A_485, %mul3A_486 : i32
        %mul3A_488 = arith.constant 16 : i32
        %mul3A_489 = arith.muli %mul3A_487, %mul3A_488 : i32
        %get3A = arith.index_cast %mul3A_489 : i32 to index
        %get3A_490 = tpu.vector_load %arg14[%get3A] {strides = array<i32>} : memref<2048xi32, #tpu.memory_space<vmem>>, vector<16xi32>,
        %mul3A_491 = arith.constant 2 : i32
        %mul3A_492 = arith.muli %scan3A_485, %mul3A_491 : i32
        %mul3A_493 = arith.constant 16 : i32
        %mul3A_494 = arith.muli %mul3A_492, %mul3A_493 : i32
        %add3A_495 = arith.constant 16 : i32
        %add3A_496 = arith.addi %mul3A_494, %add3A_495 : i32
        %get3A_497 = arith.index_cast %add3A_496 : i32 to index
        %get3A_498 = tpu.vector_load %arg14[%get3A_497] {strides = array<i32>} : memref<2048xi32, #tpu.memory_space<vmem>>, vector<16xi32>,
        %broadcast_in_dim3A = vector.shape_cast %select_n3A_80 : vector<16xi32> to vector<16x1xi32>
        %gather3A = vector.shape_cast %broadcast_in_dim3A : vector<16x1xi32> to vector<16xi32>
        %gather3A_499 = tpu.dynamic_gather %get3A_490[%gather3A] in [0] : vector<16xi32>, vector<16xi32> -> vector<16xi32>
        %broadcast_in_dim3A_500 = vector.shape_cast %select_n3A_80 : vector<16xi32> to vector<16x1xi32>
        %gather3A_501 = vector.shape_cast %broadcast_in_dim3A_500 : vector<16x1xi32> to vector<16xi32>
        %gather3A_502 = tpu.dynamic_gather %get3A_498[%gather3A_501] in [0] : vector<16xi32>, vector<16xi32> -> vector<16xi32>
        %select_n3A_503 = arith.select %lt3A_86, %gather3A_499, %gather3A_502 : vector<16xi1>, vector<16xi32>
        %mul3A_504 = arith.constant 16 : i32
        %mul3A_505 = arith.muli %scan3A_485, %mul3A_504 : i32
        %swap3A = arith.index_cast %mul3A_505 : i32 to index
        %swap3A_506 = tpu.vector_load %arg16[%swap3A] {strides = array<i32>} : memref<2048xi32, #tpu.memory_space<vmem>>, vector<16xi32>,
        tpu.vector_store %arg16[%swap3A], %select_n3A_503 {strides = array<i32>} : memref<2048xi32, #tpu.memory_space<vmem>>, vector<16xi32>,
        %broadcast_in_dim3A_507 = vector.shape_cast %add3A_83 : vector<16xi32> to vector<16x1xi32>
        %gather3A_508 = vector.shape_cast %broadcast_in_dim3A_507 : vector<16x1xi32> to vector<16xi32>
        %gather3A_509 = tpu.dynamic_gather %get3A_490[%gather3A_508] in [0] : vector<16xi32>, vector<16xi32> -> vector<16xi32>
        %broadcast_in_dim3A_510 = vector.shape_cast %add3A_83 : vector<16xi32> to vector<16x1xi32>
        %gather3A_511 = vector.shape_cast %broadcast_in_dim3A_510 : vector<16x1xi32> to vector<16xi32>
        %gather3A_512 = tpu.dynamic_gather %get3A_498[%gather3A_511] in [0] : vector<16xi32>, vector<16xi32> -> vector<16xi32>
        %select_n3A_513 = arith.select %lt3A_86, %gather3A_509, %gather3A_512 : vector<16xi1>, vector<16xi32>
        %mul3A_514 = arith.constant 16 : i32
        %mul3A_515 = arith.muli %scan3A_485, %mul3A_514 : i32
        %add3A_516 = arith.constant 1024 : i32
        %add3A_517 = arith.addi %add3A_516, %mul3A_515 : i32
        %swap3A_518 = arith.index_cast %add3A_517 : i32 to index
        %swap3A_519 = tpu.vector_load %arg16[%swap3A_518] {strides = array<i32>} : memref<2048xi32, #tpu.memory_space<vmem>>, vector<16xi32>,
        tpu.vector_store %arg16[%swap3A_518], %select_n3A_513 {strides = array<i32>} : memref<2048xi32, #tpu.memory_space<vmem>>, vector<16xi32>,
      }
      %scan3A_377 = arith.constant 64 : i32
      %dma_start3A_378 = arith.constant 0 : i32
      %dma_start3A_379 = tpu.memref_slice %arg7[%dma_start3A_378] : memref<53248xf32, #tpu.memory_space<vmem_shared>> -> memref<53248xf32, #tpu.memory_space<vmem_shared>>
      tpu.enqueue_indirect_dma source(%dma_start3A_379 : memref<53248xf32, #tpu.memory_space<vmem_shared>>) target(%arg28 : memref<2048xf32, #tpu.memory_space<vmem>>) offsets(%arg16 : memref<2048xi32, #tpu.memory_space<vmem>>) semaphore(%arg40 : memref<!tpu.dma_semaphore, #tpu.memory_space<semaphore_mem>>)
      %dma_start3A_380 = arith.constant 0 : i32
      %dma_start3A_381 = tpu.memref_slice %arg8[%dma_start3A_380] : memref<53248xf32, #tpu.memory_space<vmem_shared>> -> memref<53248xf32, #tpu.memory_space<vmem_shared>>
      tpu.enqueue_indirect_dma source(%dma_start3A_381 : memref<53248xf32, #tpu.memory_space<vmem_shared>>) target(%arg30 : memref<2048xf32, #tpu.memory_space<vmem>>) offsets(%arg16 : memref<2048xi32, #tpu.memory_space<vmem>>) semaphore(%arg40 : memref<!tpu.dma_semaphore, #tpu.memory_space<semaphore_mem>>)
      %dma_start3A_382 = arith.constant 0 : i32
      %dma_start3A_383 = tpu.memref_slice %arg9[%dma_start3A_382] : memref<53248xf32, #tpu.memory_space<vmem_shared>> -> memref<53248xf32, #tpu.memory_space<vmem_shared>>
      tpu.enqueue_indirect_dma source(%dma_start3A_383 : memref<53248xf32, #tpu.memory_space<vmem_shared>>) target(%arg32 : memref<2048xf32, #tpu.memory_space<vmem>>) offsets(%arg16 : memref<2048xi32, #tpu.memory_space<vmem>>) semaphore(%arg40 : memref<!tpu.dma_semaphore, #tpu.memory_space<semaphore_mem>>)
      %mul3A_384 = arith.constant 2 : i32
      %mul3A_385 = arith.muli %mul3A_384, %while3A_286 : i32
      %add3A_386 = arith.addi %select_n3A, %mul3A_385 : i32
      %add3A_387 = arith.constant 1 : i32
      %add3A_388 = arith.addi %add3A_386, %add3A_387 : i32
      %dma_wait3A_389 = arith.constant 0 : i32
      %dma_wait3A_390 = tpu.memref_slice %arg7[%dma_wait3A_389] : memref<53248xf32, #tpu.memory_space<vmem_shared>> -> memref<53248xf32, #tpu.memory_space<vmem_shared>>
      tpu.wait_indirect_dma semaphore(%arg40 : memref<!tpu.dma_semaphore, #tpu.memory_space<semaphore_mem>>) src(%dma_wait3A_390 : memref<53248xf32, #tpu.memory_space<vmem_shared>>) dst(%arg28 : memref<2048xf32, #tpu.memory_space<vmem>>)
      %dma_wait3A_391 = arith.constant 0 : i32
      %dma_wait3A_392 = tpu.memref_slice %arg8[%dma_wait3A_391] : memref<53248xf32, #tpu.memory_space<vmem_shared>> -> memref<53248xf32, #tpu.memory_space<vmem_shared>>
      tpu.wait_indirect_dma semaphore(%arg40 : memref<!tpu.dma_semaphore, #tpu.memory_space<semaphore_mem>>) src(%dma_wait3A_392 : memref<53248xf32, #tpu.memory_space<vmem_shared>>) dst(%arg30 : memref<2048xf32, #tpu.memory_space<vmem>>)
      %dma_wait3A_393 = arith.constant 0 : i32
      %dma_wait3A_394 = tpu.memref_slice %arg9[%dma_wait3A_393] : memref<53248xf32, #tpu.memory_space<vmem_shared>> -> memref<53248xf32, #tpu.memory_space<vmem_shared>>
      tpu.wait_indirect_dma semaphore(%arg40 : memref<!tpu.dma_semaphore, #tpu.memory_space<semaphore_mem>>) src(%dma_wait3A_394 : memref<53248xf32, #tpu.memory_space<vmem_shared>>) dst(%arg32 : memref<2048xf32, #tpu.memory_space<vmem>>)
      %scan3A_395 = arith.constant 0 : i32
      %scan3A_396 = arith.constant 0 : i32
      %scan3A_397 = arith.constant 128 : i32
      %scan3A_398 = arith.addi %scan3A_396, %scan3A_397 : i32
      %scan3A_399 = arith.constant 1 : i32
      scf.for %scan3A_485 = %scan3A_396 to %scan3A_398 step %scan3A_399  : i32 {
        %mul3A_486 = arith.constant 16 : i32
        %mul3A_487 = arith.muli %scan3A_485, %mul3A_486 : i32
        %get3A = arith.index_cast %mul3A_487 : i32 to index
        %get3A_488 = tpu.vector_load %arg16[%get3A] {strides = array<i32>} : memref<2048xi32, #tpu.memory_space<vmem>>, vector<16xi32>,
        %swap3A = arith.index_cast %mul3A_487 : i32 to index
        %swap3A_489 = tpu.vector_load %arg18[%swap3A] {strides = array<i32>} : memref<2048xi32, #tpu.memory_space<vmem>>, vector<16xi32>,
        tpu.vector_store %arg18[%swap3A], %get3A_488 {strides = array<i32>} : memref<2048xi32, #tpu.memory_space<vmem>>, vector<16xi32>,
      }
      %scan3A_400 = arith.constant 128 : i32
      %add3A_401 = arith.constant 1 : i32
      %add3A_402 = arith.addi %add3A_388, %add3A_401 : i32
      %ge3A_403 = arith.constant 1562 : i32
      %ge3A_404 = arith.cmpi sge, %add3A_402, %ge3A_403 : i32
      %mul3A_405 = arith.constant 1024 : i32
      %mul3A_406 = arith.muli %add3A_402, %mul3A_405 : i32
      %jit3A_407 = arith.constant 1598976 : i32
      %select_n3A_408 = arith.select %ge3A_404, %jit3A_407, %mul3A_406 : i32
      %multiple_of3A_409 = tpu.assume_multiple %select_n3A_408, 128 : i32
      %mul3A_410 = arith.constant 2 : i32
      %mul3A_411 = arith.muli %multiple_of3A_409, %mul3A_410 : i32
      %multiple_of3A_412 = tpu.assume_multiple %mul3A_411, 128 : i32
      %dma_start3A_413 = tpu.memref_slice %arg4[%multiple_of3A_412] : memref<3200000xi32, #tpu.memory_space<hbm>> -> memref<2048xi32, #tpu.memory_space<hbm>>
      %dma_start3A_414 = tpu.memref_slice %arg4[%multiple_of3A_412] : memref<3200000xi32, #tpu.memory_space<hbm>> -> memref<2048xi32, #tpu.memory_space<hbm>>
      tpu.enqueue_dma source(%dma_start3A_414 : memref<2048xi32, #tpu.memory_space<hbm>>) target(%arg13 : memref<2048xi32, #tpu.memory_space<vmem>>) target_semaphore(%arg43 : memref<!tpu.dma_semaphore, #tpu.memory_space<semaphore_mem>>)
      %mul3A_415 = arith.constant 3 : i32
      %mul3A_416 = arith.muli %multiple_of3A_409, %mul3A_415 : i32
      %multiple_of3A_417 = tpu.assume_multiple %mul3A_416, 128 : i32
      %dma_start3A_418 = tpu.memref_slice %arg5[%multiple_of3A_417] : memref<4800000xf32, #tpu.memory_space<hbm>> -> memref<3072xf32, #tpu.memory_space<hbm>>
      %dma_start3A_419 = tpu.memref_slice %arg5[%multiple_of3A_417] : memref<4800000xf32, #tpu.memory_space<hbm>> -> memref<3072xf32, #tpu.memory_space<hbm>>
      tpu.enqueue_dma source(%dma_start3A_419 : memref<3072xf32, #tpu.memory_space<hbm>>) target(%arg19 : memref<3072xf32, #tpu.memory_space<vmem>>) target_semaphore(%arg43 : memref<!tpu.dma_semaphore, #tpu.memory_space<semaphore_mem>>)
      %scan3A_420 = arith.constant 0 : i32
      %scan3A_421 = arith.constant 0 : i32
      %scan3A_422 = arith.constant 64 : i32
      %scan3A_423 = arith.addi %scan3A_421, %scan3A_422 : i32
      %scan3A_424 = arith.constant 1 : i32
      scf.for %scan3A_485 = %scan3A_421 to %scan3A_423 step %scan3A_424  : i32 {
        %mul3A_486 = arith.constant 3 : i32
        %mul3A_487 = arith.muli %scan3A_485, %mul3A_486 : i32
        %mul3A_488 = arith.constant 16 : i32
        %mul3A_489 = arith.muli %mul3A_487, %mul3A_488 : i32
        %get3A = arith.index_cast %mul3A_489 : i32 to index
        %get3A_490 = tpu.vector_load %arg20[%get3A] {strides = array<i32>} : memref<3072xf32, #tpu.memory_space<vmem>>, vector<16xf32>,
        %mul3A_491 = arith.constant 3 : i32
        %mul3A_492 = arith.muli %scan3A_485, %mul3A_491 : i32
        %mul3A_493 = arith.constant 16 : i32
        %mul3A_494 = arith.muli %mul3A_492, %mul3A_493 : i32
        %add3A_495 = arith.constant 16 : i32
        %add3A_496 = arith.addi %mul3A_494, %add3A_495 : i32
        %get3A_497 = arith.index_cast %add3A_496 : i32 to index
        %get3A_498 = tpu.vector_load %arg20[%get3A_497] {strides = array<i32>} : memref<3072xf32, #tpu.memory_space<vmem>>, vector<16xf32>,
        %mul3A_499 = arith.constant 3 : i32
        %mul3A_500 = arith.muli %scan3A_485, %mul3A_499 : i32
        %mul3A_501 = arith.constant 16 : i32
        %mul3A_502 = arith.muli %mul3A_500, %mul3A_501 : i32
        %add3A_503 = arith.constant 32 : i32
        %add3A_504 = arith.addi %mul3A_502, %add3A_503 : i32
        %get3A_505 = arith.index_cast %add3A_504 : i32 to index
        %get3A_506 = tpu.vector_load %arg20[%get3A_505] {strides = array<i32>} : memref<3072xf32, #tpu.memory_space<vmem>>, vector<16xf32>,
        %mul3A_507 = arith.constant 16 : i32
        %mul3A_508 = arith.muli %scan3A_485, %mul3A_507 : i32
        %broadcast_in_dim3A = vector.shape_cast %select_n3A_114 : vector<16xi32> to vector<16x1xi32>
        %gather3A = vector.shape_cast %broadcast_in_dim3A : vector<16x1xi32> to vector<16xi32>
        %gather3A_509 = tpu.dynamic_gather %get3A_490[%gather3A] in [0] : vector<16xf32>, vector<16xi32> -> vector<16xf32>
        %broadcast_in_dim3A_510 = vector.shape_cast %select_n3A_114 : vector<16xi32> to vector<16x1xi32>
        %gather3A_511 = vector.shape_cast %broadcast_in_dim3A_510 : vector<16x1xi32> to vector<16xi32>
        %gather3A_512 = tpu.dynamic_gather %get3A_498[%gather3A_511] in [0] : vector<16xf32>, vector<16xi32> -> vector<16xf32>
        %broadcast_in_dim3A_513 = vector.shape_cast %select_n3A_114 : vector<16xi32> to vector<16x1xi32>
        %gather3A_514 = vector.shape_cast %broadcast_in_dim3A_513 : vector<16x1xi32> to vector<16xi32>
        %gather3A_515 = tpu.dynamic_gather %get3A_506[%gather3A_514] in [0] : vector<16xf32>, vector<16xi32> -> vector<16xf32>
        %lt3A_516 = arith.constant 6 : i32
        %lt3A_517 = vector.broadcast %lt3A_516 : i32 to vector<16xi32>
        %lt3A_518 = arith.cmpi slt, %iota3A, %lt3A_517 : vector<16xi32>
        %lt3A_519 = arith.constant 11 : i32
        %lt3A_520 = vector.broadcast %lt3A_519 : i32 to vector<16xi32>
        %lt3A_521 = arith.cmpi slt, %iota3A, %lt3A_520 : vector<16xi32>
        %select_n3A_522 = arith.select %lt3A_521, %gather3A_512, %gather3A_515 : vector<16xi1>, vector<16xf32>
        %select_n3A_523 = arith.select %lt3A_518, %gather3A_509, %select_n3A_522 : vector<16xi1>, vector<16xf32>
        %swap3A = arith.index_cast %mul3A_508 : i32 to index
        %swap3A_524 = tpu.vector_load %arg22[%swap3A] {strides = array<i32>} : memref<1024xf32, #tpu.memory_space<vmem>>, vector<16xf32>,
        tpu.vector_store %arg22[%swap3A], %select_n3A_523 {strides = array<i32>} : memref<1024xf32, #tpu.memory_space<vmem>>, vector<16xf32>,
        %broadcast_in_dim3A_525 = vector.shape_cast %select_n3A_142 : vector<16xi32> to vector<16x1xi32>
        %gather3A_526 = vector.shape_cast %broadcast_in_dim3A_525 : vector<16x1xi32> to vector<16xi32>
        %gather3A_527 = tpu.dynamic_gather %get3A_490[%gather3A_526] in [0] : vector<16xf32>, vector<16xi32> -> vector<16xf32>
        %broadcast_in_dim3A_528 = vector.shape_cast %select_n3A_142 : vector<16xi32> to vector<16x1xi32>
        %gather3A_529 = vector.shape_cast %broadcast_in_dim3A_528 : vector<16x1xi32> to vector<16xi32>
        %gather3A_530 = tpu.dynamic_gather %get3A_498[%gather3A_529] in [0] : vector<16xf32>, vector<16xi32> -> vector<16xf32>
        %broadcast_in_dim3A_531 = vector.shape_cast %select_n3A_142 : vector<16xi32> to vector<16x1xi32>
        %gather3A_532 = vector.shape_cast %broadcast_in_dim3A_531 : vector<16x1xi32> to vector<16xi32>
        %gather3A_533 = tpu.dynamic_gather %get3A_506[%gather3A_532] in [0] : vector<16xf32>, vector<16xi32> -> vector<16xf32>
        %lt3A_534 = arith.constant 5 : i32
        %lt3A_535 = vector.broadcast %lt3A_534 : i32 to vector<16xi32>
        %lt3A_536 = arith.cmpi slt, %iota3A, %lt3A_535 : vector<16xi32>
        %lt3A_537 = arith.constant 11 : i32
        %lt3A_538 = vector.broadcast %lt3A_537 : i32 to vector<16xi32>
        %lt3A_539 = arith.cmpi slt, %iota3A, %lt3A_538 : vector<16xi32>
        %select_n3A_540 = arith.select %lt3A_539, %gather3A_530, %gather3A_533 : vector<16xi1>, vector<16xf32>
        %select_n3A_541 = arith.select %lt3A_536, %gather3A_527, %select_n3A_540 : vector<16xi1>, vector<16xf32>
        %swap3A_542 = arith.index_cast %mul3A_508 : i32 to index
        %swap3A_543 = tpu.vector_load %arg24[%swap3A_542] {strides = array<i32>} : memref<1024xf32, #tpu.memory_space<vmem>>, vector<16xf32>,
        tpu.vector_store %arg24[%swap3A_542], %select_n3A_541 {strides = array<i32>} : memref<1024xf32, #tpu.memory_space<vmem>>, vector<16xf32>,
        %broadcast_in_dim3A_544 = vector.shape_cast %select_n3A_170 : vector<16xi32> to vector<16x1xi32>
        %gather3A_545 = vector.shape_cast %broadcast_in_dim3A_544 : vector<16x1xi32> to vector<16xi32>
        %gather3A_546 = tpu.dynamic_gather %get3A_490[%gather3A_545] in [0] : vector<16xf32>, vector<16xi32> -> vector<16xf32>
        %broadcast_in_dim3A_547 = vector.shape_cast %select_n3A_170 : vector<16xi32> to vector<16x1xi32>
        %gather3A_548 = vector.shape_cast %broadcast_in_dim3A_547 : vector<16x1xi32> to vector<16xi32>
        %gather3A_549 = tpu.dynamic_gather %get3A_498[%gather3A_548] in [0] : vector<16xf32>, vector<16xi32> -> vector<16xf32>
        %broadcast_in_dim3A_550 = vector.shape_cast %select_n3A_170 : vector<16xi32> to vector<16x1xi32>
        %gather3A_551 = vector.shape_cast %broadcast_in_dim3A_550 : vector<16x1xi32> to vector<16xi32>
        %gather3A_552 = tpu.dynamic_gather %get3A_506[%gather3A_551] in [0] : vector<16xf32>, vector<16xi32> -> vector<16xf32>
        %lt3A_553 = arith.constant 5 : i32
        %lt3A_554 = vector.broadcast %lt3A_553 : i32 to vector<16xi32>
        %lt3A_555 = arith.cmpi slt, %iota3A, %lt3A_554 : vector<16xi32>
        %lt3A_556 = arith.constant 10 : i32
        %lt3A_557 = vector.broadcast %lt3A_556 : i32 to vector<16xi32>
        %lt3A_558 = arith.cmpi slt, %iota3A, %lt3A_557 : vector<16xi32>
        %select_n3A_559 = arith.select %lt3A_558, %gather3A_549, %gather3A_552 : vector<16xi1>, vector<16xf32>
        %select_n3A_560 = arith.select %lt3A_555, %gather3A_546, %select_n3A_559 : vector<16xi1>, vector<16xf32>
        %swap3A_561 = arith.index_cast %mul3A_508 : i32 to index
        %swap3A_562 = tpu.vector_load %arg26[%swap3A_561] {strides = array<i32>} : memref<1024xf32, #tpu.memory_space<vmem>>, vector<16xf32>,
        tpu.vector_store %arg26[%swap3A_561], %select_n3A_560 {strides = array<i32>} : memref<1024xf32, #tpu.memory_space<vmem>>, vector<16xf32>,
      }
      %scan3A_425 = arith.constant 64 : i32
      %ge3A_426 = arith.constant 1562 : i32
      %ge3A_427 = arith.cmpi sge, %add3A_388, %ge3A_426 : i32
      %mul3A_428 = arith.constant 1024 : i32
      %mul3A_429 = arith.muli %add3A_388, %mul3A_428 : i32
      %jit3A_430 = arith.constant 1598976 : i32
      %select_n3A_431 = arith.select %ge3A_427, %jit3A_430, %mul3A_429 : i32
      %multiple_of3A_432 = tpu.assume_multiple %select_n3A_431, 128 : i32
      %lt3A_433 = arith.cmpi slt, %add3A_388, %select_n3A_57 : i32
      %eq3A_434 = arith.constant 1598976 : i32
      %eq3A_435 = arith.cmpi eq, %multiple_of3A_432, %eq3A_434 : i32
      %scan3A_436 = arith.constant 0 : i32
      %scan3A_437 = arith.constant 0 : i32
      %scan3A_438 = arith.constant 64 : i32
      %scan3A_439 = arith.addi %scan3A_437, %scan3A_438 : i32
      %scan3A_440 = arith.constant 1 : i32
      scf.for %scan3A_485 = %scan3A_437 to %scan3A_439 step %scan3A_440  : i32 {
        %mul3A_486 = arith.constant 16 : i32
        %mul3A_487 = arith.muli %scan3A_485, %mul3A_486 : i32
        %mul3A_488 = arith.constant 16 : i32
        %mul3A_489 = arith.muli %scan3A_485, %mul3A_488 : i32
        %add3A_490 = arith.constant 1024 : i32
        %add3A_491 = arith.addi %add3A_490, %mul3A_489 : i32
        %get3A = arith.index_cast %mul3A_487 : i32 to index
        %get3A_492 = tpu.vector_load %arg22[%get3A] {strides = array<i32>} : memref<1024xf32, #tpu.memory_space<vmem>>, vector<16xf32>,
        %get3A_493 = arith.index_cast %mul3A_487 : i32 to index
        %get3A_494 = tpu.vector_load %arg24[%get3A_493] {strides = array<i32>} : memref<1024xf32, #tpu.memory_space<vmem>>, vector<16xf32>,
        %get3A_495 = arith.index_cast %mul3A_487 : i32 to index
        %get3A_496 = tpu.vector_load %arg26[%get3A_495] {strides = array<i32>} : memref<1024xf32, #tpu.memory_space<vmem>>, vector<16xf32>,
        %mul3A_497 = arith.mulf %get3A_492, %get3A_492 : vector<16xf32>
        %mul3A_498 = arith.mulf %get3A_494, %get3A_494 : vector<16xf32>
        %add3A_499 = arith.addf %mul3A_497, %mul3A_498 : vector<16xf32>
        %mul3A_500 = arith.mulf %get3A_496, %get3A_496 : vector<16xf32>
        %add3A_501 = arith.addf %add3A_499, %mul3A_500 : vector<16xf32>
        %bitcast_convert_type3A = tpu.bitcast %add3A_501 : vector<16xf32> -> vector<16xi32>
        %shift_right_arithmetic3A = arith.constant 1 : i32
        %shift_right_arithmetic3A_502 = vector.broadcast %shift_right_arithmetic3A : i32 to vector<16xi32>
        %shift_right_arithmetic3A_503 = arith.shrsi %bitcast_convert_type3A, %shift_right_arithmetic3A_502 : vector<16xi32>
        %sub3A_504 = arith.constant 1597463007 : i32
        %sub3A_505 = vector.broadcast %sub3A_504 : i32 to vector<16xi32>
        %sub3A_506 = arith.subi %sub3A_505, %shift_right_arithmetic3A_503 : vector<16xi32>
        %bitcast_convert_type3A_507 = tpu.bitcast %sub3A_506 : vector<16xi32> -> vector<16xf32>
        %mul3A_508 = arith.constant 5.000000e-01 : f32
        %mul3A_509 = vector.broadcast %mul3A_508 : f32 to vector<16xf32>
        %mul3A_510 = arith.mulf %mul3A_509, %add3A_501 : vector<16xf32>
        %mul3A_511 = arith.mulf %mul3A_510, %bitcast_convert_type3A_507 : vector<16xf32>
        %mul3A_512 = arith.mulf %mul3A_511, %bitcast_convert_type3A_507 : vector<16xf32>
        %sub3A_513 = arith.constant 1.500000e+00 : f32
        %sub3A_514 = vector.broadcast %sub3A_513 : f32 to vector<16xf32>
        %sub3A_515 = arith.subf %sub3A_514, %mul3A_512 : vector<16xf32>
        %mul3A_516 = arith.mulf %bitcast_convert_type3A_507, %sub3A_515 : vector<16xf32>
        %mul3A_517 = arith.constant 5.000000e-01 : f32
        %mul3A_518 = vector.broadcast %mul3A_517 : f32 to vector<16xf32>
        %mul3A_519 = arith.mulf %mul3A_518, %add3A_501 : vector<16xf32>
        %mul3A_520 = arith.mulf %mul3A_519, %mul3A_516 : vector<16xf32>
        %mul3A_521 = arith.mulf %mul3A_520, %mul3A_516 : vector<16xf32>
        %sub3A_522 = arith.constant 1.500000e+00 : f32
        %sub3A_523 = vector.broadcast %sub3A_522 : f32 to vector<16xf32>
        %sub3A_524 = arith.subf %sub3A_523, %mul3A_521 : vector<16xf32>
        %mul3A_525 = arith.mulf %mul3A_516, %sub3A_524 : vector<16xf32>
        %mul3A_526 = arith.constant 5.000000e-01 : f32
        %mul3A_527 = vector.broadcast %mul3A_526 : f32 to vector<16xf32>
        %mul3A_528 = arith.mulf %mul3A_527, %add3A_501 : vector<16xf32>
        %mul3A_529 = arith.mulf %mul3A_528, %mul3A_525 : vector<16xf32>
        %mul3A_530 = arith.mulf %mul3A_529, %mul3A_525 : vector<16xf32>
        %sub3A_531 = arith.constant 1.500000e+00 : f32
        %sub3A_532 = vector.broadcast %sub3A_531 : f32 to vector<16xf32>
        %sub3A_533 = arith.subf %sub3A_532, %mul3A_530 : vector<16xf32>
        %mul3A_534 = arith.mulf %mul3A_525, %sub3A_533 : vector<16xf32>
        %mul3A_535 = arith.mulf %mul3A_534, %mul3A_534 : vector<16xf32>
        %mul3A_536 = arith.mulf %mul3A_535, %mul3A_534 : vector<16xf32>
        %mul3A_537 = arith.constant 5.000000e-01 : f32
        %mul3A_538 = vector.broadcast %mul3A_537 : f32 to vector<16xf32>
        %mul3A_539 = arith.mulf %mul3A_538, %mul3A_536 : vector<16xf32>
        %mul3A_540 = arith.mulf %mul3A_535, %mul3A_539 : vector<16xf32>
        %mul3A_541 = arith.constant 3.000000e+00 : f32
        %mul3A_542 = vector.broadcast %mul3A_541 : f32 to vector<16xf32>
        %mul3A_543 = arith.mulf %mul3A_542, %mul3A_540 : vector<16xf32>
        %not3A = arith.constant true
        %not3A_544 = arith.xori %eq3A_435, %not3A : i1
        %mul3A_545 = arith.constant 16 : i32
        %mul3A_546 = arith.muli %scan3A_485, %mul3A_545 : i32
        %add3A_547 = arith.addi %multiple_of3A_432, %mul3A_546 : i32
        %add3A_548 = vector.broadcast %add3A_547 : i32 to vector<16xi32>
        %add3A_549 = arith.addi %add3A_548, %iota3A : vector<16xi32>
        %ge3A_550 = arith.constant 1599488 : i32
        %ge3A_551 = vector.broadcast %ge3A_550 : i32 to vector<16xi32>
        %ge3A_552 = arith.cmpi sge, %add3A_549, %ge3A_551 : vector<16xi32>
        %or3A = vector.broadcast %not3A_544 : i1 to vector<16xi1>
        %or3A_553 = arith.ori %or3A, %ge3A_552 : vector<16xi1>
        %and3A_554 = vector.broadcast %lt3A_433 : i1 to vector<16xi1>
        %and3A_555 = arith.andi %and3A_554, %or3A_553 : vector<16xi1>
        %jit3A_556 = arith.constant 0.000000e+00 : f32
        %broadcast_in_dim3A = vector.broadcast %jit3A_556 : f32 to vector<16xf32>
        %select_n3A_557 = arith.select %and3A_555, %mul3A_539, %broadcast_in_dim3A : vector<16xi1>, vector<16xf32>
        %jit3A_558 = arith.constant 0.000000e+00 : f32
        %broadcast_in_dim3A_559 = vector.broadcast %jit3A_558 : f32 to vector<16xf32>
        %select_n3A_560 = arith.select %and3A_555, %mul3A_543, %broadcast_in_dim3A_559 : vector<16xi1>, vector<16xf32>
        %get3A_561 = arith.index_cast %add3A_491 : i32 to index
        %get3A_562 = tpu.vector_load %arg28[%get3A_561] {strides = array<i32>} : memref<2048xf32, #tpu.memory_space<vmem>>, vector<16xf32>,
        %get3A_563 = arith.index_cast %add3A_491 : i32 to index
        %get3A_564 = tpu.vector_load %arg30[%get3A_563] {strides = array<i32>} : memref<2048xf32, #tpu.memory_space<vmem>>, vector<16xf32>,
        %get3A_565 = arith.index_cast %add3A_491 : i32 to index
        %get3A_566 = tpu.vector_load %arg32[%get3A_565] {strides = array<i32>} : memref<2048xf32, #tpu.memory_space<vmem>>, vector<16xf32>,
        %mul3A_567 = arith.mulf %get3A_562, %get3A_492 : vector<16xf32>
        %mul3A_568 = arith.mulf %get3A_564, %get3A_494 : vector<16xf32>
        %add3A_569 = arith.addf %mul3A_567, %mul3A_568 : vector<16xf32>
        %mul3A_570 = arith.mulf %get3A_566, %get3A_496 : vector<16xf32>
        %add3A_571 = arith.addf %add3A_569, %mul3A_570 : vector<16xf32>
        %mul3A_572 = arith.mulf %add3A_571, %select_n3A_560 : vector<16xf32>
        %mul3A_573 = arith.mulf %get3A_562, %select_n3A_557 : vector<16xf32>
        %mul3A_574 = arith.mulf %get3A_492, %mul3A_572 : vector<16xf32>
        %sub3A_575 = arith.subf %mul3A_573, %mul3A_574 : vector<16xf32>
        %swap3A = arith.index_cast %mul3A_487 : i32 to index
        %swap3A_576 = tpu.vector_load %arg34[%swap3A] {strides = array<i32>} : memref<2048xf32, #tpu.memory_space<vmem>>, vector<16xf32>,
        tpu.vector_store %arg34[%swap3A], %sub3A_575 {strides = array<i32>} : memref<2048xf32, #tpu.memory_space<vmem>>, vector<16xf32>,
        %mul3A_577 = arith.mulf %get3A_564, %select_n3A_557 : vector<16xf32>
        %mul3A_578 = arith.mulf %get3A_494, %mul3A_572 : vector<16xf32>
        %sub3A_579 = arith.subf %mul3A_577, %mul3A_578 : vector<16xf32>
        %swap3A_580 = arith.index_cast %mul3A_487 : i32 to index
        %swap3A_581 = tpu.vector_load %arg36[%swap3A_580] {strides = array<i32>} : memref<2048xf32, #tpu.memory_space<vmem>>, vector<16xf32>,
        tpu.vector_store %arg36[%swap3A_580], %sub3A_579 {strides = array<i32>} : memref<2048xf32, #tpu.memory_space<vmem>>, vector<16xf32>,
        %mul3A_582 = arith.mulf %get3A_566, %select_n3A_557 : vector<16xf32>
        %mul3A_583 = arith.mulf %get3A_496, %mul3A_572 : vector<16xf32>
        %sub3A_584 = arith.subf %mul3A_582, %mul3A_583 : vector<16xf32>
        %swap3A_585 = arith.index_cast %mul3A_487 : i32 to index
        %swap3A_586 = tpu.vector_load %arg38[%swap3A_585] {strides = array<i32>} : memref<2048xf32, #tpu.memory_space<vmem>>, vector<16xf32>,
        tpu.vector_store %arg38[%swap3A_585], %sub3A_584 {strides = array<i32>} : memref<2048xf32, #tpu.memory_space<vmem>>, vector<16xf32>,
        %get3A_587 = arith.index_cast %mul3A_487 : i32 to index
        %get3A_588 = tpu.vector_load %arg28[%get3A_587] {strides = array<i32>} : memref<2048xf32, #tpu.memory_space<vmem>>, vector<16xf32>,
        %get3A_589 = arith.index_cast %mul3A_487 : i32 to index
        %get3A_590 = tpu.vector_load %arg30[%get3A_589] {strides = array<i32>} : memref<2048xf32, #tpu.memory_space<vmem>>, vector<16xf32>,
        %get3A_591 = arith.index_cast %mul3A_487 : i32 to index
        %get3A_592 = tpu.vector_load %arg32[%get3A_591] {strides = array<i32>} : memref<2048xf32, #tpu.memory_space<vmem>>, vector<16xf32>,
        %mul3A_593 = arith.mulf %get3A_588, %get3A_492 : vector<16xf32>
        %mul3A_594 = arith.mulf %get3A_590, %get3A_494 : vector<16xf32>
        %add3A_595 = arith.addf %mul3A_593, %mul3A_594 : vector<16xf32>
        %mul3A_596 = arith.mulf %get3A_592, %get3A_496 : vector<16xf32>
        %add3A_597 = arith.addf %add3A_595, %mul3A_596 : vector<16xf32>
        %mul3A_598 = arith.mulf %add3A_597, %select_n3A_560 : vector<16xf32>
        %mul3A_599 = arith.mulf %get3A_588, %select_n3A_557 : vector<16xf32>
        %mul3A_600 = arith.mulf %get3A_492, %mul3A_598 : vector<16xf32>
        %sub3A_601 = arith.subf %mul3A_599, %mul3A_600 : vector<16xf32>
        %swap3A_602 = arith.index_cast %add3A_491 : i32 to index
        %swap3A_603 = tpu.vector_load %arg34[%swap3A_602] {strides = array<i32>} : memref<2048xf32, #tpu.memory_space<vmem>>, vector<16xf32>,
        tpu.vector_store %arg34[%swap3A_602], %sub3A_601 {strides = array<i32>} : memref<2048xf32, #tpu.memory_space<vmem>>, vector<16xf32>,
        %mul3A_604 = arith.mulf %get3A_590, %select_n3A_557 : vector<16xf32>
        %mul3A_605 = arith.mulf %get3A_494, %mul3A_598 : vector<16xf32>
        %sub3A_606 = arith.subf %mul3A_604, %mul3A_605 : vector<16xf32>
        %swap3A_607 = arith.index_cast %add3A_491 : i32 to index
        %swap3A_608 = tpu.vector_load %arg36[%swap3A_607] {strides = array<i32>} : memref<2048xf32, #tpu.memory_space<vmem>>, vector<16xf32>,
        tpu.vector_store %arg36[%swap3A_607], %sub3A_606 {strides = array<i32>} : memref<2048xf32, #tpu.memory_space<vmem>>, vector<16xf32>,
        %mul3A_609 = arith.mulf %get3A_592, %select_n3A_557 : vector<16xf32>
        %mul3A_610 = arith.mulf %get3A_496, %mul3A_598 : vector<16xf32>
        %sub3A_611 = arith.subf %mul3A_609, %mul3A_610 : vector<16xf32>
        %swap3A_612 = arith.index_cast %add3A_491 : i32 to index
        %swap3A_613 = tpu.vector_load %arg38[%swap3A_612] {strides = array<i32>} : memref<2048xf32, #tpu.memory_space<vmem>>, vector<16xf32>,
        tpu.vector_store %arg38[%swap3A_612], %sub3A_611 {strides = array<i32>} : memref<2048xf32, #tpu.memory_space<vmem>>, vector<16xf32>,
      }
      %scan3A_441 = arith.constant 64 : i32
      %dma_wait3A_442 = arith.constant 0 : i32
      %dma_wait3A_443 = tpu.memref_slice %arg10[%dma_wait3A_442] : memref<53248xf32, #tpu.memory_space<vmem_shared>> -> memref<53248xf32, #tpu.memory_space<vmem_shared>>
      tpu.wait_indirect_dma semaphore(%arg41 : memref<!tpu.dma_semaphore, #tpu.memory_space<semaphore_mem>>) src(%arg33 : memref<2048xf32, #tpu.memory_space<vmem>>) dst(%dma_wait3A_443 : memref<53248xf32, #tpu.memory_space<vmem_shared>>)
      %dma_wait3A_444 = arith.constant 0 : i32
      %dma_wait3A_445 = tpu.memref_slice %arg11[%dma_wait3A_444] : memref<53248xf32, #tpu.memory_space<vmem_shared>> -> memref<53248xf32, #tpu.memory_space<vmem_shared>>
      tpu.wait_indirect_dma semaphore(%arg41 : memref<!tpu.dma_semaphore, #tpu.memory_space<semaphore_mem>>) src(%arg35 : memref<2048xf32, #tpu.memory_space<vmem>>) dst(%dma_wait3A_445 : memref<53248xf32, #tpu.memory_space<vmem_shared>>)
      %dma_wait3A_446 = arith.constant 0 : i32
      %dma_wait3A_447 = tpu.memref_slice %arg12[%dma_wait3A_446] : memref<53248xf32, #tpu.memory_space<vmem_shared>> -> memref<53248xf32, #tpu.memory_space<vmem_shared>>
      tpu.wait_indirect_dma semaphore(%arg41 : memref<!tpu.dma_semaphore, #tpu.memory_space<semaphore_mem>>) src(%arg37 : memref<2048xf32, #tpu.memory_space<vmem>>) dst(%dma_wait3A_447 : memref<53248xf32, #tpu.memory_space<vmem_shared>>)
      %dma_start3A_448 = arith.constant 0 : i32
      %dma_start3A_449 = tpu.memref_slice %arg10[%dma_start3A_448] : memref<53248xf32, #tpu.memory_space<vmem_shared>> -> memref<53248xf32, #tpu.memory_space<vmem_shared>>
      tpu.enqueue_indirect_dma source(%arg34 : memref<2048xf32, #tpu.memory_space<vmem>>) target(%dma_start3A_449 : memref<53248xf32, #tpu.memory_space<vmem_shared>>) offsets(%arg18 : memref<2048xi32, #tpu.memory_space<vmem>>) semaphore(%arg42 : memref<!tpu.dma_semaphore, #tpu.memory_space<semaphore_mem>>) {add = true}
      %dma_start3A_450 = arith.constant 0 : i32
      %dma_start3A_451 = tpu.memref_slice %arg11[%dma_start3A_450] : memref<53248xf32, #tpu.memory_space<vmem_shared>> -> memref<53248xf32, #tpu.memory_space<vmem_shared>>
      tpu.enqueue_indirect_dma source(%arg36 : memref<2048xf32, #tpu.memory_space<vmem>>) target(%dma_start3A_451 : memref<53248xf32, #tpu.memory_space<vmem_shared>>) offsets(%arg18 : memref<2048xi32, #tpu.memory_space<vmem>>) semaphore(%arg42 : memref<!tpu.dma_semaphore, #tpu.memory_space<semaphore_mem>>) {add = true}
      %dma_start3A_452 = arith.constant 0 : i32
      %dma_start3A_453 = tpu.memref_slice %arg12[%dma_start3A_452] : memref<53248xf32, #tpu.memory_space<vmem_shared>> -> memref<53248xf32, #tpu.memory_space<vmem_shared>>
      tpu.enqueue_indirect_dma source(%arg38 : memref<2048xf32, #tpu.memory_space<vmem>>) target(%dma_start3A_453 : memref<53248xf32, #tpu.memory_space<vmem_shared>>) offsets(%arg18 : memref<2048xi32, #tpu.memory_space<vmem>>) semaphore(%arg42 : memref<!tpu.dma_semaphore, #tpu.memory_space<semaphore_mem>>) {add = true}
      %add3A_454 = arith.constant 1 : i32
      %add3A_455 = arith.addi %add3A_388, %add3A_454 : i32
      %ge3A_456 = arith.constant 1562 : i32
      %ge3A_457 = arith.cmpi sge, %add3A_455, %ge3A_456 : i32
      %mul3A_458 = arith.constant 1024 : i32
      %mul3A_459 = arith.muli %add3A_455, %mul3A_458 : i32
      %jit3A_460 = arith.constant 1598976 : i32
      %select_n3A_461 = arith.select %ge3A_457, %jit3A_460, %mul3A_459 : i32
      %multiple_of3A_462 = tpu.assume_multiple %select_n3A_461, 128 : i32
      %mul3A_463 = arith.constant 2 : i32
      %mul3A_464 = arith.muli %multiple_of3A_462, %mul3A_463 : i32
      %multiple_of3A_465 = tpu.assume_multiple %mul3A_464, 128 : i32
      %dma_wait3A_466 = tpu.memref_slice %arg4[%multiple_of3A_465] : memref<3200000xi32, #tpu.memory_space<hbm>> -> memref<2048xi32, #tpu.memory_space<hbm>>
      %dma_wait3A_467 = tpu.memref_slice %arg4[%multiple_of3A_465] : memref<3200000xi32, #tpu.memory_space<hbm>> -> memref<2048xi32, #tpu.memory_space<hbm>>
      tpu.wait_dma2 semaphore(%arg43 : memref<!tpu.dma_semaphore, #tpu.memory_space<semaphore_mem>>) src(%dma_wait3A_467 : memref<2048xi32, #tpu.memory_space<hbm>>) dst(%arg13 : memref<2048xi32, #tpu.memory_space<vmem>>)
      %mul3A_468 = arith.constant 3 : i32
      %mul3A_469 = arith.muli %multiple_of3A_462, %mul3A_468 : i32
      %multiple_of3A_470 = tpu.assume_multiple %mul3A_469, 128 : i32
      %dma_wait3A_471 = tpu.memref_slice %arg5[%multiple_of3A_470] : memref<4800000xf32, #tpu.memory_space<hbm>> -> memref<3072xf32, #tpu.memory_space<hbm>>
      %dma_wait3A_472 = tpu.memref_slice %arg5[%multiple_of3A_470] : memref<4800000xf32, #tpu.memory_space<hbm>> -> memref<3072xf32, #tpu.memory_space<hbm>>
      tpu.wait_dma2 semaphore(%arg43 : memref<!tpu.dma_semaphore, #tpu.memory_space<semaphore_mem>>) src(%dma_wait3A_472 : memref<3072xf32, #tpu.memory_space<hbm>>) dst(%arg19 : memref<3072xf32, #tpu.memory_space<vmem>>)
      %scan3A_473 = arith.constant 0 : i32
      %scan3A_474 = arith.constant 0 : i32
      %scan3A_475 = arith.constant 64 : i32
      %scan3A_476 = arith.addi %scan3A_474, %scan3A_475 : i32
      %scan3A_477 = arith.constant 1 : i32
      scf.for %scan3A_485 = %scan3A_474 to %scan3A_476 step %scan3A_477  : i32 {
        %mul3A_486 = arith.constant 2 : i32
        %mul3A_487 = arith.muli %scan3A_485, %mul3A_486 : i32
        %mul3A_488 = arith.constant 16 : i32
        %mul3A_489 = arith.muli %mul3A_487, %mul3A_488 : i32
        %get3A = arith.index_cast %mul3A_489 : i32 to index
        %get3A_490 = tpu.vector_load %arg13[%get3A] {strides = array<i32>} : memref<2048xi32, #tpu.memory_space<vmem>>, vector<16xi32>,
        %mul3A_491 = arith.constant 2 : i32
        %mul3A_492 = arith.muli %scan3A_485, %mul3A_491 : i32
        %mul3A_493 = arith.constant 16 : i32
        %mul3A_494 = arith.muli %mul3A_492, %mul3A_493 : i32
        %add3A_495 = arith.constant 16 : i32
        %add3A_496 = arith.addi %mul3A_494, %add3A_495 : i32
        %get3A_497 = arith.index_cast %add3A_496 : i32 to index
        %get3A_498 = tpu.vector_load %arg13[%get3A_497] {strides = array<i32>} : memref<2048xi32, #tpu.memory_space<vmem>>, vector<16xi32>,
        %broadcast_in_dim3A = vector.shape_cast %select_n3A_80 : vector<16xi32> to vector<16x1xi32>
        %gather3A = vector.shape_cast %broadcast_in_dim3A : vector<16x1xi32> to vector<16xi32>
        %gather3A_499 = tpu.dynamic_gather %get3A_490[%gather3A] in [0] : vector<16xi32>, vector<16xi32> -> vector<16xi32>
        %broadcast_in_dim3A_500 = vector.shape_cast %select_n3A_80 : vector<16xi32> to vector<16x1xi32>
        %gather3A_501 = vector.shape_cast %broadcast_in_dim3A_500 : vector<16x1xi32> to vector<16xi32>
        %gather3A_502 = tpu.dynamic_gather %get3A_498[%gather3A_501] in [0] : vector<16xi32>, vector<16xi32> -> vector<16xi32>
        %select_n3A_503 = arith.select %lt3A_86, %gather3A_499, %gather3A_502 : vector<16xi1>, vector<16xi32>
        %mul3A_504 = arith.constant 16 : i32
        %mul3A_505 = arith.muli %scan3A_485, %mul3A_504 : i32
        %swap3A = arith.index_cast %mul3A_505 : i32 to index
        %swap3A_506 = tpu.vector_load %arg15[%swap3A] {strides = array<i32>} : memref<2048xi32, #tpu.memory_space<vmem>>, vector<16xi32>,
        tpu.vector_store %arg15[%swap3A], %select_n3A_503 {strides = array<i32>} : memref<2048xi32, #tpu.memory_space<vmem>>, vector<16xi32>,
        %broadcast_in_dim3A_507 = vector.shape_cast %add3A_83 : vector<16xi32> to vector<16x1xi32>
        %gather3A_508 = vector.shape_cast %broadcast_in_dim3A_507 : vector<16x1xi32> to vector<16xi32>
        %gather3A_509 = tpu.dynamic_gather %get3A_490[%gather3A_508] in [0] : vector<16xi32>, vector<16xi32> -> vector<16xi32>
        %broadcast_in_dim3A_510 = vector.shape_cast %add3A_83 : vector<16xi32> to vector<16x1xi32>
        %gather3A_511 = vector.shape_cast %broadcast_in_dim3A_510 : vector<16x1xi32> to vector<16xi32>
        %gather3A_512 = tpu.dynamic_gather %get3A_498[%gather3A_511] in [0] : vector<16xi32>, vector<16xi32> -> vector<16xi32>
        %select_n3A_513 = arith.select %lt3A_86, %gather3A_509, %gather3A_512 : vector<16xi1>, vector<16xi32>
        %mul3A_514 = arith.constant 16 : i32
        %mul3A_515 = arith.muli %scan3A_485, %mul3A_514 : i32
        %add3A_516 = arith.constant 1024 : i32
        %add3A_517 = arith.addi %add3A_516, %mul3A_515 : i32
        %swap3A_518 = arith.index_cast %add3A_517 : i32 to index
        %swap3A_519 = tpu.vector_load %arg15[%swap3A_518] {strides = array<i32>} : memref<2048xi32, #tpu.memory_space<vmem>>, vector<16xi32>,
        tpu.vector_store %arg15[%swap3A_518], %select_n3A_513 {strides = array<i32>} : memref<2048xi32, #tpu.memory_space<vmem>>, vector<16xi32>,
      }
      %scan3A_478 = arith.constant 64 : i32
      %dma_start3A_479 = arith.constant 0 : i32
      %dma_start3A_480 = tpu.memref_slice %arg7[%dma_start3A_479] : memref<53248xf32, #tpu.memory_space<vmem_shared>> -> memref<53248xf32, #tpu.memory_space<vmem_shared>>
      tpu.enqueue_indirect_dma source(%dma_start3A_480 : memref<53248xf32, #tpu.memory_space<vmem_shared>>) target(%arg27 : memref<2048xf32, #tpu.memory_space<vmem>>) offsets(%arg15 : memref<2048xi32, #tpu.memory_space<vmem>>) semaphore(%arg39 : memref<!tpu.dma_semaphore, #tpu.memory_space<semaphore_mem>>)
      %dma_start3A_481 = arith.constant 0 : i32
      %dma_start3A_482 = tpu.memref_slice %arg8[%dma_start3A_481] : memref<53248xf32, #tpu.memory_space<vmem_shared>> -> memref<53248xf32, #tpu.memory_space<vmem_shared>>
      tpu.enqueue_indirect_dma source(%dma_start3A_482 : memref<53248xf32, #tpu.memory_space<vmem_shared>>) target(%arg29 : memref<2048xf32, #tpu.memory_space<vmem>>) offsets(%arg15 : memref<2048xi32, #tpu.memory_space<vmem>>) semaphore(%arg39 : memref<!tpu.dma_semaphore, #tpu.memory_space<semaphore_mem>>)
      %dma_start3A_483 = arith.constant 0 : i32
      %dma_start3A_484 = tpu.memref_slice %arg9[%dma_start3A_483] : memref<53248xf32, #tpu.memory_space<vmem_shared>> -> memref<53248xf32, #tpu.memory_space<vmem_shared>>
      tpu.enqueue_indirect_dma source(%dma_start3A_484 : memref<53248xf32, #tpu.memory_space<vmem_shared>>) target(%arg31 : memref<2048xf32, #tpu.memory_space<vmem>>) offsets(%arg15 : memref<2048xi32, #tpu.memory_space<vmem>>) semaphore(%arg39 : memref<!tpu.dma_semaphore, #tpu.memory_space<semaphore_mem>>)
    }
    %while3A_248 = arith.constant 1 : i32
    scf.for %while3A_286 = %while3A_246 to %while3A_242 step %while3A_248  : i32 {
      %mul3A_287 = arith.constant 2 : i32
      %mul3A_288 = arith.muli %mul3A_287, %while3A_286 : i32
      %add3A_289 = arith.addi %select_n3A, %mul3A_288 : i32
      %add3A_290 = arith.constant 0 : i32
      %add3A_291 = arith.addi %add3A_289, %add3A_290 : i32
      %dma_wait3A_292 = arith.constant 0 : i32
      %dma_wait3A_293 = tpu.memref_slice %arg7[%dma_wait3A_292] : memref<53248xf32, #tpu.memory_space<vmem_shared>> -> memref<53248xf32, #tpu.memory_space<vmem_shared>>
      tpu.wait_indirect_dma semaphore(%arg39 : memref<!tpu.dma_semaphore, #tpu.memory_space<semaphore_mem>>) src(%dma_wait3A_293 : memref<53248xf32, #tpu.memory_space<vmem_shared>>) dst(%arg27 : memref<2048xf32, #tpu.memory_space<vmem>>)
      %dma_wait3A_294 = arith.constant 0 : i32
      %dma_wait3A_295 = tpu.memref_slice %arg8[%dma_wait3A_294] : memref<53248xf32, #tpu.memory_space<vmem_shared>> -> memref<53248xf32, #tpu.memory_space<vmem_shared>>
      tpu.wait_indirect_dma semaphore(%arg39 : memref<!tpu.dma_semaphore, #tpu.memory_space<semaphore_mem>>) src(%dma_wait3A_295 : memref<53248xf32, #tpu.memory_space<vmem_shared>>) dst(%arg29 : memref<2048xf32, #tpu.memory_space<vmem>>)
      %dma_wait3A_296 = arith.constant 0 : i32
      %dma_wait3A_297 = tpu.memref_slice %arg9[%dma_wait3A_296] : memref<53248xf32, #tpu.memory_space<vmem_shared>> -> memref<53248xf32, #tpu.memory_space<vmem_shared>>
      tpu.wait_indirect_dma semaphore(%arg39 : memref<!tpu.dma_semaphore, #tpu.memory_space<semaphore_mem>>) src(%dma_wait3A_297 : memref<53248xf32, #tpu.memory_space<vmem_shared>>) dst(%arg31 : memref<2048xf32, #tpu.memory_space<vmem>>)
      %scan3A_298 = arith.constant 0 : i32
      %scan3A_299 = arith.constant 0 : i32
      %scan3A_300 = arith.constant 128 : i32
      %scan3A_301 = arith.addi %scan3A_299, %scan3A_300 : i32
      %scan3A_302 = arith.constant 1 : i32
      scf.for %scan3A_485 = %scan3A_299 to %scan3A_301 step %scan3A_302  : i32 {
        %mul3A_486 = arith.constant 16 : i32
        %mul3A_487 = arith.muli %scan3A_485, %mul3A_486 : i32
        %get3A = arith.index_cast %mul3A_487 : i32 to index
        %get3A_488 = tpu.vector_load %arg15[%get3A] {strides = array<i32>} : memref<2048xi32, #tpu.memory_space<vmem>>, vector<16xi32>,
        %swap3A = arith.index_cast %mul3A_487 : i32 to index
        %swap3A_489 = tpu.vector_load %arg17[%swap3A] {strides = array<i32>} : memref<2048xi32, #tpu.memory_space<vmem>>, vector<16xi32>,
        tpu.vector_store %arg17[%swap3A], %get3A_488 {strides = array<i32>} : memref<2048xi32, #tpu.memory_space<vmem>>, vector<16xi32>,
      }
      %scan3A_303 = arith.constant 128 : i32
      %add3A_304 = arith.constant 1 : i32
      %add3A_305 = arith.addi %add3A_291, %add3A_304 : i32
      %ge3A_306 = arith.constant 1562 : i32
      %ge3A_307 = arith.cmpi sge, %add3A_305, %ge3A_306 : i32
      %mul3A_308 = arith.constant 1024 : i32
      %mul3A_309 = arith.muli %add3A_305, %mul3A_308 : i32
      %jit3A_310 = arith.constant 1598976 : i32
      %select_n3A_311 = arith.select %ge3A_307, %jit3A_310, %mul3A_309 : i32
      %multiple_of3A_312 = tpu.assume_multiple %select_n3A_311, 128 : i32
      %mul3A_313 = arith.constant 2 : i32
      %mul3A_314 = arith.muli %multiple_of3A_312, %mul3A_313 : i32
      %multiple_of3A_315 = tpu.assume_multiple %mul3A_314, 128 : i32
      %dma_start3A_316 = tpu.memref_slice %arg4[%multiple_of3A_315] : memref<3200000xi32, #tpu.memory_space<hbm>> -> memref<2048xi32, #tpu.memory_space<hbm>>
      %dma_start3A_317 = tpu.memref_slice %arg4[%multiple_of3A_315] : memref<3200000xi32, #tpu.memory_space<hbm>> -> memref<2048xi32, #tpu.memory_space<hbm>>
      tpu.enqueue_dma source(%dma_start3A_317 : memref<2048xi32, #tpu.memory_space<hbm>>) target(%arg14 : memref<2048xi32, #tpu.memory_space<vmem>>) target_semaphore(%arg43 : memref<!tpu.dma_semaphore, #tpu.memory_space<semaphore_mem>>)
      %mul3A_318 = arith.constant 3 : i32
      %mul3A_319 = arith.muli %multiple_of3A_312, %mul3A_318 : i32
      %multiple_of3A_320 = tpu.assume_multiple %mul3A_319, 128 : i32
      %dma_start3A_321 = tpu.memref_slice %arg5[%multiple_of3A_320] : memref<4800000xf32, #tpu.memory_space<hbm>> -> memref<3072xf32, #tpu.memory_space<hbm>>
      %dma_start3A_322 = tpu.memref_slice %arg5[%multiple_of3A_320] : memref<4800000xf32, #tpu.memory_space<hbm>> -> memref<3072xf32, #tpu.memory_space<hbm>>
      tpu.enqueue_dma source(%dma_start3A_322 : memref<3072xf32, #tpu.memory_space<hbm>>) target(%arg20 : memref<3072xf32, #tpu.memory_space<vmem>>) target_semaphore(%arg43 : memref<!tpu.dma_semaphore, #tpu.memory_space<semaphore_mem>>)
      %scan3A_323 = arith.constant 0 : i32
      %scan3A_324 = arith.constant 0 : i32
      %scan3A_325 = arith.constant 64 : i32
      %scan3A_326 = arith.addi %scan3A_324, %scan3A_325 : i32
      %scan3A_327 = arith.constant 1 : i32
      scf.for %scan3A_485 = %scan3A_324 to %scan3A_326 step %scan3A_327  : i32 {
        %mul3A_486 = arith.constant 3 : i32
        %mul3A_487 = arith.muli %scan3A_485, %mul3A_486 : i32
        %mul3A_488 = arith.constant 16 : i32
        %mul3A_489 = arith.muli %mul3A_487, %mul3A_488 : i32
        %get3A = arith.index_cast %mul3A_489 : i32 to index
        %get3A_490 = tpu.vector_load %arg19[%get3A] {strides = array<i32>} : memref<3072xf32, #tpu.memory_space<vmem>>, vector<16xf32>,
        %mul3A_491 = arith.constant 3 : i32
        %mul3A_492 = arith.muli %scan3A_485, %mul3A_491 : i32
        %mul3A_493 = arith.constant 16 : i32
        %mul3A_494 = arith.muli %mul3A_492, %mul3A_493 : i32
        %add3A_495 = arith.constant 16 : i32
        %add3A_496 = arith.addi %mul3A_494, %add3A_495 : i32
        %get3A_497 = arith.index_cast %add3A_496 : i32 to index
        %get3A_498 = tpu.vector_load %arg19[%get3A_497] {strides = array<i32>} : memref<3072xf32, #tpu.memory_space<vmem>>, vector<16xf32>,
        %mul3A_499 = arith.constant 3 : i32
        %mul3A_500 = arith.muli %scan3A_485, %mul3A_499 : i32
        %mul3A_501 = arith.constant 16 : i32
        %mul3A_502 = arith.muli %mul3A_500, %mul3A_501 : i32
        %add3A_503 = arith.constant 32 : i32
        %add3A_504 = arith.addi %mul3A_502, %add3A_503 : i32
        %get3A_505 = arith.index_cast %add3A_504 : i32 to index
        %get3A_506 = tpu.vector_load %arg19[%get3A_505] {strides = array<i32>} : memref<3072xf32, #tpu.memory_space<vmem>>, vector<16xf32>,
        %mul3A_507 = arith.constant 16 : i32
        %mul3A_508 = arith.muli %scan3A_485, %mul3A_507 : i32
        %broadcast_in_dim3A = vector.shape_cast %select_n3A_114 : vector<16xi32> to vector<16x1xi32>
        %gather3A = vector.shape_cast %broadcast_in_dim3A : vector<16x1xi32> to vector<16xi32>
        %gather3A_509 = tpu.dynamic_gather %get3A_490[%gather3A] in [0] : vector<16xf32>, vector<16xi32> -> vector<16xf32>
        %broadcast_in_dim3A_510 = vector.shape_cast %select_n3A_114 : vector<16xi32> to vector<16x1xi32>
        %gather3A_511 = vector.shape_cast %broadcast_in_dim3A_510 : vector<16x1xi32> to vector<16xi32>
        %gather3A_512 = tpu.dynamic_gather %get3A_498[%gather3A_511] in [0] : vector<16xf32>, vector<16xi32> -> vector<16xf32>
        %broadcast_in_dim3A_513 = vector.shape_cast %select_n3A_114 : vector<16xi32> to vector<16x1xi32>
        %gather3A_514 = vector.shape_cast %broadcast_in_dim3A_513 : vector<16x1xi32> to vector<16xi32>
        %gather3A_515 = tpu.dynamic_gather %get3A_506[%gather3A_514] in [0] : vector<16xf32>, vector<16xi32> -> vector<16xf32>
        %lt3A_516 = arith.constant 6 : i32
        %lt3A_517 = vector.broadcast %lt3A_516 : i32 to vector<16xi32>
        %lt3A_518 = arith.cmpi slt, %iota3A, %lt3A_517 : vector<16xi32>
        %lt3A_519 = arith.constant 11 : i32
        %lt3A_520 = vector.broadcast %lt3A_519 : i32 to vector<16xi32>
        %lt3A_521 = arith.cmpi slt, %iota3A, %lt3A_520 : vector<16xi32>
        %select_n3A_522 = arith.select %lt3A_521, %gather3A_512, %gather3A_515 : vector<16xi1>, vector<16xf32>
        %select_n3A_523 = arith.select %lt3A_518, %gather3A_509, %select_n3A_522 : vector<16xi1>, vector<16xf32>
        %swap3A = arith.index_cast %mul3A_508 : i32 to index
        %swap3A_524 = tpu.vector_load %arg21[%swap3A] {strides = array<i32>} : memref<1024xf32, #tpu.memory_space<vmem>>, vector<16xf32>,
        tpu.vector_store %arg21[%swap3A], %select_n3A_523 {strides = array<i32>} : memref<1024xf32, #tpu.memory_space<vmem>>, vector<16xf32>,
        %broadcast_in_dim3A_525 = vector.shape_cast %select_n3A_142 : vector<16xi32> to vector<16x1xi32>
        %gather3A_526 = vector.shape_cast %broadcast_in_dim3A_525 : vector<16x1xi32> to vector<16xi32>
        %gather3A_527 = tpu.dynamic_gather %get3A_490[%gather3A_526] in [0] : vector<16xf32>, vector<16xi32> -> vector<16xf32>
        %broadcast_in_dim3A_528 = vector.shape_cast %select_n3A_142 : vector<16xi32> to vector<16x1xi32>
        %gather3A_529 = vector.shape_cast %broadcast_in_dim3A_528 : vector<16x1xi32> to vector<16xi32>
        %gather3A_530 = tpu.dynamic_gather %get3A_498[%gather3A_529] in [0] : vector<16xf32>, vector<16xi32> -> vector<16xf32>
        %broadcast_in_dim3A_531 = vector.shape_cast %select_n3A_142 : vector<16xi32> to vector<16x1xi32>
        %gather3A_532 = vector.shape_cast %broadcast_in_dim3A_531 : vector<16x1xi32> to vector<16xi32>
        %gather3A_533 = tpu.dynamic_gather %get3A_506[%gather3A_532] in [0] : vector<16xf32>, vector<16xi32> -> vector<16xf32>
        %lt3A_534 = arith.constant 5 : i32
        %lt3A_535 = vector.broadcast %lt3A_534 : i32 to vector<16xi32>
        %lt3A_536 = arith.cmpi slt, %iota3A, %lt3A_535 : vector<16xi32>
        %lt3A_537 = arith.constant 11 : i32
        %lt3A_538 = vector.broadcast %lt3A_537 : i32 to vector<16xi32>
        %lt3A_539 = arith.cmpi slt, %iota3A, %lt3A_538 : vector<16xi32>
        %select_n3A_540 = arith.select %lt3A_539, %gather3A_530, %gather3A_533 : vector<16xi1>, vector<16xf32>
        %select_n3A_541 = arith.select %lt3A_536, %gather3A_527, %select_n3A_540 : vector<16xi1>, vector<16xf32>
        %swap3A_542 = arith.index_cast %mul3A_508 : i32 to index
        %swap3A_543 = tpu.vector_load %arg23[%swap3A_542] {strides = array<i32>} : memref<1024xf32, #tpu.memory_space<vmem>>, vector<16xf32>,
        tpu.vector_store %arg23[%swap3A_542], %select_n3A_541 {strides = array<i32>} : memref<1024xf32, #tpu.memory_space<vmem>>, vector<16xf32>,
        %broadcast_in_dim3A_544 = vector.shape_cast %select_n3A_170 : vector<16xi32> to vector<16x1xi32>
        %gather3A_545 = vector.shape_cast %broadcast_in_dim3A_544 : vector<16x1xi32> to vector<16xi32>
        %gather3A_546 = tpu.dynamic_gather %get3A_490[%gather3A_545] in [0] : vector<16xf32>, vector<16xi32> -> vector<16xf32>
        %broadcast_in_dim3A_547 = vector.shape_cast %select_n3A_170 : vector<16xi32> to vector<16x1xi32>
        %gather3A_548 = vector.shape_cast %broadcast_in_dim3A_547 : vector<16x1xi32> to vector<16xi32>
        %gather3A_549 = tpu.dynamic_gather %get3A_498[%gather3A_548] in [0] : vector<16xf32>, vector<16xi32> -> vector<16xf32>
        %broadcast_in_dim3A_550 = vector.shape_cast %select_n3A_170 : vector<16xi32> to vector<16x1xi32>
        %gather3A_551 = vector.shape_cast %broadcast_in_dim3A_550 : vector<16x1xi32> to vector<16xi32>
        %gather3A_552 = tpu.dynamic_gather %get3A_506[%gather3A_551] in [0] : vector<16xf32>, vector<16xi32> -> vector<16xf32>
        %lt3A_553 = arith.constant 5 : i32
        %lt3A_554 = vector.broadcast %lt3A_553 : i32 to vector<16xi32>
        %lt3A_555 = arith.cmpi slt, %iota3A, %lt3A_554 : vector<16xi32>
        %lt3A_556 = arith.constant 10 : i32
        %lt3A_557 = vector.broadcast %lt3A_556 : i32 to vector<16xi32>
        %lt3A_558 = arith.cmpi slt, %iota3A, %lt3A_557 : vector<16xi32>
        %select_n3A_559 = arith.select %lt3A_558, %gather3A_549, %gather3A_552 : vector<16xi1>, vector<16xf32>
        %select_n3A_560 = arith.select %lt3A_555, %gather3A_546, %select_n3A_559 : vector<16xi1>, vector<16xf32>
        %swap3A_561 = arith.index_cast %mul3A_508 : i32 to index
        %swap3A_562 = tpu.vector_load %arg25[%swap3A_561] {strides = array<i32>} : memref<1024xf32, #tpu.memory_space<vmem>>, vector<16xf32>,
        tpu.vector_store %arg25[%swap3A_561], %select_n3A_560 {strides = array<i32>} : memref<1024xf32, #tpu.memory_space<vmem>>, vector<16xf32>,
      }
      %scan3A_328 = arith.constant 64 : i32
      %ge3A_329 = arith.constant 1562 : i32
      %ge3A_330 = arith.cmpi sge, %add3A_291, %ge3A_329 : i32
      %mul3A_331 = arith.constant 1024 : i32
      %mul3A_332 = arith.muli %add3A_291, %mul3A_331 : i32
      %jit3A_333 = arith.constant 1598976 : i32
      %select_n3A_334 = arith.select %ge3A_330, %jit3A_333, %mul3A_332 : i32
      %multiple_of3A_335 = tpu.assume_multiple %select_n3A_334, 128 : i32
      %lt3A_336 = arith.cmpi slt, %add3A_291, %select_n3A_57 : i32
      %eq3A_337 = arith.constant 1598976 : i32
      %eq3A_338 = arith.cmpi eq, %multiple_of3A_335, %eq3A_337 : i32
      %scan3A_339 = arith.constant 0 : i32
      %scan3A_340 = arith.constant 0 : i32
      %scan3A_341 = arith.constant 64 : i32
      %scan3A_342 = arith.addi %scan3A_340, %scan3A_341 : i32
      %scan3A_343 = arith.constant 1 : i32
      scf.for %scan3A_485 = %scan3A_340 to %scan3A_342 step %scan3A_343  : i32 {
        %mul3A_486 = arith.constant 16 : i32
        %mul3A_487 = arith.muli %scan3A_485, %mul3A_486 : i32
        %mul3A_488 = arith.constant 16 : i32
        %mul3A_489 = arith.muli %scan3A_485, %mul3A_488 : i32
        %add3A_490 = arith.constant 1024 : i32
        %add3A_491 = arith.addi %add3A_490, %mul3A_489 : i32
        %get3A = arith.index_cast %mul3A_487 : i32 to index
        %get3A_492 = tpu.vector_load %arg21[%get3A] {strides = array<i32>} : memref<1024xf32, #tpu.memory_space<vmem>>, vector<16xf32>,
        %get3A_493 = arith.index_cast %mul3A_487 : i32 to index
        %get3A_494 = tpu.vector_load %arg23[%get3A_493] {strides = array<i32>} : memref<1024xf32, #tpu.memory_space<vmem>>, vector<16xf32>,
        %get3A_495 = arith.index_cast %mul3A_487 : i32 to index
        %get3A_496 = tpu.vector_load %arg25[%get3A_495] {strides = array<i32>} : memref<1024xf32, #tpu.memory_space<vmem>>, vector<16xf32>,
        %mul3A_497 = arith.mulf %get3A_492, %get3A_492 : vector<16xf32>
        %mul3A_498 = arith.mulf %get3A_494, %get3A_494 : vector<16xf32>
        %add3A_499 = arith.addf %mul3A_497, %mul3A_498 : vector<16xf32>
        %mul3A_500 = arith.mulf %get3A_496, %get3A_496 : vector<16xf32>
        %add3A_501 = arith.addf %add3A_499, %mul3A_500 : vector<16xf32>
        %bitcast_convert_type3A = tpu.bitcast %add3A_501 : vector<16xf32> -> vector<16xi32>
        %shift_right_arithmetic3A = arith.constant 1 : i32
        %shift_right_arithmetic3A_502 = vector.broadcast %shift_right_arithmetic3A : i32 to vector<16xi32>
        %shift_right_arithmetic3A_503 = arith.shrsi %bitcast_convert_type3A, %shift_right_arithmetic3A_502 : vector<16xi32>
        %sub3A_504 = arith.constant 1597463007 : i32
        %sub3A_505 = vector.broadcast %sub3A_504 : i32 to vector<16xi32>
        %sub3A_506 = arith.subi %sub3A_505, %shift_right_arithmetic3A_503 : vector<16xi32>
        %bitcast_convert_type3A_507 = tpu.bitcast %sub3A_506 : vector<16xi32> -> vector<16xf32>
        %mul3A_508 = arith.constant 5.000000e-01 : f32
        %mul3A_509 = vector.broadcast %mul3A_508 : f32 to vector<16xf32>
        %mul3A_510 = arith.mulf %mul3A_509, %add3A_501 : vector<16xf32>
        %mul3A_511 = arith.mulf %mul3A_510, %bitcast_convert_type3A_507 : vector<16xf32>
        %mul3A_512 = arith.mulf %mul3A_511, %bitcast_convert_type3A_507 : vector<16xf32>
        %sub3A_513 = arith.constant 1.500000e+00 : f32
        %sub3A_514 = vector.broadcast %sub3A_513 : f32 to vector<16xf32>
        %sub3A_515 = arith.subf %sub3A_514, %mul3A_512 : vector<16xf32>
        %mul3A_516 = arith.mulf %bitcast_convert_type3A_507, %sub3A_515 : vector<16xf32>
        %mul3A_517 = arith.constant 5.000000e-01 : f32
        %mul3A_518 = vector.broadcast %mul3A_517 : f32 to vector<16xf32>
        %mul3A_519 = arith.mulf %mul3A_518, %add3A_501 : vector<16xf32>
        %mul3A_520 = arith.mulf %mul3A_519, %mul3A_516 : vector<16xf32>
        %mul3A_521 = arith.mulf %mul3A_520, %mul3A_516 : vector<16xf32>
        %sub3A_522 = arith.constant 1.500000e+00 : f32
        %sub3A_523 = vector.broadcast %sub3A_522 : f32 to vector<16xf32>
        %sub3A_524 = arith.subf %sub3A_523, %mul3A_521 : vector<16xf32>
        %mul3A_525 = arith.mulf %mul3A_516, %sub3A_524 : vector<16xf32>
        %mul3A_526 = arith.constant 5.000000e-01 : f32
        %mul3A_527 = vector.broadcast %mul3A_526 : f32 to vector<16xf32>
        %mul3A_528 = arith.mulf %mul3A_527, %add3A_501 : vector<16xf32>
        %mul3A_529 = arith.mulf %mul3A_528, %mul3A_525 : vector<16xf32>
        %mul3A_530 = arith.mulf %mul3A_529, %mul3A_525 : vector<16xf32>
        %sub3A_531 = arith.constant 1.500000e+00 : f32
        %sub3A_532 = vector.broadcast %sub3A_531 : f32 to vector<16xf32>
        %sub3A_533 = arith.subf %sub3A_532, %mul3A_530 : vector<16xf32>
        %mul3A_534 = arith.mulf %mul3A_525, %sub3A_533 : vector<16xf32>
        %mul3A_535 = arith.mulf %mul3A_534, %mul3A_534 : vector<16xf32>
        %mul3A_536 = arith.mulf %mul3A_535, %mul3A_534 : vector<16xf32>
        %mul3A_537 = arith.constant 5.000000e-01 : f32
        %mul3A_538 = vector.broadcast %mul3A_537 : f32 to vector<16xf32>
        %mul3A_539 = arith.mulf %mul3A_538, %mul3A_536 : vector<16xf32>
        %mul3A_540 = arith.mulf %mul3A_535, %mul3A_539 : vector<16xf32>
        %mul3A_541 = arith.constant 3.000000e+00 : f32
        %mul3A_542 = vector.broadcast %mul3A_541 : f32 to vector<16xf32>
        %mul3A_543 = arith.mulf %mul3A_542, %mul3A_540 : vector<16xf32>
        %not3A = arith.constant true
        %not3A_544 = arith.xori %eq3A_338, %not3A : i1
        %mul3A_545 = arith.constant 16 : i32
        %mul3A_546 = arith.muli %scan3A_485, %mul3A_545 : i32
        %add3A_547 = arith.addi %multiple_of3A_335, %mul3A_546 : i32
        %add3A_548 = vector.broadcast %add3A_547 : i32 to vector<16xi32>
        %add3A_549 = arith.addi %add3A_548, %iota3A : vector<16xi32>
        %ge3A_550 = arith.constant 1599488 : i32
        %ge3A_551 = vector.broadcast %ge3A_550 : i32 to vector<16xi32>
        %ge3A_552 = arith.cmpi sge, %add3A_549, %ge3A_551 : vector<16xi32>
        %or3A = vector.broadcast %not3A_544 : i1 to vector<16xi1>
        %or3A_553 = arith.ori %or3A, %ge3A_552 : vector<16xi1>
        %and3A_554 = vector.broadcast %lt3A_336 : i1 to vector<16xi1>
        %and3A_555 = arith.andi %and3A_554, %or3A_553 : vector<16xi1>
        %jit3A_556 = arith.constant 0.000000e+00 : f32
        %broadcast_in_dim3A = vector.broadcast %jit3A_556 : f32 to vector<16xf32>
        %select_n3A_557 = arith.select %and3A_555, %mul3A_539, %broadcast_in_dim3A : vector<16xi1>, vector<16xf32>
        %jit3A_558 = arith.constant 0.000000e+00 : f32
        %broadcast_in_dim3A_559 = vector.broadcast %jit3A_558 : f32 to vector<16xf32>
        %select_n3A_560 = arith.select %and3A_555, %mul3A_543, %broadcast_in_dim3A_559 : vector<16xi1>, vector<16xf32>
        %get3A_561 = arith.index_cast %add3A_491 : i32 to index
        %get3A_562 = tpu.vector_load %arg27[%get3A_561] {strides = array<i32>} : memref<2048xf32, #tpu.memory_space<vmem>>, vector<16xf32>,
        %get3A_563 = arith.index_cast %add3A_491 : i32 to index
        %get3A_564 = tpu.vector_load %arg29[%get3A_563] {strides = array<i32>} : memref<2048xf32, #tpu.memory_space<vmem>>, vector<16xf32>,
        %get3A_565 = arith.index_cast %add3A_491 : i32 to index
        %get3A_566 = tpu.vector_load %arg31[%get3A_565] {strides = array<i32>} : memref<2048xf32, #tpu.memory_space<vmem>>, vector<16xf32>,
        %mul3A_567 = arith.mulf %get3A_562, %get3A_492 : vector<16xf32>
        %mul3A_568 = arith.mulf %get3A_564, %get3A_494 : vector<16xf32>
        %add3A_569 = arith.addf %mul3A_567, %mul3A_568 : vector<16xf32>
        %mul3A_570 = arith.mulf %get3A_566, %get3A_496 : vector<16xf32>
        %add3A_571 = arith.addf %add3A_569, %mul3A_570 : vector<16xf32>
        %mul3A_572 = arith.mulf %add3A_571, %select_n3A_560 : vector<16xf32>
        %mul3A_573 = arith.mulf %get3A_562, %select_n3A_557 : vector<16xf32>
        %mul3A_574 = arith.mulf %get3A_492, %mul3A_572 : vector<16xf32>
        %sub3A_575 = arith.subf %mul3A_573, %mul3A_574 : vector<16xf32>
        %swap3A = arith.index_cast %mul3A_487 : i32 to index
        %swap3A_576 = tpu.vector_load %arg33[%swap3A] {strides = array<i32>} : memref<2048xf32, #tpu.memory_space<vmem>>, vector<16xf32>,
        tpu.vector_store %arg33[%swap3A], %sub3A_575 {strides = array<i32>} : memref<2048xf32, #tpu.memory_space<vmem>>, vector<16xf32>,
        %mul3A_577 = arith.mulf %get3A_564, %select_n3A_557 : vector<16xf32>
        %mul3A_578 = arith.mulf %get3A_494, %mul3A_572 : vector<16xf32>
        %sub3A_579 = arith.subf %mul3A_577, %mul3A_578 : vector<16xf32>
        %swap3A_580 = arith.index_cast %mul3A_487 : i32 to index
        %swap3A_581 = tpu.vector_load %arg35[%swap3A_580] {strides = array<i32>} : memref<2048xf32, #tpu.memory_space<vmem>>, vector<16xf32>,
        tpu.vector_store %arg35[%swap3A_580], %sub3A_579 {strides = array<i32>} : memref<2048xf32, #tpu.memory_space<vmem>>, vector<16xf32>,
        %mul3A_582 = arith.mulf %get3A_566, %select_n3A_557 : vector<16xf32>
        %mul3A_583 = arith.mulf %get3A_496, %mul3A_572 : vector<16xf32>
        %sub3A_584 = arith.subf %mul3A_582, %mul3A_583 : vector<16xf32>
        %swap3A_585 = arith.index_cast %mul3A_487 : i32 to index
        %swap3A_586 = tpu.vector_load %arg37[%swap3A_585] {strides = array<i32>} : memref<2048xf32, #tpu.memory_space<vmem>>, vector<16xf32>,
        tpu.vector_store %arg37[%swap3A_585], %sub3A_584 {strides = array<i32>} : memref<2048xf32, #tpu.memory_space<vmem>>, vector<16xf32>,
        %get3A_587 = arith.index_cast %mul3A_487 : i32 to index
        %get3A_588 = tpu.vector_load %arg27[%get3A_587] {strides = array<i32>} : memref<2048xf32, #tpu.memory_space<vmem>>, vector<16xf32>,
        %get3A_589 = arith.index_cast %mul3A_487 : i32 to index
        %get3A_590 = tpu.vector_load %arg29[%get3A_589] {strides = array<i32>} : memref<2048xf32, #tpu.memory_space<vmem>>, vector<16xf32>,
        %get3A_591 = arith.index_cast %mul3A_487 : i32 to index
        %get3A_592 = tpu.vector_load %arg31[%get3A_591] {strides = array<i32>} : memref<2048xf32, #tpu.memory_space<vmem>>, vector<16xf32>,
        %mul3A_593 = arith.mulf %get3A_588, %get3A_492 : vector<16xf32>
        %mul3A_594 = arith.mulf %get3A_590, %get3A_494 : vector<16xf32>
        %add3A_595 = arith.addf %mul3A_593, %mul3A_594 : vector<16xf32>
        %mul3A_596 = arith.mulf %get3A_592, %get3A_496 : vector<16xf32>
        %add3A_597 = arith.addf %add3A_595, %mul3A_596 : vector<16xf32>
        %mul3A_598 = arith.mulf %add3A_597, %select_n3A_560 : vector<16xf32>
        %mul3A_599 = arith.mulf %get3A_588, %select_n3A_557 : vector<16xf32>
        %mul3A_600 = arith.mulf %get3A_492, %mul3A_598 : vector<16xf32>
        %sub3A_601 = arith.subf %mul3A_599, %mul3A_600 : vector<16xf32>
        %swap3A_602 = arith.index_cast %add3A_491 : i32 to index
        %swap3A_603 = tpu.vector_load %arg33[%swap3A_602] {strides = array<i32>} : memref<2048xf32, #tpu.memory_space<vmem>>, vector<16xf32>,
        tpu.vector_store %arg33[%swap3A_602], %sub3A_601 {strides = array<i32>} : memref<2048xf32, #tpu.memory_space<vmem>>, vector<16xf32>,
        %mul3A_604 = arith.mulf %get3A_590, %select_n3A_557 : vector<16xf32>
        %mul3A_605 = arith.mulf %get3A_494, %mul3A_598 : vector<16xf32>
        %sub3A_606 = arith.subf %mul3A_604, %mul3A_605 : vector<16xf32>
        %swap3A_607 = arith.index_cast %add3A_491 : i32 to index
        %swap3A_608 = tpu.vector_load %arg35[%swap3A_607] {strides = array<i32>} : memref<2048xf32, #tpu.memory_space<vmem>>, vector<16xf32>,
        tpu.vector_store %arg35[%swap3A_607], %sub3A_606 {strides = array<i32>} : memref<2048xf32, #tpu.memory_space<vmem>>, vector<16xf32>,
        %mul3A_609 = arith.mulf %get3A_592, %select_n3A_557 : vector<16xf32>
        %mul3A_610 = arith.mulf %get3A_496, %mul3A_598 : vector<16xf32>
        %sub3A_611 = arith.subf %mul3A_609, %mul3A_610 : vector<16xf32>
        %swap3A_612 = arith.index_cast %add3A_491 : i32 to index
        %swap3A_613 = tpu.vector_load %arg37[%swap3A_612] {strides = array<i32>} : memref<2048xf32, #tpu.memory_space<vmem>>, vector<16xf32>,
        tpu.vector_store %arg37[%swap3A_612], %sub3A_611 {strides = array<i32>} : memref<2048xf32, #tpu.memory_space<vmem>>, vector<16xf32>,
      }
      %scan3A_344 = arith.constant 64 : i32
      %gt3A = arith.constant 0 : i32
      %gt3A_345 = arith.cmpi sgt, %while3A_286, %gt3A : i32
      %convert_element_type3A = arith.extui %gt3A_345 : i1 to i32
      %cond3A = arith.constant 0 : i32
      %cond3A_346 = arith.cmpi ne, %convert_element_type3A, %cond3A : i32
      scf.if %cond3A_346 {
        %dma_wait3A_485 = arith.constant 0 : i32
        %dma_wait3A_486 = tpu.memref_slice %arg10[%dma_wait3A_485] : memref<53248xf32, #tpu.memory_space<vmem_shared>> -> memref<53248xf32, #tpu.memory_space<vmem_shared>>
        tpu.wait_indirect_dma semaphore(%arg42 : memref<!tpu.dma_semaphore, #tpu.memory_space<semaphore_mem>>) src(%arg34 : memref<2048xf32, #tpu.memory_space<vmem>>) dst(%dma_wait3A_486 : memref<53248xf32, #tpu.memory_space<vmem_shared>>)
        %dma_wait3A_487 = arith.constant 0 : i32
        %dma_wait3A_488 = tpu.memref_slice %arg11[%dma_wait3A_487] : memref<53248xf32, #tpu.memory_space<vmem_shared>> -> memref<53248xf32, #tpu.memory_space<vmem_shared>>
        tpu.wait_indirect_dma semaphore(%arg42 : memref<!tpu.dma_semaphore, #tpu.memory_space<semaphore_mem>>) src(%arg36 : memref<2048xf32, #tpu.memory_space<vmem>>) dst(%dma_wait3A_488 : memref<53248xf32, #tpu.memory_space<vmem_shared>>)
        %dma_wait3A_489 = arith.constant 0 : i32
        %dma_wait3A_490 = tpu.memref_slice %arg12[%dma_wait3A_489] : memref<53248xf32, #tpu.memory_space<vmem_shared>> -> memref<53248xf32, #tpu.memory_space<vmem_shared>>
        tpu.wait_indirect_dma semaphore(%arg42 : memref<!tpu.dma_semaphore, #tpu.memory_space<semaphore_mem>>) src(%arg38 : memref<2048xf32, #tpu.memory_space<vmem>>) dst(%dma_wait3A_490 : memref<53248xf32, #tpu.memory_space<vmem_shared>>)
      } else {
      }
      %dma_start3A_347 = arith.constant 0 : i32
      %dma_start3A_348 = tpu.memref_slice %arg10[%dma_start3A_347] : memref<53248xf32, #tpu.memory_space<vmem_shared>> -> memref<53248xf32, #tpu.memory_space<vmem_shared>>
      tpu.enqueue_indirect_dma source(%arg33 : memref<2048xf32, #tpu.memory_space<vmem>>) target(%dma_start3A_348 : memref<53248xf32, #tpu.memory_space<vmem_shared>>) offsets(%arg17 : memref<2048xi32, #tpu.memory_space<vmem>>) semaphore(%arg41 : memref<!tpu.dma_semaphore, #tpu.memory_space<semaphore_mem>>) {add = true}
      %dma_start3A_349 = arith.constant 0 : i32
      %dma_start3A_350 = tpu.memref_slice %arg11[%dma_start3A_349] : memref<53248xf32, #tpu.memory_space<vmem_shared>> -> memref<53248xf32, #tpu.memory_space<vmem_shared>>
      tpu.enqueue_indirect_dma source(%arg35 : memref<2048xf32, #tpu.memory_space<vmem>>) target(%dma_start3A_350 : memref<53248xf32, #tpu.memory_space<vmem_shared>>) offsets(%arg17 : memref<2048xi32, #tpu.memory_space<vmem>>) semaphore(%arg41 : memref<!tpu.dma_semaphore, #tpu.memory_space<semaphore_mem>>) {add = true}
      %dma_start3A_351 = arith.constant 0 : i32
      %dma_start3A_352 = tpu.memref_slice %arg12[%dma_start3A_351] : memref<53248xf32, #tpu.memory_space<vmem_shared>> -> memref<53248xf32, #tpu.memory_space<vmem_shared>>
      tpu.enqueue_indirect_dma source(%arg37 : memref<2048xf32, #tpu.memory_space<vmem>>) target(%dma_start3A_352 : memref<53248xf32, #tpu.memory_space<vmem_shared>>) offsets(%arg17 : memref<2048xi32, #tpu.memory_space<vmem>>) semaphore(%arg41 : memref<!tpu.dma_semaphore, #tpu.memory_space<semaphore_mem>>) {add = true}
      %add3A_353 = arith.constant 1 : i32
      %add3A_354 = arith.addi %add3A_291, %add3A_353 : i32
      %ge3A_355 = arith.constant 1562 : i32
      %ge3A_356 = arith.cmpi sge, %add3A_354, %ge3A_355 : i32
      %mul3A_357 = arith.constant 1024 : i32
      %mul3A_358 = arith.muli %add3A_354, %mul3A_357 : i32
      %jit3A_359 = arith.constant 1598976 : i32
      %select_n3A_360 = arith.select %ge3A_356, %jit3A_359, %mul3A_358 : i32
      %multiple_of3A_361 = tpu.assume_multiple %select_n3A_360, 128 : i32
      %mul3A_362 = arith.constant 2 : i32
      %mul3A_363 = arith.muli %multiple_of3A_361, %mul3A_362 : i32
      %multiple_of3A_364 = tpu.assume_multiple %mul3A_363, 128 : i32
      %dma_wait3A_365 = tpu.memref_slice %arg4[%multiple_of3A_364] : memref<3200000xi32, #tpu.memory_space<hbm>> -> memref<2048xi32, #tpu.memory_space<hbm>>
      %dma_wait3A_366 = tpu.memref_slice %arg4[%multiple_of3A_364] : memref<3200000xi32, #tpu.memory_space<hbm>> -> memref<2048xi32, #tpu.memory_space<hbm>>
      tpu.wait_dma2 semaphore(%arg43 : memref<!tpu.dma_semaphore, #tpu.memory_space<semaphore_mem>>) src(%dma_wait3A_366 : memref<2048xi32, #tpu.memory_space<hbm>>) dst(%arg14 : memref<2048xi32, #tpu.memory_space<vmem>>)
      %mul3A_367 = arith.constant 3 : i32
      %mul3A_368 = arith.muli %multiple_of3A_361, %mul3A_367 : i32
      %multiple_of3A_369 = tpu.assume_multiple %mul3A_368, 128 : i32
      %dma_wait3A_370 = tpu.memref_slice %arg5[%multiple_of3A_369] : memref<4800000xf32, #tpu.memory_space<hbm>> -> memref<3072xf32, #tpu.memory_space<hbm>>
      %dma_wait3A_371 = tpu.memref_slice %arg5[%multiple_of3A_369] : memref<4800000xf32, #tpu.memory_space<hbm>> -> memref<3072xf32, #tpu.memory_space<hbm>>
      tpu.wait_dma2 semaphore(%arg43 : memref<!tpu.dma_semaphore, #tpu.memory_space<semaphore_mem>>) src(%dma_wait3A_371 : memref<3072xf32, #tpu.memory_space<hbm>>) dst(%arg20 : memref<3072xf32, #tpu.memory_space<vmem>>)
      %scan3A_372 = arith.constant 0 : i32
      %scan3A_373 = arith.constant 0 : i32
      %scan3A_374 = arith.constant 64 : i32
      %scan3A_375 = arith.addi %scan3A_373, %scan3A_374 : i32
      %scan3A_376 = arith.constant 1 : i32
      scf.for %scan3A_485 = %scan3A_373 to %scan3A_375 step %scan3A_376  : i32 {
        %mul3A_486 = arith.constant 2 : i32
        %mul3A_487 = arith.muli %scan3A_485, %mul3A_486 : i32
        %mul3A_488 = arith.constant 16 : i32
        %mul3A_489 = arith.muli %mul3A_487, %mul3A_488 : i32
        %get3A = arith.index_cast %mul3A_489 : i32 to index
        %get3A_490 = tpu.vector_load %arg14[%get3A] {strides = array<i32>} : memref<2048xi32, #tpu.memory_space<vmem>>, vector<16xi32>,
        %mul3A_491 = arith.constant 2 : i32
        %mul3A_492 = arith.muli %scan3A_485, %mul3A_491 : i32
        %mul3A_493 = arith.constant 16 : i32
        %mul3A_494 = arith.muli %mul3A_492, %mul3A_493 : i32
        %add3A_495 = arith.constant 16 : i32
        %add3A_496 = arith.addi %mul3A_494, %add3A_495 : i32
        %get3A_497 = arith.index_cast %add3A_496 : i32 to index
        %get3A_498 = tpu.vector_load %arg14[%get3A_497] {strides = array<i32>} : memref<2048xi32, #tpu.memory_space<vmem>>, vector<16xi32>,
        %broadcast_in_dim3A = vector.shape_cast %select_n3A_80 : vector<16xi32> to vector<16x1xi32>
        %gather3A = vector.shape_cast %broadcast_in_dim3A : vector<16x1xi32> to vector<16xi32>
        %gather3A_499 = tpu.dynamic_gather %get3A_490[%gather3A] in [0] : vector<16xi32>, vector<16xi32> -> vector<16xi32>
        %broadcast_in_dim3A_500 = vector.shape_cast %select_n3A_80 : vector<16xi32> to vector<16x1xi32>
        %gather3A_501 = vector.shape_cast %broadcast_in_dim3A_500 : vector<16x1xi32> to vector<16xi32>
        %gather3A_502 = tpu.dynamic_gather %get3A_498[%gather3A_501] in [0] : vector<16xi32>, vector<16xi32> -> vector<16xi32>
        %select_n3A_503 = arith.select %lt3A_86, %gather3A_499, %gather3A_502 : vector<16xi1>, vector<16xi32>
        %mul3A_504 = arith.constant 16 : i32
        %mul3A_505 = arith.muli %scan3A_485, %mul3A_504 : i32
        %swap3A = arith.index_cast %mul3A_505 : i32 to index
        %swap3A_506 = tpu.vector_load %arg16[%swap3A] {strides = array<i32>} : memref<2048xi32, #tpu.memory_space<vmem>>, vector<16xi32>,
        tpu.vector_store %arg16[%swap3A], %select_n3A_503 {strides = array<i32>} : memref<2048xi32, #tpu.memory_space<vmem>>, vector<16xi32>,
        %broadcast_in_dim3A_507 = vector.shape_cast %add3A_83 : vector<16xi32> to vector<16x1xi32>
        %gather3A_508 = vector.shape_cast %broadcast_in_dim3A_507 : vector<16x1xi32> to vector<16xi32>
        %gather3A_509 = tpu.dynamic_gather %get3A_490[%gather3A_508] in [0] : vector<16xi32>, vector<16xi32> -> vector<16xi32>
        %broadcast_in_dim3A_510 = vector.shape_cast %add3A_83 : vector<16xi32> to vector<16x1xi32>
        %gather3A_511 = vector.shape_cast %broadcast_in_dim3A_510 : vector<16x1xi32> to vector<16xi32>
        %gather3A_512 = tpu.dynamic_gather %get3A_498[%gather3A_511] in [0] : vector<16xi32>, vector<16xi32> -> vector<16xi32>
        %select_n3A_513 = arith.select %lt3A_86, %gather3A_509, %gather3A_512 : vector<16xi1>, vector<16xi32>
        %mul3A_514 = arith.constant 16 : i32
        %mul3A_515 = arith.muli %scan3A_485, %mul3A_514 : i32
        %add3A_516 = arith.constant 1024 : i32
        %add3A_517 = arith.addi %add3A_516, %mul3A_515 : i32
        %swap3A_518 = arith.index_cast %add3A_517 : i32 to index
        %swap3A_519 = tpu.vector_load %arg16[%swap3A_518] {strides = array<i32>} : memref<2048xi32, #tpu.memory_space<vmem>>, vector<16xi32>,
        tpu.vector_store %arg16[%swap3A_518], %select_n3A_513 {strides = array<i32>} : memref<2048xi32, #tpu.memory_space<vmem>>, vector<16xi32>,
      }
      %scan3A_377 = arith.constant 64 : i32
      %dma_start3A_378 = arith.constant 0 : i32
      %dma_start3A_379 = tpu.memref_slice %arg7[%dma_start3A_378] : memref<53248xf32, #tpu.memory_space<vmem_shared>> -> memref<53248xf32, #tpu.memory_space<vmem_shared>>
      tpu.enqueue_indirect_dma source(%dma_start3A_379 : memref<53248xf32, #tpu.memory_space<vmem_shared>>) target(%arg28 : memref<2048xf32, #tpu.memory_space<vmem>>) offsets(%arg16 : memref<2048xi32, #tpu.memory_space<vmem>>) semaphore(%arg40 : memref<!tpu.dma_semaphore, #tpu.memory_space<semaphore_mem>>)
      %dma_start3A_380 = arith.constant 0 : i32
      %dma_start3A_381 = tpu.memref_slice %arg8[%dma_start3A_380] : memref<53248xf32, #tpu.memory_space<vmem_shared>> -> memref<53248xf32, #tpu.memory_space<vmem_shared>>
      tpu.enqueue_indirect_dma source(%dma_start3A_381 : memref<53248xf32, #tpu.memory_space<vmem_shared>>) target(%arg30 : memref<2048xf32, #tpu.memory_space<vmem>>) offsets(%arg16 : memref<2048xi32, #tpu.memory_space<vmem>>) semaphore(%arg40 : memref<!tpu.dma_semaphore, #tpu.memory_space<semaphore_mem>>)
      %dma_start3A_382 = arith.constant 0 : i32
      %dma_start3A_383 = tpu.memref_slice %arg9[%dma_start3A_382] : memref<53248xf32, #tpu.memory_space<vmem_shared>> -> memref<53248xf32, #tpu.memory_space<vmem_shared>>
      tpu.enqueue_indirect_dma source(%dma_start3A_383 : memref<53248xf32, #tpu.memory_space<vmem_shared>>) target(%arg32 : memref<2048xf32, #tpu.memory_space<vmem>>) offsets(%arg16 : memref<2048xi32, #tpu.memory_space<vmem>>) semaphore(%arg40 : memref<!tpu.dma_semaphore, #tpu.memory_space<semaphore_mem>>)
      %mul3A_384 = arith.constant 2 : i32
      %mul3A_385 = arith.muli %mul3A_384, %while3A_286 : i32
      %add3A_386 = arith.addi %select_n3A, %mul3A_385 : i32
      %add3A_387 = arith.constant 1 : i32
      %add3A_388 = arith.addi %add3A_386, %add3A_387 : i32
      %dma_wait3A_389 = arith.constant 0 : i32
      %dma_wait3A_390 = tpu.memref_slice %arg7[%dma_wait3A_389] : memref<53248xf32, #tpu.memory_space<vmem_shared>> -> memref<53248xf32, #tpu.memory_space<vmem_shared>>
      tpu.wait_indirect_dma semaphore(%arg40 : memref<!tpu.dma_semaphore, #tpu.memory_space<semaphore_mem>>) src(%dma_wait3A_390 : memref<53248xf32, #tpu.memory_space<vmem_shared>>) dst(%arg28 : memref<2048xf32, #tpu.memory_space<vmem>>)
      %dma_wait3A_391 = arith.constant 0 : i32
      %dma_wait3A_392 = tpu.memref_slice %arg8[%dma_wait3A_391] : memref<53248xf32, #tpu.memory_space<vmem_shared>> -> memref<53248xf32, #tpu.memory_space<vmem_shared>>
      tpu.wait_indirect_dma semaphore(%arg40 : memref<!tpu.dma_semaphore, #tpu.memory_space<semaphore_mem>>) src(%dma_wait3A_392 : memref<53248xf32, #tpu.memory_space<vmem_shared>>) dst(%arg30 : memref<2048xf32, #tpu.memory_space<vmem>>)
      %dma_wait3A_393 = arith.constant 0 : i32
      %dma_wait3A_394 = tpu.memref_slice %arg9[%dma_wait3A_393] : memref<53248xf32, #tpu.memory_space<vmem_shared>> -> memref<53248xf32, #tpu.memory_space<vmem_shared>>
      tpu.wait_indirect_dma semaphore(%arg40 : memref<!tpu.dma_semaphore, #tpu.memory_space<semaphore_mem>>) src(%dma_wait3A_394 : memref<53248xf32, #tpu.memory_space<vmem_shared>>) dst(%arg32 : memref<2048xf32, #tpu.memory_space<vmem>>)
      %scan3A_395 = arith.constant 0 : i32
      %scan3A_396 = arith.constant 0 : i32
      %scan3A_397 = arith.constant 128 : i32
      %scan3A_398 = arith.addi %scan3A_396, %scan3A_397 : i32
      %scan3A_399 = arith.constant 1 : i32
      scf.for %scan3A_485 = %scan3A_396 to %scan3A_398 step %scan3A_399  : i32 {
        %mul3A_486 = arith.constant 16 : i32
        %mul3A_487 = arith.muli %scan3A_485, %mul3A_486 : i32
        %get3A = arith.index_cast %mul3A_487 : i32 to index
        %get3A_488 = tpu.vector_load %arg16[%get3A] {strides = array<i32>} : memref<2048xi32, #tpu.memory_space<vmem>>, vector<16xi32>,
        %swap3A = arith.index_cast %mul3A_487 : i32 to index
        %swap3A_489 = tpu.vector_load %arg18[%swap3A] {strides = array<i32>} : memref<2048xi32, #tpu.memory_space<vmem>>, vector<16xi32>,
        tpu.vector_store %arg18[%swap3A], %get3A_488 {strides = array<i32>} : memref<2048xi32, #tpu.memory_space<vmem>>, vector<16xi32>,
      }
      %scan3A_400 = arith.constant 128 : i32
      %add3A_401 = arith.constant 1 : i32
      %add3A_402 = arith.addi %add3A_388, %add3A_401 : i32
      %ge3A_403 = arith.constant 1562 : i32
      %ge3A_404 = arith.cmpi sge, %add3A_402, %ge3A_403 : i32
      %mul3A_405 = arith.constant 1024 : i32
      %mul3A_406 = arith.muli %add3A_402, %mul3A_405 : i32
      %jit3A_407 = arith.constant 1598976 : i32
      %select_n3A_408 = arith.select %ge3A_404, %jit3A_407, %mul3A_406 : i32
      %multiple_of3A_409 = tpu.assume_multiple %select_n3A_408, 128 : i32
      %mul3A_410 = arith.constant 2 : i32
      %mul3A_411 = arith.muli %multiple_of3A_409, %mul3A_410 : i32
      %multiple_of3A_412 = tpu.assume_multiple %mul3A_411, 128 : i32
      %dma_start3A_413 = tpu.memref_slice %arg4[%multiple_of3A_412] : memref<3200000xi32, #tpu.memory_space<hbm>> -> memref<2048xi32, #tpu.memory_space<hbm>>
      %dma_start3A_414 = tpu.memref_slice %arg4[%multiple_of3A_412] : memref<3200000xi32, #tpu.memory_space<hbm>> -> memref<2048xi32, #tpu.memory_space<hbm>>
      tpu.enqueue_dma source(%dma_start3A_414 : memref<2048xi32, #tpu.memory_space<hbm>>) target(%arg13 : memref<2048xi32, #tpu.memory_space<vmem>>) target_semaphore(%arg43 : memref<!tpu.dma_semaphore, #tpu.memory_space<semaphore_mem>>)
      %mul3A_415 = arith.constant 3 : i32
      %mul3A_416 = arith.muli %multiple_of3A_409, %mul3A_415 : i32
      %multiple_of3A_417 = tpu.assume_multiple %mul3A_416, 128 : i32
      %dma_start3A_418 = tpu.memref_slice %arg5[%multiple_of3A_417] : memref<4800000xf32, #tpu.memory_space<hbm>> -> memref<3072xf32, #tpu.memory_space<hbm>>
      %dma_start3A_419 = tpu.memref_slice %arg5[%multiple_of3A_417] : memref<4800000xf32, #tpu.memory_space<hbm>> -> memref<3072xf32, #tpu.memory_space<hbm>>
      tpu.enqueue_dma source(%dma_start3A_419 : memref<3072xf32, #tpu.memory_space<hbm>>) target(%arg19 : memref<3072xf32, #tpu.memory_space<vmem>>) target_semaphore(%arg43 : memref<!tpu.dma_semaphore, #tpu.memory_space<semaphore_mem>>)
      %scan3A_420 = arith.constant 0 : i32
      %scan3A_421 = arith.constant 0 : i32
      %scan3A_422 = arith.constant 64 : i32
      %scan3A_423 = arith.addi %scan3A_421, %scan3A_422 : i32
      %scan3A_424 = arith.constant 1 : i32
      scf.for %scan3A_485 = %scan3A_421 to %scan3A_423 step %scan3A_424  : i32 {
        %mul3A_486 = arith.constant 3 : i32
        %mul3A_487 = arith.muli %scan3A_485, %mul3A_486 : i32
        %mul3A_488 = arith.constant 16 : i32
        %mul3A_489 = arith.muli %mul3A_487, %mul3A_488 : i32
        %get3A = arith.index_cast %mul3A_489 : i32 to index
        %get3A_490 = tpu.vector_load %arg20[%get3A] {strides = array<i32>} : memref<3072xf32, #tpu.memory_space<vmem>>, vector<16xf32>,
        %mul3A_491 = arith.constant 3 : i32
        %mul3A_492 = arith.muli %scan3A_485, %mul3A_491 : i32
        %mul3A_493 = arith.constant 16 : i32
        %mul3A_494 = arith.muli %mul3A_492, %mul3A_493 : i32
        %add3A_495 = arith.constant 16 : i32
        %add3A_496 = arith.addi %mul3A_494, %add3A_495 : i32
        %get3A_497 = arith.index_cast %add3A_496 : i32 to index
        %get3A_498 = tpu.vector_load %arg20[%get3A_497] {strides = array<i32>} : memref<3072xf32, #tpu.memory_space<vmem>>, vector<16xf32>,
        %mul3A_499 = arith.constant 3 : i32
        %mul3A_500 = arith.muli %scan3A_485, %mul3A_499 : i32
        %mul3A_501 = arith.constant 16 : i32
        %mul3A_502 = arith.muli %mul3A_500, %mul3A_501 : i32
        %add3A_503 = arith.constant 32 : i32
        %add3A_504 = arith.addi %mul3A_502, %add3A_503 : i32
        %get3A_505 = arith.index_cast %add3A_504 : i32 to index
        %get3A_506 = tpu.vector_load %arg20[%get3A_505] {strides = array<i32>} : memref<3072xf32, #tpu.memory_space<vmem>>, vector<16xf32>,
        %mul3A_507 = arith.constant 16 : i32
        %mul3A_508 = arith.muli %scan3A_485, %mul3A_507 : i32
        %broadcast_in_dim3A = vector.shape_cast %select_n3A_114 : vector<16xi32> to vector<16x1xi32>
        %gather3A = vector.shape_cast %broadcast_in_dim3A : vector<16x1xi32> to vector<16xi32>
        %gather3A_509 = tpu.dynamic_gather %get3A_490[%gather3A] in [0] : vector<16xf32>, vector<16xi32> -> vector<16xf32>
        %broadcast_in_dim3A_510 = vector.shape_cast %select_n3A_114 : vector<16xi32> to vector<16x1xi32>
        %gather3A_511 = vector.shape_cast %broadcast_in_dim3A_510 : vector<16x1xi32> to vector<16xi32>
        %gather3A_512 = tpu.dynamic_gather %get3A_498[%gather3A_511] in [0] : vector<16xf32>, vector<16xi32> -> vector<16xf32>
        %broadcast_in_dim3A_513 = vector.shape_cast %select_n3A_114 : vector<16xi32> to vector<16x1xi32>
        %gather3A_514 = vector.shape_cast %broadcast_in_dim3A_513 : vector<16x1xi32> to vector<16xi32>
        %gather3A_515 = tpu.dynamic_gather %get3A_506[%gather3A_514] in [0] : vector<16xf32>, vector<16xi32> -> vector<16xf32>
        %lt3A_516 = arith.constant 6 : i32
        %lt3A_517 = vector.broadcast %lt3A_516 : i32 to vector<16xi32>
        %lt3A_518 = arith.cmpi slt, %iota3A, %lt3A_517 : vector<16xi32>
        %lt3A_519 = arith.constant 11 : i32
        %lt3A_520 = vector.broadcast %lt3A_519 : i32 to vector<16xi32>
        %lt3A_521 = arith.cmpi slt, %iota3A, %lt3A_520 : vector<16xi32>
        %select_n3A_522 = arith.select %lt3A_521, %gather3A_512, %gather3A_515 : vector<16xi1>, vector<16xf32>
        %select_n3A_523 = arith.select %lt3A_518, %gather3A_509, %select_n3A_522 : vector<16xi1>, vector<16xf32>
        %swap3A = arith.index_cast %mul3A_508 : i32 to index
        %swap3A_524 = tpu.vector_load %arg22[%swap3A] {strides = array<i32>} : memref<1024xf32, #tpu.memory_space<vmem>>, vector<16xf32>,
        tpu.vector_store %arg22[%swap3A], %select_n3A_523 {strides = array<i32>} : memref<1024xf32, #tpu.memory_space<vmem>>, vector<16xf32>,
        %broadcast_in_dim3A_525 = vector.shape_cast %select_n3A_142 : vector<16xi32> to vector<16x1xi32>
        %gather3A_526 = vector.shape_cast %broadcast_in_dim3A_525 : vector<16x1xi32> to vector<16xi32>
        %gather3A_527 = tpu.dynamic_gather %get3A_490[%gather3A_526] in [0] : vector<16xf32>, vector<16xi32> -> vector<16xf32>
        %broadcast_in_dim3A_528 = vector.shape_cast %select_n3A_142 : vector<16xi32> to vector<16x1xi32>
        %gather3A_529 = vector.shape_cast %broadcast_in_dim3A_528 : vector<16x1xi32> to vector<16xi32>
        %gather3A_530 = tpu.dynamic_gather %get3A_498[%gather3A_529] in [0] : vector<16xf32>, vector<16xi32> -> vector<16xf32>
        %broadcast_in_dim3A_531 = vector.shape_cast %select_n3A_142 : vector<16xi32> to vector<16x1xi32>
        %gather3A_532 = vector.shape_cast %broadcast_in_dim3A_531 : vector<16x1xi32> to vector<16xi32>
        %gather3A_533 = tpu.dynamic_gather %get3A_506[%gather3A_532] in [0] : vector<16xf32>, vector<16xi32> -> vector<16xf32>
        %lt3A_534 = arith.constant 5 : i32
        %lt3A_535 = vector.broadcast %lt3A_534 : i32 to vector<16xi32>
        %lt3A_536 = arith.cmpi slt, %iota3A, %lt3A_535 : vector<16xi32>
        %lt3A_537 = arith.constant 11 : i32
        %lt3A_538 = vector.broadcast %lt3A_537 : i32 to vector<16xi32>
        %lt3A_539 = arith.cmpi slt, %iota3A, %lt3A_538 : vector<16xi32>
        %select_n3A_540 = arith.select %lt3A_539, %gather3A_530, %gather3A_533 : vector<16xi1>, vector<16xf32>
        %select_n3A_541 = arith.select %lt3A_536, %gather3A_527, %select_n3A_540 : vector<16xi1>, vector<16xf32>
        %swap3A_542 = arith.index_cast %mul3A_508 : i32 to index
        %swap3A_543 = tpu.vector_load %arg24[%swap3A_542] {strides = array<i32>} : memref<1024xf32, #tpu.memory_space<vmem>>, vector<16xf32>,
        tpu.vector_store %arg24[%swap3A_542], %select_n3A_541 {strides = array<i32>} : memref<1024xf32, #tpu.memory_space<vmem>>, vector<16xf32>,
        %broadcast_in_dim3A_544 = vector.shape_cast %select_n3A_170 : vector<16xi32> to vector<16x1xi32>
        %gather3A_545 = vector.shape_cast %broadcast_in_dim3A_544 : vector<16x1xi32> to vector<16xi32>
        %gather3A_546 = tpu.dynamic_gather %get3A_490[%gather3A_545] in [0] : vector<16xf32>, vector<16xi32> -> vector<16xf32>
        %broadcast_in_dim3A_547 = vector.shape_cast %select_n3A_170 : vector<16xi32> to vector<16x1xi32>
        %gather3A_548 = vector.shape_cast %broadcast_in_dim3A_547 : vector<16x1xi32> to vector<16xi32>
        %gather3A_549 = tpu.dynamic_gather %get3A_498[%gather3A_548] in [0] : vector<16xf32>, vector<16xi32> -> vector<16xf32>
        %broadcast_in_dim3A_550 = vector.shape_cast %select_n3A_170 : vector<16xi32> to vector<16x1xi32>
        %gather3A_551 = vector.shape_cast %broadcast_in_dim3A_550 : vector<16x1xi32> to vector<16xi32>
        %gather3A_552 = tpu.dynamic_gather %get3A_506[%gather3A_551] in [0] : vector<16xf32>, vector<16xi32> -> vector<16xf32>
        %lt3A_553 = arith.constant 5 : i32
        %lt3A_554 = vector.broadcast %lt3A_553 : i32 to vector<16xi32>
        %lt3A_555 = arith.cmpi slt, %iota3A, %lt3A_554 : vector<16xi32>
        %lt3A_556 = arith.constant 10 : i32
        %lt3A_557 = vector.broadcast %lt3A_556 : i32 to vector<16xi32>
        %lt3A_558 = arith.cmpi slt, %iota3A, %lt3A_557 : vector<16xi32>
        %select_n3A_559 = arith.select %lt3A_558, %gather3A_549, %gather3A_552 : vector<16xi1>, vector<16xf32>
        %select_n3A_560 = arith.select %lt3A_555, %gather3A_546, %select_n3A_559 : vector<16xi1>, vector<16xf32>
        %swap3A_561 = arith.index_cast %mul3A_508 : i32 to index
        %swap3A_562 = tpu.vector_load %arg26[%swap3A_561] {strides = array<i32>} : memref<1024xf32, #tpu.memory_space<vmem>>, vector<16xf32>,
        tpu.vector_store %arg26[%swap3A_561], %select_n3A_560 {strides = array<i32>} : memref<1024xf32, #tpu.memory_space<vmem>>, vector<16xf32>,
      }
      %scan3A_425 = arith.constant 64 : i32
      %ge3A_426 = arith.constant 1562 : i32
      %ge3A_427 = arith.cmpi sge, %add3A_388, %ge3A_426 : i32
      %mul3A_428 = arith.constant 1024 : i32
      %mul3A_429 = arith.muli %add3A_388, %mul3A_428 : i32
      %jit3A_430 = arith.constant 1598976 : i32
      %select_n3A_431 = arith.select %ge3A_427, %jit3A_430, %mul3A_429 : i32
      %multiple_of3A_432 = tpu.assume_multiple %select_n3A_431, 128 : i32
      %lt3A_433 = arith.cmpi slt, %add3A_388, %select_n3A_57 : i32
      %eq3A_434 = arith.constant 1598976 : i32
      %eq3A_435 = arith.cmpi eq, %multiple_of3A_432, %eq3A_434 : i32
      %scan3A_436 = arith.constant 0 : i32
      %scan3A_437 = arith.constant 0 : i32
      %scan3A_438 = arith.constant 64 : i32
      %scan3A_439 = arith.addi %scan3A_437, %scan3A_438 : i32
      %scan3A_440 = arith.constant 1 : i32
      scf.for %scan3A_485 = %scan3A_437 to %scan3A_439 step %scan3A_440  : i32 {
        %mul3A_486 = arith.constant 16 : i32
        %mul3A_487 = arith.muli %scan3A_485, %mul3A_486 : i32
        %mul3A_488 = arith.constant 16 : i32
        %mul3A_489 = arith.muli %scan3A_485, %mul3A_488 : i32
        %add3A_490 = arith.constant 1024 : i32
        %add3A_491 = arith.addi %add3A_490, %mul3A_489 : i32
        %get3A = arith.index_cast %mul3A_487 : i32 to index
        %get3A_492 = tpu.vector_load %arg22[%get3A] {strides = array<i32>} : memref<1024xf32, #tpu.memory_space<vmem>>, vector<16xf32>,
        %get3A_493 = arith.index_cast %mul3A_487 : i32 to index
        %get3A_494 = tpu.vector_load %arg24[%get3A_493] {strides = array<i32>} : memref<1024xf32, #tpu.memory_space<vmem>>, vector<16xf32>,
        %get3A_495 = arith.index_cast %mul3A_487 : i32 to index
        %get3A_496 = tpu.vector_load %arg26[%get3A_495] {strides = array<i32>} : memref<1024xf32, #tpu.memory_space<vmem>>, vector<16xf32>,
        %mul3A_497 = arith.mulf %get3A_492, %get3A_492 : vector<16xf32>
        %mul3A_498 = arith.mulf %get3A_494, %get3A_494 : vector<16xf32>
        %add3A_499 = arith.addf %mul3A_497, %mul3A_498 : vector<16xf32>
        %mul3A_500 = arith.mulf %get3A_496, %get3A_496 : vector<16xf32>
        %add3A_501 = arith.addf %add3A_499, %mul3A_500 : vector<16xf32>
        %bitcast_convert_type3A = tpu.bitcast %add3A_501 : vector<16xf32> -> vector<16xi32>
        %shift_right_arithmetic3A = arith.constant 1 : i32
        %shift_right_arithmetic3A_502 = vector.broadcast %shift_right_arithmetic3A : i32 to vector<16xi32>
        %shift_right_arithmetic3A_503 = arith.shrsi %bitcast_convert_type3A, %shift_right_arithmetic3A_502 : vector<16xi32>
        %sub3A_504 = arith.constant 1597463007 : i32
        %sub3A_505 = vector.broadcast %sub3A_504 : i32 to vector<16xi32>
        %sub3A_506 = arith.subi %sub3A_505, %shift_right_arithmetic3A_503 : vector<16xi32>
        %bitcast_convert_type3A_507 = tpu.bitcast %sub3A_506 : vector<16xi32> -> vector<16xf32>
        %mul3A_508 = arith.constant 5.000000e-01 : f32
        %mul3A_509 = vector.broadcast %mul3A_508 : f32 to vector<16xf32>
        %mul3A_510 = arith.mulf %mul3A_509, %add3A_501 : vector<16xf32>
        %mul3A_511 = arith.mulf %mul3A_510, %bitcast_convert_type3A_507 : vector<16xf32>
        %mul3A_512 = arith.mulf %mul3A_511, %bitcast_convert_type3A_507 : vector<16xf32>
        %sub3A_513 = arith.constant 1.500000e+00 : f32
        %sub3A_514 = vector.broadcast %sub3A_513 : f32 to vector<16xf32>
        %sub3A_515 = arith.subf %sub3A_514, %mul3A_512 : vector<16xf32>
        %mul3A_516 = arith.mulf %bitcast_convert_type3A_507, %sub3A_515 : vector<16xf32>
        %mul3A_517 = arith.constant 5.000000e-01 : f32
        %mul3A_518 = vector.broadcast %mul3A_517 : f32 to vector<16xf32>
        %mul3A_519 = arith.mulf %mul3A_518, %add3A_501 : vector<16xf32>
        %mul3A_520 = arith.mulf %mul3A_519, %mul3A_516 : vector<16xf32>
        %mul3A_521 = arith.mulf %mul3A_520, %mul3A_516 : vector<16xf32>
        %sub3A_522 = arith.constant 1.500000e+00 : f32
        %sub3A_523 = vector.broadcast %sub3A_522 : f32 to vector<16xf32>
        %sub3A_524 = arith.subf %sub3A_523, %mul3A_521 : vector<16xf32>
        %mul3A_525 = arith.mulf %mul3A_516, %sub3A_524 : vector<16xf32>
        %mul3A_526 = arith.constant 5.000000e-01 : f32
        %mul3A_527 = vector.broadcast %mul3A_526 : f32 to vector<16xf32>
        %mul3A_528 = arith.mulf %mul3A_527, %add3A_501 : vector<16xf32>
        %mul3A_529 = arith.mulf %mul3A_528, %mul3A_525 : vector<16xf32>
        %mul3A_530 = arith.mulf %mul3A_529, %mul3A_525 : vector<16xf32>
        %sub3A_531 = arith.constant 1.500000e+00 : f32
        %sub3A_532 = vector.broadcast %sub3A_531 : f32 to vector<16xf32>
        %sub3A_533 = arith.subf %sub3A_532, %mul3A_530 : vector<16xf32>
        %mul3A_534 = arith.mulf %mul3A_525, %sub3A_533 : vector<16xf32>
        %mul3A_535 = arith.mulf %mul3A_534, %mul3A_534 : vector<16xf32>
        %mul3A_536 = arith.mulf %mul3A_535, %mul3A_534 : vector<16xf32>
        %mul3A_537 = arith.constant 5.000000e-01 : f32
        %mul3A_538 = vector.broadcast %mul3A_537 : f32 to vector<16xf32>
        %mul3A_539 = arith.mulf %mul3A_538, %mul3A_536 : vector<16xf32>
        %mul3A_540 = arith.mulf %mul3A_535, %mul3A_539 : vector<16xf32>
        %mul3A_541 = arith.constant 3.000000e+00 : f32
        %mul3A_542 = vector.broadcast %mul3A_541 : f32 to vector<16xf32>
        %mul3A_543 = arith.mulf %mul3A_542, %mul3A_540 : vector<16xf32>
        %not3A = arith.constant true
        %not3A_544 = arith.xori %eq3A_435, %not3A : i1
        %mul3A_545 = arith.constant 16 : i32
        %mul3A_546 = arith.muli %scan3A_485, %mul3A_545 : i32
        %add3A_547 = arith.addi %multiple_of3A_432, %mul3A_546 : i32
        %add3A_548 = vector.broadcast %add3A_547 : i32 to vector<16xi32>
        %add3A_549 = arith.addi %add3A_548, %iota3A : vector<16xi32>
        %ge3A_550 = arith.constant 1599488 : i32
        %ge3A_551 = vector.broadcast %ge3A_550 : i32 to vector<16xi32>
        %ge3A_552 = arith.cmpi sge, %add3A_549, %ge3A_551 : vector<16xi32>
        %or3A = vector.broadcast %not3A_544 : i1 to vector<16xi1>
        %or3A_553 = arith.ori %or3A, %ge3A_552 : vector<16xi1>
        %and3A_554 = vector.broadcast %lt3A_433 : i1 to vector<16xi1>
        %and3A_555 = arith.andi %and3A_554, %or3A_553 : vector<16xi1>
        %jit3A_556 = arith.constant 0.000000e+00 : f32
        %broadcast_in_dim3A = vector.broadcast %jit3A_556 : f32 to vector<16xf32>
        %select_n3A_557 = arith.select %and3A_555, %mul3A_539, %broadcast_in_dim3A : vector<16xi1>, vector<16xf32>
        %jit3A_558 = arith.constant 0.000000e+00 : f32
        %broadcast_in_dim3A_559 = vector.broadcast %jit3A_558 : f32 to vector<16xf32>
        %select_n3A_560 = arith.select %and3A_555, %mul3A_543, %broadcast_in_dim3A_559 : vector<16xi1>, vector<16xf32>
        %get3A_561 = arith.index_cast %add3A_491 : i32 to index
        %get3A_562 = tpu.vector_load %arg28[%get3A_561] {strides = array<i32>} : memref<2048xf32, #tpu.memory_space<vmem>>, vector<16xf32>,
        %get3A_563 = arith.index_cast %add3A_491 : i32 to index
        %get3A_564 = tpu.vector_load %arg30[%get3A_563] {strides = array<i32>} : memref<2048xf32, #tpu.memory_space<vmem>>, vector<16xf32>,
        %get3A_565 = arith.index_cast %add3A_491 : i32 to index
        %get3A_566 = tpu.vector_load %arg32[%get3A_565] {strides = array<i32>} : memref<2048xf32, #tpu.memory_space<vmem>>, vector<16xf32>,
        %mul3A_567 = arith.mulf %get3A_562, %get3A_492 : vector<16xf32>
        %mul3A_568 = arith.mulf %get3A_564, %get3A_494 : vector<16xf32>
        %add3A_569 = arith.addf %mul3A_567, %mul3A_568 : vector<16xf32>
        %mul3A_570 = arith.mulf %get3A_566, %get3A_496 : vector<16xf32>
        %add3A_571 = arith.addf %add3A_569, %mul3A_570 : vector<16xf32>
        %mul3A_572 = arith.mulf %add3A_571, %select_n3A_560 : vector<16xf32>
        %mul3A_573 = arith.mulf %get3A_562, %select_n3A_557 : vector<16xf32>
        %mul3A_574 = arith.mulf %get3A_492, %mul3A_572 : vector<16xf32>
        %sub3A_575 = arith.subf %mul3A_573, %mul3A_574 : vector<16xf32>
        %swap3A = arith.index_cast %mul3A_487 : i32 to index
        %swap3A_576 = tpu.vector_load %arg34[%swap3A] {strides = array<i32>} : memref<2048xf32, #tpu.memory_space<vmem>>, vector<16xf32>,
        tpu.vector_store %arg34[%swap3A], %sub3A_575 {strides = array<i32>} : memref<2048xf32, #tpu.memory_space<vmem>>, vector<16xf32>,
        %mul3A_577 = arith.mulf %get3A_564, %select_n3A_557 : vector<16xf32>
        %mul3A_578 = arith.mulf %get3A_494, %mul3A_572 : vector<16xf32>
        %sub3A_579 = arith.subf %mul3A_577, %mul3A_578 : vector<16xf32>
        %swap3A_580 = arith.index_cast %mul3A_487 : i32 to index
        %swap3A_581 = tpu.vector_load %arg36[%swap3A_580] {strides = array<i32>} : memref<2048xf32, #tpu.memory_space<vmem>>, vector<16xf32>,
        tpu.vector_store %arg36[%swap3A_580], %sub3A_579 {strides = array<i32>} : memref<2048xf32, #tpu.memory_space<vmem>>, vector<16xf32>,
        %mul3A_582 = arith.mulf %get3A_566, %select_n3A_557 : vector<16xf32>
        %mul3A_583 = arith.mulf %get3A_496, %mul3A_572 : vector<16xf32>
        %sub3A_584 = arith.subf %mul3A_582, %mul3A_583 : vector<16xf32>
        %swap3A_585 = arith.index_cast %mul3A_487 : i32 to index
        %swap3A_586 = tpu.vector_load %arg38[%swap3A_585] {strides = array<i32>} : memref<2048xf32, #tpu.memory_space<vmem>>, vector<16xf32>,
        tpu.vector_store %arg38[%swap3A_585], %sub3A_584 {strides = array<i32>} : memref<2048xf32, #tpu.memory_space<vmem>>, vector<16xf32>,
        %get3A_587 = arith.index_cast %mul3A_487 : i32 to index
        %get3A_588 = tpu.vector_load %arg28[%get3A_587] {strides = array<i32>} : memref<2048xf32, #tpu.memory_space<vmem>>, vector<16xf32>,
        %get3A_589 = arith.index_cast %mul3A_487 : i32 to index
        %get3A_590 = tpu.vector_load %arg30[%get3A_589] {strides = array<i32>} : memref<2048xf32, #tpu.memory_space<vmem>>, vector<16xf32>,
        %get3A_591 = arith.index_cast %mul3A_487 : i32 to index
        %get3A_592 = tpu.vector_load %arg32[%get3A_591] {strides = array<i32>} : memref<2048xf32, #tpu.memory_space<vmem>>, vector<16xf32>,
        %mul3A_593 = arith.mulf %get3A_588, %get3A_492 : vector<16xf32>
        %mul3A_594 = arith.mulf %get3A_590, %get3A_494 : vector<16xf32>
        %add3A_595 = arith.addf %mul3A_593, %mul3A_594 : vector<16xf32>
        %mul3A_596 = arith.mulf %get3A_592, %get3A_496 : vector<16xf32>
        %add3A_597 = arith.addf %add3A_595, %mul3A_596 : vector<16xf32>
        %mul3A_598 = arith.mulf %add3A_597, %select_n3A_560 : vector<16xf32>
        %mul3A_599 = arith.mulf %get3A_588, %select_n3A_557 : vector<16xf32>
        %mul3A_600 = arith.mulf %get3A_492, %mul3A_598 : vector<16xf32>
        %sub3A_601 = arith.subf %mul3A_599, %mul3A_600 : vector<16xf32>
        %swap3A_602 = arith.index_cast %add3A_491 : i32 to index
        %swap3A_603 = tpu.vector_load %arg34[%swap3A_602] {strides = array<i32>} : memref<2048xf32, #tpu.memory_space<vmem>>, vector<16xf32>,
        tpu.vector_store %arg34[%swap3A_602], %sub3A_601 {strides = array<i32>} : memref<2048xf32, #tpu.memory_space<vmem>>, vector<16xf32>,
        %mul3A_604 = arith.mulf %get3A_590, %select_n3A_557 : vector<16xf32>
        %mul3A_605 = arith.mulf %get3A_494, %mul3A_598 : vector<16xf32>
        %sub3A_606 = arith.subf %mul3A_604, %mul3A_605 : vector<16xf32>
        %swap3A_607 = arith.index_cast %add3A_491 : i32 to index
        %swap3A_608 = tpu.vector_load %arg36[%swap3A_607] {strides = array<i32>} : memref<2048xf32, #tpu.memory_space<vmem>>, vector<16xf32>,
        tpu.vector_store %arg36[%swap3A_607], %sub3A_606 {strides = array<i32>} : memref<2048xf32, #tpu.memory_space<vmem>>, vector<16xf32>,
        %mul3A_609 = arith.mulf %get3A_592, %select_n3A_557 : vector<16xf32>
        %mul3A_610 = arith.mulf %get3A_496, %mul3A_598 : vector<16xf32>
        %sub3A_611 = arith.subf %mul3A_609, %mul3A_610 : vector<16xf32>
        %swap3A_612 = arith.index_cast %add3A_491 : i32 to index
        %swap3A_613 = tpu.vector_load %arg38[%swap3A_612] {strides = array<i32>} : memref<2048xf32, #tpu.memory_space<vmem>>, vector<16xf32>,
        tpu.vector_store %arg38[%swap3A_612], %sub3A_611 {strides = array<i32>} : memref<2048xf32, #tpu.memory_space<vmem>>, vector<16xf32>,
      }
      %scan3A_441 = arith.constant 64 : i32
      %dma_wait3A_442 = arith.constant 0 : i32
      %dma_wait3A_443 = tpu.memref_slice %arg10[%dma_wait3A_442] : memref<53248xf32, #tpu.memory_space<vmem_shared>> -> memref<53248xf32, #tpu.memory_space<vmem_shared>>
      tpu.wait_indirect_dma semaphore(%arg41 : memref<!tpu.dma_semaphore, #tpu.memory_space<semaphore_mem>>) src(%arg33 : memref<2048xf32, #tpu.memory_space<vmem>>) dst(%dma_wait3A_443 : memref<53248xf32, #tpu.memory_space<vmem_shared>>)
      %dma_wait3A_444 = arith.constant 0 : i32
      %dma_wait3A_445 = tpu.memref_slice %arg11[%dma_wait3A_444] : memref<53248xf32, #tpu.memory_space<vmem_shared>> -> memref<53248xf32, #tpu.memory_space<vmem_shared>>
      tpu.wait_indirect_dma semaphore(%arg41 : memref<!tpu.dma_semaphore, #tpu.memory_space<semaphore_mem>>) src(%arg35 : memref<2048xf32, #tpu.memory_space<vmem>>) dst(%dma_wait3A_445 : memref<53248xf32, #tpu.memory_space<vmem_shared>>)
      %dma_wait3A_446 = arith.constant 0 : i32
      %dma_wait3A_447 = tpu.memref_slice %arg12[%dma_wait3A_446] : memref<53248xf32, #tpu.memory_space<vmem_shared>> -> memref<53248xf32, #tpu.memory_space<vmem_shared>>
      tpu.wait_indirect_dma semaphore(%arg41 : memref<!tpu.dma_semaphore, #tpu.memory_space<semaphore_mem>>) src(%arg37 : memref<2048xf32, #tpu.memory_space<vmem>>) dst(%dma_wait3A_447 : memref<53248xf32, #tpu.memory_space<vmem_shared>>)
      %dma_start3A_448 = arith.constant 0 : i32
      %dma_start3A_449 = tpu.memref_slice %arg10[%dma_start3A_448] : memref<53248xf32, #tpu.memory_space<vmem_shared>> -> memref<53248xf32, #tpu.memory_space<vmem_shared>>
      tpu.enqueue_indirect_dma source(%arg34 : memref<2048xf32, #tpu.memory_space<vmem>>) target(%dma_start3A_449 : memref<53248xf32, #tpu.memory_space<vmem_shared>>) offsets(%arg18 : memref<2048xi32, #tpu.memory_space<vmem>>) semaphore(%arg42 : memref<!tpu.dma_semaphore, #tpu.memory_space<semaphore_mem>>) {add = true}
      %dma_start3A_450 = arith.constant 0 : i32
      %dma_start3A_451 = tpu.memref_slice %arg11[%dma_start3A_450] : memref<53248xf32, #tpu.memory_space<vmem_shared>> -> memref<53248xf32, #tpu.memory_space<vmem_shared>>
      tpu.enqueue_indirect_dma source(%arg36 : memref<2048xf32, #tpu.memory_space<vmem>>) target(%dma_start3A_451 : memref<53248xf32, #tpu.memory_space<vmem_shared>>) offsets(%arg18 : memref<2048xi32, #tpu.memory_space<vmem>>) semaphore(%arg42 : memref<!tpu.dma_semaphore, #tpu.memory_space<semaphore_mem>>) {add = true}
      %dma_start3A_452 = arith.constant 0 : i32
      %dma_start3A_453 = tpu.memref_slice %arg12[%dma_start3A_452] : memref<53248xf32, #tpu.memory_space<vmem_shared>> -> memref<53248xf32, #tpu.memory_space<vmem_shared>>
      tpu.enqueue_indirect_dma source(%arg38 : memref<2048xf32, #tpu.memory_space<vmem>>) target(%dma_start3A_453 : memref<53248xf32, #tpu.memory_space<vmem_shared>>) offsets(%arg18 : memref<2048xi32, #tpu.memory_space<vmem>>) semaphore(%arg42 : memref<!tpu.dma_semaphore, #tpu.memory_space<semaphore_mem>>) {add = true}
      %add3A_454 = arith.constant 1 : i32
      %add3A_455 = arith.addi %add3A_388, %add3A_454 : i32
      %ge3A_456 = arith.constant 1562 : i32
      %ge3A_457 = arith.cmpi sge, %add3A_455, %ge3A_456 : i32
      %mul3A_458 = arith.constant 1024 : i32
      %mul3A_459 = arith.muli %add3A_455, %mul3A_458 : i32
      %jit3A_460 = arith.constant 1598976 : i32
      %select_n3A_461 = arith.select %ge3A_457, %jit3A_460, %mul3A_459 : i32
      %multiple_of3A_462 = tpu.assume_multiple %select_n3A_461, 128 : i32
      %mul3A_463 = arith.constant 2 : i32
      %mul3A_464 = arith.muli %multiple_of3A_462, %mul3A_463 : i32
      %multiple_of3A_465 = tpu.assume_multiple %mul3A_464, 128 : i32
      %dma_wait3A_466 = tpu.memref_slice %arg4[%multiple_of3A_465] : memref<3200000xi32, #tpu.memory_space<hbm>> -> memref<2048xi32, #tpu.memory_space<hbm>>
      %dma_wait3A_467 = tpu.memref_slice %arg4[%multiple_of3A_465] : memref<3200000xi32, #tpu.memory_space<hbm>> -> memref<2048xi32, #tpu.memory_space<hbm>>
      tpu.wait_dma2 semaphore(%arg43 : memref<!tpu.dma_semaphore, #tpu.memory_space<semaphore_mem>>) src(%dma_wait3A_467 : memref<2048xi32, #tpu.memory_space<hbm>>) dst(%arg13 : memref<2048xi32, #tpu.memory_space<vmem>>)
      %mul3A_468 = arith.constant 3 : i32
      %mul3A_469 = arith.muli %multiple_of3A_462, %mul3A_468 : i32
      %multiple_of3A_470 = tpu.assume_multiple %mul3A_469, 128 : i32
      %dma_wait3A_471 = tpu.memref_slice %arg5[%multiple_of3A_470] : memref<4800000xf32, #tpu.memory_space<hbm>> -> memref<3072xf32, #tpu.memory_space<hbm>>
      %dma_wait3A_472 = tpu.memref_slice %arg5[%multiple_of3A_470] : memref<4800000xf32, #tpu.memory_space<hbm>> -> memref<3072xf32, #tpu.memory_space<hbm>>
      tpu.wait_dma2 semaphore(%arg43 : memref<!tpu.dma_semaphore, #tpu.memory_space<semaphore_mem>>) src(%dma_wait3A_472 : memref<3072xf32, #tpu.memory_space<hbm>>) dst(%arg19 : memref<3072xf32, #tpu.memory_space<vmem>>)
      %scan3A_473 = arith.constant 0 : i32
      %scan3A_474 = arith.constant 0 : i32
      %scan3A_475 = arith.constant 64 : i32
      %scan3A_476 = arith.addi %scan3A_474, %scan3A_475 : i32
      %scan3A_477 = arith.constant 1 : i32
      scf.for %scan3A_485 = %scan3A_474 to %scan3A_476 step %scan3A_477  : i32 {
        %mul3A_486 = arith.constant 2 : i32
        %mul3A_487 = arith.muli %scan3A_485, %mul3A_486 : i32
        %mul3A_488 = arith.constant 16 : i32
        %mul3A_489 = arith.muli %mul3A_487, %mul3A_488 : i32
        %get3A = arith.index_cast %mul3A_489 : i32 to index
        %get3A_490 = tpu.vector_load %arg13[%get3A] {strides = array<i32>} : memref<2048xi32, #tpu.memory_space<vmem>>, vector<16xi32>,
        %mul3A_491 = arith.constant 2 : i32
        %mul3A_492 = arith.muli %scan3A_485, %mul3A_491 : i32
        %mul3A_493 = arith.constant 16 : i32
        %mul3A_494 = arith.muli %mul3A_492, %mul3A_493 : i32
        %add3A_495 = arith.constant 16 : i32
        %add3A_496 = arith.addi %mul3A_494, %add3A_495 : i32
        %get3A_497 = arith.index_cast %add3A_496 : i32 to index
        %get3A_498 = tpu.vector_load %arg13[%get3A_497] {strides = array<i32>} : memref<2048xi32, #tpu.memory_space<vmem>>, vector<16xi32>,
        %broadcast_in_dim3A = vector.shape_cast %select_n3A_80 : vector<16xi32> to vector<16x1xi32>
        %gather3A = vector.shape_cast %broadcast_in_dim3A : vector<16x1xi32> to vector<16xi32>
        %gather3A_499 = tpu.dynamic_gather %get3A_490[%gather3A] in [0] : vector<16xi32>, vector<16xi32> -> vector<16xi32>
        %broadcast_in_dim3A_500 = vector.shape_cast %select_n3A_80 : vector<16xi32> to vector<16x1xi32>
        %gather3A_501 = vector.shape_cast %broadcast_in_dim3A_500 : vector<16x1xi32> to vector<16xi32>
        %gather3A_502 = tpu.dynamic_gather %get3A_498[%gather3A_501] in [0] : vector<16xi32>, vector<16xi32> -> vector<16xi32>
        %select_n3A_503 = arith.select %lt3A_86, %gather3A_499, %gather3A_502 : vector<16xi1>, vector<16xi32>
        %mul3A_504 = arith.constant 16 : i32
        %mul3A_505 = arith.muli %scan3A_485, %mul3A_504 : i32
        %swap3A = arith.index_cast %mul3A_505 : i32 to index
        %swap3A_506 = tpu.vector_load %arg15[%swap3A] {strides = array<i32>} : memref<2048xi32, #tpu.memory_space<vmem>>, vector<16xi32>,
        tpu.vector_store %arg15[%swap3A], %select_n3A_503 {strides = array<i32>} : memref<2048xi32, #tpu.memory_space<vmem>>, vector<16xi32>,
        %broadcast_in_dim3A_507 = vector.shape_cast %add3A_83 : vector<16xi32> to vector<16x1xi32>
        %gather3A_508 = vector.shape_cast %broadcast_in_dim3A_507 : vector<16x1xi32> to vector<16xi32>
        %gather3A_509 = tpu.dynamic_gather %get3A_490[%gather3A_508] in [0] : vector<16xi32>, vector<16xi32> -> vector<16xi32>
        %broadcast_in_dim3A_510 = vector.shape_cast %add3A_83 : vector<16xi32> to vector<16x1xi32>
        %gather3A_511 = vector.shape_cast %broadcast_in_dim3A_510 : vector<16x1xi32> to vector<16xi32>
        %gather3A_512 = tpu.dynamic_gather %get3A_498[%gather3A_511] in [0] : vector<16xi32>, vector<16xi32> -> vector<16xi32>
        %select_n3A_513 = arith.select %lt3A_86, %gather3A_509, %gather3A_512 : vector<16xi1>, vector<16xi32>
        %mul3A_514 = arith.constant 16 : i32
        %mul3A_515 = arith.muli %scan3A_485, %mul3A_514 : i32
        %add3A_516 = arith.constant 1024 : i32
        %add3A_517 = arith.addi %add3A_516, %mul3A_515 : i32
        %swap3A_518 = arith.index_cast %add3A_517 : i32 to index
        %swap3A_519 = tpu.vector_load %arg15[%swap3A_518] {strides = array<i32>} : memref<2048xi32, #tpu.memory_space<vmem>>, vector<16xi32>,
        tpu.vector_store %arg15[%swap3A_518], %select_n3A_513 {strides = array<i32>} : memref<2048xi32, #tpu.memory_space<vmem>>, vector<16xi32>,
      }
      %scan3A_478 = arith.constant 64 : i32
      %dma_start3A_479 = arith.constant 0 : i32
      %dma_start3A_480 = tpu.memref_slice %arg7[%dma_start3A_479] : memref<53248xf32, #tpu.memory_space<vmem_shared>> -> memref<53248xf32, #tpu.memory_space<vmem_shared>>
      tpu.enqueue_indirect_dma source(%dma_start3A_480 : memref<53248xf32, #tpu.memory_space<vmem_shared>>) target(%arg27 : memref<2048xf32, #tpu.memory_space<vmem>>) offsets(%arg15 : memref<2048xi32, #tpu.memory_space<vmem>>) semaphore(%arg39 : memref<!tpu.dma_semaphore, #tpu.memory_space<semaphore_mem>>)
      %dma_start3A_481 = arith.constant 0 : i32
      %dma_start3A_482 = tpu.memref_slice %arg8[%dma_start3A_481] : memref<53248xf32, #tpu.memory_space<vmem_shared>> -> memref<53248xf32, #tpu.memory_space<vmem_shared>>
      tpu.enqueue_indirect_dma source(%dma_start3A_482 : memref<53248xf32, #tpu.memory_space<vmem_shared>>) target(%arg29 : memref<2048xf32, #tpu.memory_space<vmem>>) offsets(%arg15 : memref<2048xi32, #tpu.memory_space<vmem>>) semaphore(%arg39 : memref<!tpu.dma_semaphore, #tpu.memory_space<semaphore_mem>>)
      %dma_start3A_483 = arith.constant 0 : i32
      %dma_start3A_484 = tpu.memref_slice %arg9[%dma_start3A_483] : memref<53248xf32, #tpu.memory_space<vmem_shared>> -> memref<53248xf32, #tpu.memory_space<vmem_shared>>
      tpu.enqueue_indirect_dma source(%dma_start3A_484 : memref<53248xf32, #tpu.memory_space<vmem_shared>>) target(%arg31 : memref<2048xf32, #tpu.memory_space<vmem>>) offsets(%arg15 : memref<2048xi32, #tpu.memory_space<vmem>>) semaphore(%arg39 : memref<!tpu.dma_semaphore, #tpu.memory_space<semaphore_mem>>)
    }
    %dma_wait3A_249 = arith.constant 0 : i32
    %dma_wait3A_250 = tpu.memref_slice %arg10[%dma_wait3A_249] : memref<53248xf32, #tpu.memory_space<vmem_shared>> -> memref<53248xf32, #tpu.memory_space<vmem_shared>>
    tpu.wait_indirect_dma semaphore(%arg42 : memref<!tpu.dma_semaphore, #tpu.memory_space<semaphore_mem>>) src(%arg34 : memref<2048xf32, #tpu.memory_space<vmem>>) dst(%dma_wait3A_250 : memref<53248xf32, #tpu.memory_space<vmem_shared>>)
    %dma_wait3A_251 = arith.constant 0 : i32
    %dma_wait3A_252 = tpu.memref_slice %arg11[%dma_wait3A_251] : memref<53248xf32, #tpu.memory_space<vmem_shared>> -> memref<53248xf32, #tpu.memory_space<vmem_shared>>
    tpu.wait_indirect_dma semaphore(%arg42 : memref<!tpu.dma_semaphore, #tpu.memory_space<semaphore_mem>>) src(%arg36 : memref<2048xf32, #tpu.memory_space<vmem>>) dst(%dma_wait3A_252 : memref<53248xf32, #tpu.memory_space<vmem_shared>>)
    %dma_wait3A_253 = arith.constant 0 : i32
    %dma_wait3A_254 = tpu.memref_slice %arg12[%dma_wait3A_253] : memref<53248xf32, #tpu.memory_space<vmem_shared>> -> memref<53248xf32, #tpu.memory_space<vmem_shared>>
    tpu.wait_indirect_dma semaphore(%arg42 : memref<!tpu.dma_semaphore, #tpu.memory_space<semaphore_mem>>) src(%arg38 : memref<2048xf32, #tpu.memory_space<vmem>>) dst(%dma_wait3A_254 : memref<53248xf32, #tpu.memory_space<vmem_shared>>)
    %dma_wait3A_255 = arith.constant 0 : i32
    %dma_wait3A_256 = tpu.memref_slice %arg7[%dma_wait3A_255] : memref<53248xf32, #tpu.memory_space<vmem_shared>> -> memref<53248xf32, #tpu.memory_space<vmem_shared>>
    tpu.wait_indirect_dma semaphore(%arg39 : memref<!tpu.dma_semaphore, #tpu.memory_space<semaphore_mem>>) src(%dma_wait3A_256 : memref<53248xf32, #tpu.memory_space<vmem_shared>>) dst(%arg27 : memref<2048xf32, #tpu.memory_space<vmem>>)
    %dma_wait3A_257 = arith.constant 0 : i32
    %dma_wait3A_258 = tpu.memref_slice %arg8[%dma_wait3A_257] : memref<53248xf32, #tpu.memory_space<vmem_shared>> -> memref<53248xf32, #tpu.memory_space<vmem_shared>>
    tpu.wait_indirect_dma semaphore(%arg39 : memref<!tpu.dma_semaphore, #tpu.memory_space<semaphore_mem>>) src(%dma_wait3A_258 : memref<53248xf32, #tpu.memory_space<vmem_shared>>) dst(%arg29 : memref<2048xf32, #tpu.memory_space<vmem>>)
    %dma_wait3A_259 = arith.constant 0 : i32
    %dma_wait3A_260 = tpu.memref_slice %arg9[%dma_wait3A_259] : memref<53248xf32, #tpu.memory_space<vmem_shared>> -> memref<53248xf32, #tpu.memory_space<vmem_shared>>
    tpu.wait_indirect_dma semaphore(%arg39 : memref<!tpu.dma_semaphore, #tpu.memory_space<semaphore_mem>>) src(%dma_wait3A_260 : memref<53248xf32, #tpu.memory_space<vmem_shared>>) dst(%arg31 : memref<2048xf32, #tpu.memory_space<vmem>>)
    %barrier3A_261 = arith.constant 0 : index
    tpu.barrier barrier_id(%barrier3A_261)
    %mul3A_262 = arith.constant 3 : i32
    %mul3A_263 = arith.muli %arg0, %mul3A_262 : i32
    %add3A_264 = arith.constant 0 : i32
    %add3A_265 = arith.addi %mul3A_263, %add3A_264 : i32
    %mul3A_266 = arith.constant 53248 : i32
    %mul3A_267 = arith.muli %add3A_265, %mul3A_266 : i32
    %add3A_268 = arith.addi %mul3A_267, %multiple_of3A : i32
    %multiple_of3A_269 = tpu.assume_multiple %add3A_268, 128 : i32
    "tpu.region"() ({
      %run_scoped3A = tpu.sem_alloc : memref<!tpu.dma_semaphore, #tpu.memory_space<semaphore_mem>>
      %dma_start3A_286 = tpu.memref_slice %arg6[%multiple_of3A_269] : memref<319488xf32, #tpu.memory_space<hbm>> -> memref<3328xf32, #tpu.memory_space<hbm>>
      %dma_start3A_287 = tpu.memref_slice %arg10[%multiple_of3A] : memref<53248xf32, #tpu.memory_space<vmem_shared>> -> memref<3328xf32, #tpu.memory_space<vmem_shared>>
      tpu.enqueue_dma source(%dma_start3A_287 : memref<3328xf32, #tpu.memory_space<vmem_shared>>) target(%dma_start3A_286 : memref<3328xf32, #tpu.memory_space<hbm>>) target_semaphore(%run_scoped3A : memref<!tpu.dma_semaphore, #tpu.memory_space<semaphore_mem>>)
      %dma_wait3A_288 = tpu.memref_slice %arg6[%multiple_of3A_269] : memref<319488xf32, #tpu.memory_space<hbm>> -> memref<3328xf32, #tpu.memory_space<hbm>>
      %dma_wait3A_289 = tpu.memref_slice %arg10[%multiple_of3A] : memref<53248xf32, #tpu.memory_space<vmem_shared>> -> memref<3328xf32, #tpu.memory_space<vmem_shared>>
      tpu.wait_dma2 semaphore(%run_scoped3A : memref<!tpu.dma_semaphore, #tpu.memory_space<semaphore_mem>>) src(%dma_wait3A_289 : memref<3328xf32, #tpu.memory_space<vmem_shared>>) dst(%dma_wait3A_288 : memref<3328xf32, #tpu.memory_space<hbm>>)
      tpu.yield
    }) : () -> ()
    %mul3A_270 = arith.constant 3 : i32
    %mul3A_271 = arith.muli %arg0, %mul3A_270 : i32
    %add3A_272 = arith.constant 1 : i32
    %add3A_273 = arith.addi %mul3A_271, %add3A_272 : i32
    %mul3A_274 = arith.constant 53248 : i32
    %mul3A_275 = arith.muli %add3A_273, %mul3A_274 : i32
    %add3A_276 = arith.addi %mul3A_275, %multiple_of3A : i32
    %multiple_of3A_277 = tpu.assume_multiple %add3A_276, 128 : i32
    "tpu.region"() ({
      %run_scoped3A = tpu.sem_alloc : memref<!tpu.dma_semaphore, #tpu.memory_space<semaphore_mem>>
      %dma_start3A_286 = tpu.memref_slice %arg6[%multiple_of3A_277] : memref<319488xf32, #tpu.memory_space<hbm>> -> memref<3328xf32, #tpu.memory_space<hbm>>
      %dma_start3A_287 = tpu.memref_slice %arg11[%multiple_of3A] : memref<53248xf32, #tpu.memory_space<vmem_shared>> -> memref<3328xf32, #tpu.memory_space<vmem_shared>>
      tpu.enqueue_dma source(%dma_start3A_287 : memref<3328xf32, #tpu.memory_space<vmem_shared>>) target(%dma_start3A_286 : memref<3328xf32, #tpu.memory_space<hbm>>) target_semaphore(%run_scoped3A : memref<!tpu.dma_semaphore, #tpu.memory_space<semaphore_mem>>)
      %dma_wait3A_288 = tpu.memref_slice %arg6[%multiple_of3A_277] : memref<319488xf32, #tpu.memory_space<hbm>> -> memref<3328xf32, #tpu.memory_space<hbm>>
      %dma_wait3A_289 = tpu.memref_slice %arg11[%multiple_of3A] : memref<53248xf32, #tpu.memory_space<vmem_shared>> -> memref<3328xf32, #tpu.memory_space<vmem_shared>>
      tpu.wait_dma2 semaphore(%run_scoped3A : memref<!tpu.dma_semaphore, #tpu.memory_space<semaphore_mem>>) src(%dma_wait3A_289 : memref<3328xf32, #tpu.memory_space<vmem_shared>>) dst(%dma_wait3A_288 : memref<3328xf32, #tpu.memory_space<hbm>>)
      tpu.yield
    }) : () -> ()
    %mul3A_278 = arith.constant 3 : i32
    %mul3A_279 = arith.muli %arg0, %mul3A_278 : i32
    %add3A_280 = arith.constant 2 : i32
    %add3A_281 = arith.addi %mul3A_279, %add3A_280 : i32
    %mul3A_282 = arith.constant 53248 : i32
    %mul3A_283 = arith.muli %add3A_281, %mul3A_282 : i32
    %add3A_284 = arith.addi %mul3A_283, %multiple_of3A : i32
    %multiple_of3A_285 = tpu.assume_multiple %add3A_284, 128 : i32
    "tpu.region"() ({
      %run_scoped3A = tpu.sem_alloc : memref<!tpu.dma_semaphore, #tpu.memory_space<semaphore_mem>>
      %dma_start3A_286 = tpu.memref_slice %arg6[%multiple_of3A_285] : memref<319488xf32, #tpu.memory_space<hbm>> -> memref<3328xf32, #tpu.memory_space<hbm>>
      %dma_start3A_287 = tpu.memref_slice %arg12[%multiple_of3A] : memref<53248xf32, #tpu.memory_space<vmem_shared>> -> memref<3328xf32, #tpu.memory_space<vmem_shared>>
      tpu.enqueue_dma source(%dma_start3A_287 : memref<3328xf32, #tpu.memory_space<vmem_shared>>) target(%dma_start3A_286 : memref<3328xf32, #tpu.memory_space<hbm>>) target_semaphore(%run_scoped3A : memref<!tpu.dma_semaphore, #tpu.memory_space<semaphore_mem>>)
      %dma_wait3A_288 = tpu.memref_slice %arg6[%multiple_of3A_285] : memref<319488xf32, #tpu.memory_space<hbm>> -> memref<3328xf32, #tpu.memory_space<hbm>>
      %dma_wait3A_289 = tpu.memref_slice %arg12[%multiple_of3A] : memref<53248xf32, #tpu.memory_space<vmem_shared>> -> memref<3328xf32, #tpu.memory_space<vmem_shared>>
      tpu.wait_dma2 semaphore(%run_scoped3A : memref<!tpu.dma_semaphore, #tpu.memory_space<semaphore_mem>>) src(%dma_wait3A_289 : memref<3328xf32, #tpu.memory_space<vmem_shared>>) dst(%dma_wait3A_288 : memref<3328xf32, #tpu.memory_space<hbm>>)
      tpu.yield
    }) : () -> ()
    return
  }
}

#map = affine_map<(d0, d1) -> (0)>
module attributes {stable_mosaic.version = 14 : i64} {
  func.func @_combine_kernel(%arg0: i32, %arg1: i32, %arg2: memref<319488xf32, #tpu.memory_space<hbm>>, %arg3: memref<159744xf32, #tpu.memory_space<hbm>>, %arg4: memref<1664xf32, #tpu.memory_space<vmem>>, %arg5: memref<1664xf32, #tpu.memory_space<vmem>>, %arg6: memref<1664xf32, #tpu.memory_space<vmem>>, %arg7: memref<1664xf32, #tpu.memory_space<vmem>>, %arg8: memref<1664xf32, #tpu.memory_space<vmem>>, %arg9: memref<1664xf32, #tpu.memory_space<vmem>>, %arg10: memref<4992xf32, #tpu.memory_space<vmem>>) attributes {dimension_semantics = [#tpu.dimension_semantics<core_parallel>, #tpu.dimension_semantics<subcore_parallel>], iteration_bounds = array<i64: 2, 16>, scalar_prefetch = 0 : i64, scratch_operands = 7 : i64, tpu.core_type = #tpu.core_type<sc_vector_subcore>, window_params = [{transform_indices = #map}, {transform_indices = #map}]} {
    %mul3A = arith.constant 2 : i32
    %mul3A_0 = arith.muli %arg1, %mul3A : i32
    %add3A = arith.addi %mul3A_0, %arg0 : i32
    %mul3A_1 = arith.constant 1664 : i32
    %mul3A_2 = arith.muli %add3A, %mul3A_1 : i32
    %multiple_of3A = tpu.assume_multiple %mul3A_2, 128 : i32
    %add3A_3 = arith.constant 0 : i32
    %add3A_4 = arith.addi %add3A_3, %multiple_of3A : i32
    %multiple_of3A_5 = tpu.assume_multiple %add3A_4, 128 : i32
    "tpu.region"() ({
      %run_scoped3A = tpu.sem_alloc : memref<!tpu.dma_semaphore, #tpu.memory_space<semaphore_mem>>
      %dma_start3A = tpu.memref_slice %arg2[%multiple_of3A_5] : memref<319488xf32, #tpu.memory_space<hbm>> -> memref<1664xf32, #tpu.memory_space<hbm>>
      %dma_start3A_32 = tpu.memref_slice %arg2[%multiple_of3A_5] : memref<319488xf32, #tpu.memory_space<hbm>> -> memref<1664xf32, #tpu.memory_space<hbm>>
      tpu.enqueue_dma source(%dma_start3A_32 : memref<1664xf32, #tpu.memory_space<hbm>>) target(%arg4 : memref<1664xf32, #tpu.memory_space<vmem>>) target_semaphore(%run_scoped3A : memref<!tpu.dma_semaphore, #tpu.memory_space<semaphore_mem>>)
      %dma_wait3A = tpu.memref_slice %arg2[%multiple_of3A_5] : memref<319488xf32, #tpu.memory_space<hbm>> -> memref<1664xf32, #tpu.memory_space<hbm>>
      %dma_wait3A_33 = tpu.memref_slice %arg2[%multiple_of3A_5] : memref<319488xf32, #tpu.memory_space<hbm>> -> memref<1664xf32, #tpu.memory_space<hbm>>
      tpu.wait_dma2 semaphore(%run_scoped3A : memref<!tpu.dma_semaphore, #tpu.memory_space<semaphore_mem>>) src(%dma_wait3A_33 : memref<1664xf32, #tpu.memory_space<hbm>>) dst(%arg4 : memref<1664xf32, #tpu.memory_space<vmem>>)
      tpu.yield
    }) : () -> ()
    %add3A_6 = arith.constant 53248 : i32
    %add3A_7 = arith.addi %add3A_6, %multiple_of3A : i32
    %multiple_of3A_8 = tpu.assume_multiple %add3A_7, 128 : i32
    "tpu.region"() ({
      %run_scoped3A = tpu.sem_alloc : memref<!tpu.dma_semaphore, #tpu.memory_space<semaphore_mem>>
      %dma_start3A = tpu.memref_slice %arg2[%multiple_of3A_8] : memref<319488xf32, #tpu.memory_space<hbm>> -> memref<1664xf32, #tpu.memory_space<hbm>>
      %dma_start3A_32 = tpu.memref_slice %arg2[%multiple_of3A_8] : memref<319488xf32, #tpu.memory_space<hbm>> -> memref<1664xf32, #tpu.memory_space<hbm>>
      tpu.enqueue_dma source(%dma_start3A_32 : memref<1664xf32, #tpu.memory_space<hbm>>) target(%arg5 : memref<1664xf32, #tpu.memory_space<vmem>>) target_semaphore(%run_scoped3A : memref<!tpu.dma_semaphore, #tpu.memory_space<semaphore_mem>>)
      %dma_wait3A = tpu.memref_slice %arg2[%multiple_of3A_8] : memref<319488xf32, #tpu.memory_space<hbm>> -> memref<1664xf32, #tpu.memory_space<hbm>>
      %dma_wait3A_33 = tpu.memref_slice %arg2[%multiple_of3A_8] : memref<319488xf32, #tpu.memory_space<hbm>> -> memref<1664xf32, #tpu.memory_space<hbm>>
      tpu.wait_dma2 semaphore(%run_scoped3A : memref<!tpu.dma_semaphore, #tpu.memory_space<semaphore_mem>>) src(%dma_wait3A_33 : memref<1664xf32, #tpu.memory_space<hbm>>) dst(%arg5 : memref<1664xf32, #tpu.memory_space<vmem>>)
      tpu.yield
    }) : () -> ()
    %add3A_9 = arith.constant 106496 : i32
    %add3A_10 = arith.addi %add3A_9, %multiple_of3A : i32
    %multiple_of3A_11 = tpu.assume_multiple %add3A_10, 128 : i32
    "tpu.region"() ({
      %run_scoped3A = tpu.sem_alloc : memref<!tpu.dma_semaphore, #tpu.memory_space<semaphore_mem>>
      %dma_start3A = tpu.memref_slice %arg2[%multiple_of3A_11] : memref<319488xf32, #tpu.memory_space<hbm>> -> memref<1664xf32, #tpu.memory_space<hbm>>
      %dma_start3A_32 = tpu.memref_slice %arg2[%multiple_of3A_11] : memref<319488xf32, #tpu.memory_space<hbm>> -> memref<1664xf32, #tpu.memory_space<hbm>>
      tpu.enqueue_dma source(%dma_start3A_32 : memref<1664xf32, #tpu.memory_space<hbm>>) target(%arg6 : memref<1664xf32, #tpu.memory_space<vmem>>) target_semaphore(%run_scoped3A : memref<!tpu.dma_semaphore, #tpu.memory_space<semaphore_mem>>)
      %dma_wait3A = tpu.memref_slice %arg2[%multiple_of3A_11] : memref<319488xf32, #tpu.memory_space<hbm>> -> memref<1664xf32, #tpu.memory_space<hbm>>
      %dma_wait3A_33 = tpu.memref_slice %arg2[%multiple_of3A_11] : memref<319488xf32, #tpu.memory_space<hbm>> -> memref<1664xf32, #tpu.memory_space<hbm>>
      tpu.wait_dma2 semaphore(%run_scoped3A : memref<!tpu.dma_semaphore, #tpu.memory_space<semaphore_mem>>) src(%dma_wait3A_33 : memref<1664xf32, #tpu.memory_space<hbm>>) dst(%arg6 : memref<1664xf32, #tpu.memory_space<vmem>>)
      tpu.yield
    }) : () -> ()
    %add3A_12 = arith.constant 159744 : i32
    %add3A_13 = arith.addi %add3A_12, %multiple_of3A : i32
    %multiple_of3A_14 = tpu.assume_multiple %add3A_13, 128 : i32
    "tpu.region"() ({
      %run_scoped3A = tpu.sem_alloc : memref<!tpu.dma_semaphore, #tpu.memory_space<semaphore_mem>>
      %dma_start3A = tpu.memref_slice %arg2[%multiple_of3A_14] : memref<319488xf32, #tpu.memory_space<hbm>> -> memref<1664xf32, #tpu.memory_space<hbm>>
      %dma_start3A_32 = tpu.memref_slice %arg2[%multiple_of3A_14] : memref<319488xf32, #tpu.memory_space<hbm>> -> memref<1664xf32, #tpu.memory_space<hbm>>
      tpu.enqueue_dma source(%dma_start3A_32 : memref<1664xf32, #tpu.memory_space<hbm>>) target(%arg7 : memref<1664xf32, #tpu.memory_space<vmem>>) target_semaphore(%run_scoped3A : memref<!tpu.dma_semaphore, #tpu.memory_space<semaphore_mem>>)
      %dma_wait3A = tpu.memref_slice %arg2[%multiple_of3A_14] : memref<319488xf32, #tpu.memory_space<hbm>> -> memref<1664xf32, #tpu.memory_space<hbm>>
      %dma_wait3A_33 = tpu.memref_slice %arg2[%multiple_of3A_14] : memref<319488xf32, #tpu.memory_space<hbm>> -> memref<1664xf32, #tpu.memory_space<hbm>>
      tpu.wait_dma2 semaphore(%run_scoped3A : memref<!tpu.dma_semaphore, #tpu.memory_space<semaphore_mem>>) src(%dma_wait3A_33 : memref<1664xf32, #tpu.memory_space<hbm>>) dst(%arg7 : memref<1664xf32, #tpu.memory_space<vmem>>)
      tpu.yield
    }) : () -> ()
    %add3A_15 = arith.constant 212992 : i32
    %add3A_16 = arith.addi %add3A_15, %multiple_of3A : i32
    %multiple_of3A_17 = tpu.assume_multiple %add3A_16, 128 : i32
    "tpu.region"() ({
      %run_scoped3A = tpu.sem_alloc : memref<!tpu.dma_semaphore, #tpu.memory_space<semaphore_mem>>
      %dma_start3A = tpu.memref_slice %arg2[%multiple_of3A_17] : memref<319488xf32, #tpu.memory_space<hbm>> -> memref<1664xf32, #tpu.memory_space<hbm>>
      %dma_start3A_32 = tpu.memref_slice %arg2[%multiple_of3A_17] : memref<319488xf32, #tpu.memory_space<hbm>> -> memref<1664xf32, #tpu.memory_space<hbm>>
      tpu.enqueue_dma source(%dma_start3A_32 : memref<1664xf32, #tpu.memory_space<hbm>>) target(%arg8 : memref<1664xf32, #tpu.memory_space<vmem>>) target_semaphore(%run_scoped3A : memref<!tpu.dma_semaphore, #tpu.memory_space<semaphore_mem>>)
      %dma_wait3A = tpu.memref_slice %arg2[%multiple_of3A_17] : memref<319488xf32, #tpu.memory_space<hbm>> -> memref<1664xf32, #tpu.memory_space<hbm>>
      %dma_wait3A_33 = tpu.memref_slice %arg2[%multiple_of3A_17] : memref<319488xf32, #tpu.memory_space<hbm>> -> memref<1664xf32, #tpu.memory_space<hbm>>
      tpu.wait_dma2 semaphore(%run_scoped3A : memref<!tpu.dma_semaphore, #tpu.memory_space<semaphore_mem>>) src(%dma_wait3A_33 : memref<1664xf32, #tpu.memory_space<hbm>>) dst(%arg8 : memref<1664xf32, #tpu.memory_space<vmem>>)
      tpu.yield
    }) : () -> ()
    %add3A_18 = arith.constant 266240 : i32
    %add3A_19 = arith.addi %add3A_18, %multiple_of3A : i32
    %multiple_of3A_20 = tpu.assume_multiple %add3A_19, 128 : i32
    "tpu.region"() ({
      %run_scoped3A = tpu.sem_alloc : memref<!tpu.dma_semaphore, #tpu.memory_space<semaphore_mem>>
      %dma_start3A = tpu.memref_slice %arg2[%multiple_of3A_20] : memref<319488xf32, #tpu.memory_space<hbm>> -> memref<1664xf32, #tpu.memory_space<hbm>>
      %dma_start3A_32 = tpu.memref_slice %arg2[%multiple_of3A_20] : memref<319488xf32, #tpu.memory_space<hbm>> -> memref<1664xf32, #tpu.memory_space<hbm>>
      tpu.enqueue_dma source(%dma_start3A_32 : memref<1664xf32, #tpu.memory_space<hbm>>) target(%arg9 : memref<1664xf32, #tpu.memory_space<vmem>>) target_semaphore(%run_scoped3A : memref<!tpu.dma_semaphore, #tpu.memory_space<semaphore_mem>>)
      %dma_wait3A = tpu.memref_slice %arg2[%multiple_of3A_20] : memref<319488xf32, #tpu.memory_space<hbm>> -> memref<1664xf32, #tpu.memory_space<hbm>>
      %dma_wait3A_33 = tpu.memref_slice %arg2[%multiple_of3A_20] : memref<319488xf32, #tpu.memory_space<hbm>> -> memref<1664xf32, #tpu.memory_space<hbm>>
      tpu.wait_dma2 semaphore(%run_scoped3A : memref<!tpu.dma_semaphore, #tpu.memory_space<semaphore_mem>>) src(%dma_wait3A_33 : memref<1664xf32, #tpu.memory_space<hbm>>) dst(%arg9 : memref<1664xf32, #tpu.memory_space<vmem>>)
      tpu.yield
    }) : () -> ()
    %iota3A = tpu.iota {dimensions = array<i32: 0>} : vector<16xi32>
    %mul3A_21 = arith.constant 3 : i32
    %mul3A_22 = vector.broadcast %mul3A_21 : i32 to vector<16xi32>
    %mul3A_23 = arith.muli %iota3A, %mul3A_22 : vector<16xi32>
    %scan3A = arith.constant 0 : i32
    %scan3A_24 = arith.constant 0 : i32
    %scan3A_25 = arith.constant 104 : i32
    %scan3A_26 = arith.addi %scan3A_24, %scan3A_25 : i32
    %scan3A_27 = arith.constant 1 : i32
    scf.for %scan3A_32 = %scan3A_24 to %scan3A_26 step %scan3A_27  : i32 {
      %mul3A_33 = arith.constant 16 : i32
      %mul3A_34 = arith.muli %scan3A_32, %mul3A_33 : i32
      %get3A = arith.index_cast %mul3A_34 : i32 to index
      %get3A_35 = tpu.vector_load %arg4[%get3A] {strides = array<i32>} : memref<1664xf32, #tpu.memory_space<vmem>>, vector<16xf32>,
      %get3A_36 = arith.index_cast %mul3A_34 : i32 to index
      %get3A_37 = tpu.vector_load %arg7[%get3A_36] {strides = array<i32>} : memref<1664xf32, #tpu.memory_space<vmem>>, vector<16xf32>,
      %add3A_38 = arith.addf %get3A_35, %get3A_37 : vector<16xf32>
      %get3A_39 = arith.index_cast %mul3A_34 : i32 to index
      %get3A_40 = tpu.vector_load %arg5[%get3A_39] {strides = array<i32>} : memref<1664xf32, #tpu.memory_space<vmem>>, vector<16xf32>,
      %get3A_41 = arith.index_cast %mul3A_34 : i32 to index
      %get3A_42 = tpu.vector_load %arg8[%get3A_41] {strides = array<i32>} : memref<1664xf32, #tpu.memory_space<vmem>>, vector<16xf32>,
      %add3A_43 = arith.addf %get3A_40, %get3A_42 : vector<16xf32>
      %get3A_44 = arith.index_cast %mul3A_34 : i32 to index
      %get3A_45 = tpu.vector_load %arg6[%get3A_44] {strides = array<i32>} : memref<1664xf32, #tpu.memory_space<vmem>>, vector<16xf32>,
      %get3A_46 = arith.index_cast %mul3A_34 : i32 to index
      %get3A_47 = tpu.vector_load %arg9[%get3A_46] {strides = array<i32>} : memref<1664xf32, #tpu.memory_space<vmem>>, vector<16xf32>,
      %add3A_48 = arith.addf %get3A_45, %get3A_47 : vector<16xf32>
      %mul3A_49 = arith.constant 48 : i32
      %mul3A_50 = arith.muli %scan3A_32, %mul3A_49 : i32
      %add3A_51 = vector.broadcast %mul3A_50 : i32 to vector<16xi32>
      %add3A_52 = arith.addi %add3A_51, %mul3A_23 : vector<16xi32>
      tpu.vector_store_idx %arg10[%add3A_52], %add3A_38 : memref<4992xf32, #tpu.memory_space<vmem>>[vector<16xi32>], vector<16xf32>,
      %add3A_53 = arith.constant 1 : i32
      %add3A_54 = vector.broadcast %add3A_53 : i32 to vector<16xi32>
      %add3A_55 = arith.addi %add3A_52, %add3A_54 : vector<16xi32>
      tpu.vector_store_idx %arg10[%add3A_55], %add3A_43 : memref<4992xf32, #tpu.memory_space<vmem>>[vector<16xi32>], vector<16xf32>,
      %add3A_56 = arith.constant 2 : i32
      %add3A_57 = vector.broadcast %add3A_56 : i32 to vector<16xi32>
      %add3A_58 = arith.addi %add3A_52, %add3A_57 : vector<16xi32>
      tpu.vector_store_idx %arg10[%add3A_58], %add3A_48 : memref<4992xf32, #tpu.memory_space<vmem>>[vector<16xi32>], vector<16xf32>,
    }
    %scan3A_28 = arith.constant 104 : i32
    %mul3A_29 = arith.constant 4992 : i32
    %mul3A_30 = arith.muli %add3A, %mul3A_29 : i32
    %multiple_of3A_31 = tpu.assume_multiple %mul3A_30, 128 : i32
    "tpu.region"() ({
      %run_scoped3A = tpu.sem_alloc : memref<!tpu.dma_semaphore, #tpu.memory_space<semaphore_mem>>
      %dma_start3A = tpu.memref_slice %arg3[%multiple_of3A_31] : memref<159744xf32, #tpu.memory_space<hbm>> -> memref<4992xf32, #tpu.memory_space<hbm>>
      %dma_start3A_32 = tpu.memref_slice %arg3[%multiple_of3A_31] : memref<159744xf32, #tpu.memory_space<hbm>> -> memref<4992xf32, #tpu.memory_space<hbm>>
      tpu.enqueue_dma source(%arg10 : memref<4992xf32, #tpu.memory_space<vmem>>) target(%dma_start3A_32 : memref<4992xf32, #tpu.memory_space<hbm>>) target_semaphore(%run_scoped3A : memref<!tpu.dma_semaphore, #tpu.memory_space<semaphore_mem>>)
      %dma_wait3A = tpu.memref_slice %arg3[%multiple_of3A_31] : memref<159744xf32, #tpu.memory_space<hbm>> -> memref<4992xf32, #tpu.memory_space<hbm>>
      %dma_wait3A_33 = tpu.memref_slice %arg3[%multiple_of3A_31] : memref<159744xf32, #tpu.memory_space<hbm>> -> memref<4992xf32, #tpu.memory_space<hbm>>
      tpu.wait_dma2 semaphore(%run_scoped3A : memref<!tpu.dma_semaphore, #tpu.memory_space<semaphore_mem>>) src(%arg10 : memref<4992xf32, #tpu.memory_space<vmem>>) dst(%dma_wait3A_33 : memref<4992xf32, #tpu.memory_space<hbm>>)
      tpu.yield
    }) : () -> ()
    return
  }
}

</mosaic_0001>

<sc_bundles>
// kernel: kernel.4.cloned.1.call-start
scs
__scs_entry_jumppad:
0x0: {  	(pc) =	sbr.rel $0x88, $3  }
0x1: {  	(tag) =	ssettag $0x0;
	lr =	simm.s32 $0x1  }
0x2: {  	[smem:$0x3F9E] =	sst lr;
	_ =	strace $0xD0000000  }
0x3: {  	_ = 	snop  }
0x4: {  	_ = 	snop  }
0x5: {  	_ = 	snop  }
0x6: {  	_ = 	snop  }
0x7: {  	_ = 	snop  }
__scs_overlays_trampoline_lowered:
0x8: {  	[smem:$0x3FAD] =	sst s0  }
0x9: {  	[smem:$0x3FAE] =	sst s1  }
0xa: {  	[smem:$0x3FAF] =	sst s2  }
0xb: {  	[smem:$0x3FB0] =	sst s3  }
0xc: {  	[smem:$0x3FB1] =	sst s4  }
0xd: {  	[smem:$0x3FB2] =	sst s5  }
0xe: {  	[smem:$0x3FB3] =	sst s6  }
0xf: {  	[smem:$0x3FB4] =	sst s7  }
0x10: {  	[smem:$0x3FB5] =	sst s8  }
0x11: {  	[smem:$0x3FB6] =	sst s9;
	s0 =	simm.s32 @!p0 $0x0  }
0x12: {  	s1 =	sld [smem:$0x3F9C];
	s0 =	simm.s32 @p0 $0x1  }
0x13: {  	[smem:$0x3FB7] =	sst s0;
	s0 =	simm.s32 @!p1 $0x0  }
0x14: {  	s2 =	sld [smem:$0x3F9B];
	s0 =	simm.s32 @p1 $0x1  }
0x15: {  	[smem:$0x3FB8] =	sst s0;
	s0 =	simm.s32 @!p2 $0x0  }
0x16: {  	s3 =	sld [smem:$0x3FDB];
	s0 =	simm.s32 @p2 $0x1  }
0x17: {  	s4 =	simm.s32 $0x1BF5;
	[smem:$0x3FBA] =	sst s0  }
0x18: {  	s0 =	sld [smem:$0x3F9D];
	_ =	swait.ge [sflag:s4], $0x0  }
0x19: {  	s7 =	sld [smem:$0x3F9E]  }
0x1a: {  	s8 =	sadd.s32 $0xFFFFE003, lr  }
0x1b: {  	s9 =	sadd.s32 $0xFFFFFEF7, lr;
	s5 =	simm.s32 $0xFFFFFFFF;
	p2 =	slt.u32 s8, $0xFFFFF086  }
0x1c: {  	p1 =	slt.u32 s9, $0xF7A;
	s5 =	simm.s32 @!p2 $0x0  }
0x1d: {  	s5 =	simm.s32 @p1 $0x1;
	p0 =	seq.s32 s7, s2  }
0x1e: {  	s7 =	smul.u32 @!p0 $0xF7A, s2;
	p2 =	seq.s32 @!p0 s5, $0x0  }
0x1f: {  	s9 =	smul.u32 $0xF7A, s1;
	s8 =	simm.s32 @!p0 $0x1BF5;
	p2 =	por !p2, p0  }
0x20: {  	[sflag:s8] =	ssyncset.s32 @!p0 $0xFFFFF086;
	s6 =	sadd.s32 @!p0 s3, s7;
	s7 =	simm.s32 @!p0 $0x108  }
0x21: {  	s3 =	sadd.s32 s3, s9;
	s6 =	sadd.s32 @!p0 $0x88, s6;
	s7 =	simm.s32 @p2 $0x1082  }
0x22: {  	[simem:s7], [sflag:s8] =	dma.local @!p0 [hbm:s6], $0xF7A  }
0x23: {  	s9 =	sor.u32 $0xD0000000, s2;
	s6 =	simm.s32 $0x108;
	_ =	swait.ge @!p0 [sflag:s8], $0x0  }
0x24: {  	s3 =	sadd.s32 $0x88, s3;
	s6 =	simm.s32 @!p1 $0x1082;
	[sflag:s4] =	ssyncset.s32 $0xFFFFF086  }
0x25: {  	[simem:s6], [sflag:s4] =	dma.local [hbm:s3], $0xF7A  }
0x26: {  	[smem:$0x3F9E] =	sst s1;
	(tag) =	ssettag s2;
	_ =	strace s9  }
0x27: {  	s1 =	sld [smem:$0x3FAE]  }
0x28: {  	s2 =	sld [smem:$0x3FAF]  }
0x29: {  	s4 =	sld [smem:$0x3FB1]  }
0x2a: {  	p0 =	seq.s32 s5, $0x0;
	s5 =	sld [smem:$0x3FB2]  }
0x2b: {  	s6 =	sld [smem:$0x3FB3]  }
0x2c: {  	s7 =	sld [smem:$0x3FB4]  }
0x2d: {  	s3 =	simm.s32 $0x108;
	s8 =	sld [smem:$0x3FB5]  }
0x2e: {  	s3 =	simm.s32 @!p0 $0x1082;
	s9 =	sld [smem:$0x3FB6]  }
0x2f: {  	lr =	sadd.s32 s0, s3;
	s0 =	sld [smem:$0x3FAD]  }
0x30: {  	s3 =	sld [smem:$0x3FB0]  }
0x31: {  	[smem:$0x3FB9] =	sst s10  }
0x32: {  	s10 =	sld [smem:$0x3FB7];
	_ =	sdelay $0x3  }
0x33: {  	p0 =	seq.s32 s10, $0x1;
	s10 =	sld [smem:$0x3FB9];
	_ =	sdelay $0x3  }
0x34: {  	[smem:$0x3FB9] =	sst s10  }
0x35: {  	s10 =	sld [smem:$0x3FB8];
	_ =	sdelay $0x3  }
0x36: {  	p1 =	seq.s32 s10, $0x1;
	s10 =	sld [smem:$0x3FB9];
	_ =	sdelay $0x3  }
0x37: {  	[smem:$0x3FB9] =	sst s10  }
0x38: {  	s10 =	sld [smem:$0x3FBA]  }
0x39: {  	_ = 	snop;
	(pc) =	sbr.ind lr, $3  }
0x3a: {  	_ = 	snop  }
0x3b: {  	_ = 	snop  }
0x3c: {  	p2 =	seq.s32 s10, $0x1;
	s10 =	sld [smem:$0x3FB9]  }
0x3d: {  	_ =	shalt  }
0x3e: {  	_ =	shalt  }
0x3f: {  	_ =	shalt  }
0x40: {  	_ =	shalt  }
0x41: {  	_ =	shalt  }
0x42: {  	_ =	shalt  }
0x43: {  	_ =	shalt  }
0x44: {  	_ =	shalt  }
0x45: {  	_ =	shalt  }
0x46: {  	_ =	shalt  }
0x47: {  	_ =	shalt  }
0x48: {  	_ =	shalt  }
0x49: {  	_ =	shalt  }
0x4a: {  	_ =	shalt  }
0x4b: {  	_ =	shalt  }
0x4c: {  	_ =	shalt  }
0x4d: {  	_ =	shalt  }
0x4e: {  	_ =	shalt  }
0x4f: {  	_ =	shalt  }
0x50: {  	_ =	shalt  }
0x51: {  	_ =	shalt  }
0x52: {  	_ =	shalt  }
0x53: {  	_ =	shalt  }
0x54: {  	_ =	shalt  }
0x55: {  	_ =	shalt  }
0x56: {  	_ =	shalt  }
0x57: {  	_ =	shalt  }
0x58: {  	_ =	shalt  }
0x59: {  	_ =	shalt  }
0x5a: {  	_ =	shalt  }
0x5b: {  	_ =	shalt  }
0x5c: {  	_ =	shalt  }
0x5d: {  	_ =	shalt  }
0x5e: {  	_ =	shalt  }
0x5f: {  	_ =	shalt  }
0x60: {  	_ =	shalt  }
0x61: {  	_ =	shalt  }
0x62: {  	_ =	shalt  }
0x63: {  	_ =	shalt  }
0x64: {  	_ =	shalt  }
0x65: {  	_ =	shalt  }
0x66: {  	_ =	shalt  }
0x67: {  	_ =	shalt  }
0x68: {  	_ =	shalt  }
0x69: {  	_ =	shalt  }
0x6a: {  	_ =	shalt  }
0x6b: {  	_ =	shalt  }
0x6c: {  	_ =	shalt  }
0x6d: {  	_ =	shalt  }
0x6e: {  	_ =	shalt  }
0x6f: {  	_ =	shalt  }
0x70: {  	_ =	shalt  }
0x71: {  	_ =	shalt  }
0x72: {  	_ =	shalt  }
0x73: {  	_ =	shalt  }
0x74: {  	_ =	shalt  }
0x75: {  	_ =	shalt  }
0x76: {  	_ =	shalt  }
0x77: {  	_ =	shalt  }
0x78: {  	_ =	shalt  }
0x79: {  	_ =	shalt  }
0x7a: {  	_ =	shalt  }
0x7b: {  	_ =	shalt  }
0x7c: {  	_ =	shalt  }
0x7d: {  	_ =	shalt  }
0x7e: {  	_ =	shalt  }
0x7f: {  	_ =	shalt  }
0x80: {  	_ =	shalt  }
0x81: {  	_ =	shalt  }
0x82: {  	_ =	shalt  }
0x83: {  	_ =	shalt  }
0x84: {  	_ =	shalt  }
0x85: {  	_ =	shalt  }
0x86: {  	_ =	shalt  }
0x87: {  	_ =	shalt  }
.Lfunc_end0:
.L_simem_size_0:
called_computation_lowered:
.L_overlay_start_0:
0x88: {  	s2 =	sld [smem:$0x3FD9]  }
0x89: {  	s3 =	sld [smem:$0x3FFE];
	_ =	sdelay $0x1  }
0x8a: {  	s1 =	srdreg.scid  }
0x8b: {  	s0 =	sand.u32 $0x1, s1  }
0x8c: {  	s17 =	sshll.u32 s0, $0xA;
	s2 =	sadd.s32 s3, s2  }
0x8d: {  	s2 =	sadd.s32 s2, s17  }
0x8e: {  	[smem:$0x3FC5] =	sst s2  }
0x8f: {  	_ = 	snop  }
0x90: {  	s2 =	sld [smem:$0x3FD0];
	(tm) =	ssettm $0x1  }
0x91: {  	s18 =	sld [smem:$0x3FFB];
	_ =	sdelay $0x3  }
0x92: {  	_ =	strace s18  }
0x93: {  	s3 =	sld [smem:$0x3FFC];
	_ =	sdelay $0x3  }
0x94: {  	_ =	strace s3  }
0x95: {  	s3 =	sld [smem:$0x3FFD];
	_ =	sdelay $0x3  }
0x96: {  	_ =	strace s3  }
0x97: {  	_ =	strace $0x8FFFFFFF  }
0x98: {  	s19 =	sld [smem:$0x3FDB];
	_ =	sdelay $0x1  }
0x99: {  	s4 =	simm.s32 $_scs_section_size  }
0x9a: {  	s5 =	simm.s32 $_size__tile_overlayer_lowered;
	s6 =	simm.s32 $_tile_overlayer_lowered  }
0x9b: {  	s22 =	simm.s32 $0x1BFF;
	s21 =	sshll.u32 s6, $0x1;
	s3 =	sadd.s32 s4, s19  }
0x9c: {  	s7 =	simm.s32 $0x0;
	s20 =	sshll.u32 s5, $0x1;
	s5 =	sadd.s32 s21, s3  }
0x9d: {  	[timem:s7], [sflag:s22] =	dma.local [hbm:s5], s20  }
0x9e: {  	_ =	swait.ge [sflag:s22], s20  }
0x9f: {  	s4 =	ssub.s32 $0x0, s20;
	[sflag:s22] =	ssyncset.done $0x0  }
0xa0: {  	[sflag:s22] =	ssyncadd.s32 s4;
	_ =	sdelay $0x1  }
0xa1: {  	s23 =	simm.s32 $0x1B8B  }
0xa2: {  	_ =	swait.ge [sflag:s23], $0x1  }
0xa3: {  	[sflag:s23] =	ssyncset.done $0x0  }
0xa4: {  	s25 =	simm.s32 $0x1B8E;
	s24 =	sld [smem:$0x3FFE];
	[sflag:s23] =	ssyncadd.s32 $0xFFFFFFFF  }
0xa5: {  	s26 =	simm.s32 $execute0_lowered;
	[smem:$0x3FD2] =	sst s25  }
0xa6: {  	s5 =	sshll.u32 s26, $0x1;
	_ =	strace $0x80000046;
	[dreg:$0x1] =	wrdreg $0xFFFFFFFF  }
0xa7: {  	s28 =	simm.s32 $_size_execute0_lowered;
	s3 =	sadd.s32 s3, s5;
	[dreg:$0x0] =	wrdreg $0x0  }
0xa8: {  	s5 =	sshll.u32 s28, $0x1;
	[dreg:$0x2] =	wrdreg s3  }
0xa9: {  	[dreg:$0x3] =	wrdreg s5  }
0xaa: {  	[dreg:$0x4] =	wrdreg $0xC0  }
0xab: {  	_ =	task [dreg:s7], $0x5FFFF  }
0xac: {  	[dreg:$0x1] =	wrdreg $0xFFFFFFFF  }
0xad: {  	[dreg:$0x0] =	wrdreg $0x60  }
0xae: {  	[dreg:$0x2] =	wrdreg s2  }
0xaf: {  	[dreg:$0x3] =	wrdreg s24  }
0xb0: {  	[dreg:$0x4] =	wrdreg $0x0  }
0xb1: {  	[dreg:$0x5] =	wrdreg $0x27000  }
0xb2: {  	[dreg:$0x6] =	wrdreg $0xD000  }
0xb3: {  	[dreg:$0x7] =	wrdreg $0x34000  }
0xb4: {  	[dreg:$0x8] =	wrdreg $0x1A000  }
0xb5: {  	[dreg:$0x9] =	wrdreg $0x41000  }
0xb6: {  	[dreg:$0xa] =	wrdreg $0x9  }
0xb7: {  	_ =	task.clear_ibuf [dreg:s7], $0xBFFFF;
	_ =	strace $0x90000046  }
0xb8: {  	s29 =	simm.s32 $0x9;
	_ =	strace $0x80000048  }
0xb9: {  	_ =	swait.ge [sflag:s29], $0x1  }
0xba: {  	[sflag:s29] =	ssyncadd.s32 $0xFFFFFFFF  }
0xbb: {  	_ =	strace $0x90000048  }
0xbc: {  	_ =	sfence  }
0xbd: {  	s30 =	sld [smem:$0x0];
	_ =	sdelay $0x2  }
0xbe: {  	s31 =	sshll.u32 s1, $0xD;
	s1 =	sshrl.u32 s1, $0x2  }
0xbf: {  	s3 =	sand.u32 $0x4000, s31;
	s1 =	sadd.s32 s1, s30  }
0xc0: {  	s0 =	sor.u32 s3, s0;
	s1 =	sshll.u32 s1, $0x11  }
0xc1: {  	s0 =	sor.u32 s1, s0  }
0xc2: {  	s0 =	sadd.s32 $0x8F2B, s0  }
0xc3: {  	[sflag:s0] =	ssyncadd.remote.s32 $0x1  }
0xc4: {  	_ =	sfence.sel $0xFFFF  }
0xc5: {  	[dreg:$0x0] =	wrdreg $0xFFFFFFFF;
	(pc) =	sbr.abs _section_cstart, $3  }
0xc6: {  	[dreg:$0x1] =	wrdreg $0xFFFFFFFF  }
0xc7: {  	_ =	task.clear_ibuf [dreg:s7], $0x2FFFF;
	_ =	strace $0x9FFFFFFF  }
0xc8: {  	(tm) =	ssettm $0x7FFFFFFF  }
0xc9: {  	_ =	shalt  }
tec
execute0_lowered:
.L_overlay_start_1:
0x0: {  	(tag) =	ssettag $0x1  }
0x1: {  	s2 =	rddreg [dreg:$0x0]  }
0x2: {  	s4 =	rddreg [dreg:$0x1]  }
0x3: {  	s0 =	rddreg [dreg:$0x2]  }
0x4: {  	s1 =	rddreg [dreg:$0x3]  }
0x5: {  	s3 =	rddreg [dreg:$0x4]  }
0x6: {  	s5 =	rddreg [dreg:$0x5]  }
0x7: {  	s6 =	rddreg [dreg:$0x6]  }
0x8: {  	s7 =	rddreg [dreg:$0x7];
	s18 =	stileid.u32  }
0x9: {  	s9 =	srdreg.scid;
	s11 =	simm.s32 $0x0;
	s28 =	simm.s32 $0x6E00  }
0xa: {  	s29 =	simm.s32 $0x7600;
	s8 =	smul.u32 $0xD00, s18;
	s10 =	sand.u32 $0x1, s9  }
0xb: {  	[smem:$0x7FF] =	sst s11;
	s12 =	sshll.u32 s18, $0x1;
	s9 =	sadd.s32 $0x18FD400, s4  }
0xc: {  	s18 =	sshll.u32 s18, $0x6;
	s25 =	smul.u32 $0x27000, s10;
	_ =	strace $0x80000047  }
0xd: {  	s12 =	sor.u32 s10, s12;
	s15 =	ssub.s32 $0x2, s10;
	s10 =	sadd.s32 $0x186AC00, s4  }
0xe: {  	s21 =	sor.u32 $0x1C06, s18;
	s13 =	sshrl.u32 s8, $0x3;
	s16 =	smul.u32 $0x61B, s12  }
0xf: {  	s26 =	sshrl.u32 s15, $0x1;
	s17 =	sadd.s32 s8, s0;
	s31 =	sadd.s32 s8, s1  }
0x10: {  	s19 =	sadd.s32 s8, s3;
	s24 =	sadd.s32 s8, s5;
	s14 =	sadd.s32 s13, s4  }
0x11: {  	s11 =	sadd.s32 s8, s25;
	s15 =	ssub.s32 s15, s26;
	[dreg:$0xb] =	wrdreg s31  }
0x12: {  	s20 =	sadd.s32 s2, s13;
	[dreg:$0xd] =	wrdreg s24;
	s13 =	simm.s32 $0x1  }
0x13: {  	s31 =	sadd.s32 s8, s6;
	s8 =	sadd.s32 s8, s7;
	s24 =	sshrl.u32 s17, $0x3  }
0x14: {  	s11 =	sshrl.u32 s11, $0x3;
	s12 =	sadd.s32 $0x61B, s16;
	[dreg:$0xe] =	wrdreg s8  }
0x15: {  	s14 =	sadd.s32 $0xC00, s14;
	s26 =	sshll.u32 s16, $0x3;
	[dreg:$0x15] =	wrdreg s24  }
0x16: {  	s8 =	smov.u32 s21;
	[dreg:$0x9] =	wrdreg s20;
	s4 =	sadd.s32 s11, s4  }
0x17: {  	s11 =	sshrl.u32 s16, $0x5;
	s12 =	sshrl.u32 s12, $0x5;
	[dreg:$0xc] =	wrdreg s14  }
0x18: {  	[dreg:$0xa] =	wrdreg s8;
	s30 =	ssub.s32 s12, s11;
	s16 =	sadd.s32 $0x2600, s4  }
0x19: {  	s21 =	sadd.s32 $0x4000, s4;
	s18 =	sadd.s32 $0x1, s30;
	[dreg:$0x11] =	wrdreg s16  }
0x1a: {  	p0 =	slt.s32 s30, $0x0;
	s30 =	smul.u32 $0x180, s11;
	[dreg:$0x12] =	wrdreg s21  }
0x1b: {  	v0 =	vimm.s32 $0xDA741EB8;
	s16 =	simm.s32 $0x6;
	s22 =	sand.u32 $0x8000, s18;
	s23 =	sand.u32 $0x1, s18  }
0x1c: {  	v4 =	vlaneseq.u32;
	v3 =	vimm.s32 $0xEB852FC9;
	v5 =	vimm.s32 $0x630DA741;
	s21 =	simm.s32 $0x5E00;
	s14 =	sshrl.u32 s22, $0xF;
	p1 =	seq.s32 s23, $0x1  }
0x1d: {  	v6 =	vimm.s32 $0xFC9630DA;
	v7 =	vimm.s32 $0x741EB852;
	v0 =	vunpack.c.l.s4.s8 v0;
	s22 =	sadd.s32 $0x5A00, s4;
	s23 =	smax.u32 s15, $0x1;
	s4 =	simm.s32 $0x1  }
0x1e: {  	vm0 =	vmmov $0xff;
	vm1 =	vcmask $0x2B18;
	vm2 =	vmmov $0x3f;
	s25 =	sadd.s32 s14, s18;
	p0 =	por !p0, !p1;
	[dreg:$0x13] =	wrdreg s22  }
0x1f: {  	vm3 =	vcmask $0x2B14;
	v2 =	vunpack.c.0.s8.s32 v0;
	v0 =	vimm.s32 $0x52FC9630;
	s14 =	sand.u32 $0x7FF00, s26;
	[dreg:$0x14] =	wrdreg s23;
	s26 =	sshrl.u32 s31, $0x3  }
0x20: {  	v1 =	vand.u32 $0x7, v4;
	v3 =	vunpack.c.l.s4.s8 v3;
	v0 =	vunpack.c.l.s4.s8 v0;
	s31 =	sadd.s32 $0x3400, s20;
	s2 =	sshll.u32 s25, $0x10;
	p0 =	por !p0, !p0  }
0x21: {  	v5 =	vunpack.c.l.s4.s8 v5;
	v6 =	vunpack.c.l.s4.s8 v6;
	v7 =	vunpack.c.l.s4.s8 v7;
	s14 =	sadd.s32 s9, s14;
	s25 =	sshrl.u32 s19, $0x3;
	[dreg:$0x17] =	wrdreg s26  }
0x22: {  	v8 =	vunpack.c.0.s8.s32 v0;
	v0 =	vmul.u32 $0x2, v1;
	v1 =	vunpack.c.0.s8.s32 v3;
	[dreg:$0x19] =	wrdreg s31;
	s19 =	simm.s32 $0x5;
	s26 =	simm.s32 $0x3  }
.Ltmp0:
0x23: {  	v3 =	vunpack.c.0.s8.s32 v5;
	v5 =	vunpack.c.0.s8.s32 v6;
	v6 =	vunpack.c.0.s8.s32 v7;
	s2 =	sshra.s32 s2, $0x11;
	[dreg:$0xf] =	wrdreg s14;
	(pc) =	sbr.rel .LBB2_1-.Ltmp0, $4  }
0x24: {  	vm4 =	vmmov $0x1f;
	vm5 =	vcmask $0x2714;
	v2 =	vcombine.low v8, v2;
	s13 =	simm.s32 @!p0 $0x0;
	[dreg:$0x16] =	wrdreg s25;
	s25 =	simm.s32 $0x2  }
0x25: {  	v3 =	vcombine.low v3, v1;
	v5 =	vcombine.low v6, v5;
	v6 =	vmul.u32 $0xFFFFFFFF, v4;
	s14 =	simm.s32 $0x0;
	s18 =	ssub.s32 s2, s13;
	s2 =	sadd.s32 s10, s30  }
0x26: {  	vm6 =	vmxor vm6, vm6;
	v1 =	vor.u32 $0x1, v0;
	v2 =	vand.u32 $0xF, v2;
	s30 =	sadd.s32 $0x1A00, s20;
	s20 =	simm.s32 $0x800;
	[dreg:$0x10] =	wrdreg s2  }
0x27: {  	v3 =	vand.u32 $0xF, v3;
	v4 =	vand.u32 $0xF, v5;
	v5 =	vadd.s32 $0x1867FF, v6;
	s13 =	simm.s32 $0x6600;
	p0 =	slt.s32 s18, $0x1;
	[dreg:$0x18] =	wrdreg s30  }
.LBB2_21:
0x28: {  	s2 =	simm.s32 $0x4  }
0x29: {  	_ =	swait.ge [sflag:s2], $0x800  }
0x2a: {  	[sflag:s2] =	ssyncset.done $0x0  }
0x2b: {  	[sflag:s2] =	ssyncadd.s32 $0xFFFFF800  }
0x2c: {  	_ =	swait.ge [sflag:s2], $0x800  }
0x2d: {  	[sflag:s2] =	ssyncset.done $0x0  }
0x2e: {  	[sflag:s2] =	ssyncadd.s32 $0xFFFFF800  }
0x2f: {  	_ =	swait.ge [sflag:s2], $0x800  }
0x30: {  	[sflag:s2] =	ssyncset.done $0x0  }
0x31: {  	[sflag:s2] =	ssyncadd.s32 $0xFFFFF800  }
0x32: {  	_ =	swait.ge [sflag:s4], $0x800  }
0x33: {  	[sflag:s4] =	ssyncset.done $0x0  }
0x34: {  	[sflag:s4] =	ssyncadd.s32 $0xFFFFF800  }
0x35: {  	_ =	swait.ge [sflag:s4], $0x800  }
0x36: {  	[sflag:s4] =	ssyncset.done $0x0  }
0x37: {  	[sflag:s4] =	ssyncadd.s32 $0xFFFFF800  }
0x38: {  	_ =	swait.ge [sflag:s4], $0x800  }
0x39: {  	[sflag:s4] =	ssyncset.done $0x0  }
0x3a: {  	[sflag:s4] =	ssyncadd.s32 $0xFFFFF800  }
0x3b: {  	[bflag:$0x0] =	sbarrier.arrive $0xFFFF  }
0x3c: {  	s8 =	rddreg [dreg:$0xa]  }
0x3d: {  	s16 =	rddreg [dreg:$0x11]  }
0x3e: {  	s14 =	rddreg [dreg:$0x1b]  }
0x3f: {  	[hbm:s16], [sflag:s8] =	dma.local [spmem:s14], $0x1A0  }
0x40: {  	s16 =	simm.s32 $0x6  }
0x41: {  	_ =	swait.ge [sflag:s16], $0x1A0  }
0x42: {  	[sflag:s16] =	ssyncset.done $0x0;
	s17 =	rddreg [dreg:$0x12]  }
0x43: {  	s22 =	rddreg [dreg:$0x1c];
	[sflag:s16] =	ssyncadd.s32 $0xFFFFFE60  }
0x44: {  	[hbm:s17], [sflag:s8] =	dma.local [spmem:s22], $0x1A0  }
0x45: {  	_ =	swait.ge [sflag:s16], $0x1A0  }
0x46: {  	[sflag:s16] =	ssyncset.done $0x0;
	s23 =	rddreg [dreg:$0x13]  }
0x47: {  	s24 =	rddreg [dreg:$0x1d];
	[sflag:s16] =	ssyncadd.s32 $0xFFFFFE60  }
0x48: {  	[hbm:s23], [sflag:s8] =	dma.local [spmem:s24], $0x1A0  }
0x49: {  	_ =	swait.ge [sflag:s16], $0x1A0  }
0x4a: {  	s30 =	rddreg [dreg:$0x1a]  }
0x4b: {  	s31 =	rddreg [dreg:$0x14];
	s14 =	sadd.s32 $0x1, s30  }
0x4c: {  	p1 =	sne.s32 s14, s31  }
.Ltmp1:
0x4d: {  	_ = 	snop;
	(pc) =	sbr.rel @!p1 .LBB2_22-.Ltmp1, $3  }
0x4e: {  	_ =	sdelay $0x1  }
0x4f: {  	[sflag:s16] =	ssyncset.done $0x0  }
0x50: {  	[sflag:s16] =	ssyncadd.s32 $0xFFFFFE60  }
.LBB2_1:
0x51: {  	[dreg:$0x1a] =	wrdreg s14  }
0x52: {  	s2 =	rddreg [dreg:$0x9]  }
0x53: {  	s31 =	rddreg [dreg:$0x15]  }
0x54: {  	[spmem:s31], [sflag:s8] =	dma.local [hbm:s2], $0x1A0  }
0x55: {  	_ =	swait.ge [sflag:s16], $0x1A0  }
0x56: {  	s15 =	rddreg [dreg:$0xb]  }
0x57: {  	[sflag:s16] =	ssyncset.done $0x0;
	s22 =	rddreg [dreg:$0xc];
	s17 =	sshrl.u32 s15, $0x3  }
0x58: {  	[sflag:s16] =	ssyncadd.s32 $0xFFFFFE60;
	[dreg:$0x1b] =	wrdreg s17  }
0x59: {  	[spmem:s17], [sflag:s8] =	dma.local [hbm:s22], $0x1A0  }
0x5a: {  	_ =	swait.ge [sflag:s16], $0x1A0  }
0x5b: {  	[sflag:s16] =	ssyncset.done $0x0;
	s23 =	rddreg [dreg:$0x16]  }
0x5c: {  	s15 =	rddreg [dreg:$0x18];
	[sflag:s16] =	ssyncadd.s32 $0xFFFFFE60  }
0x5d: {  	[spmem:s23], [sflag:s8] =	dma.local [hbm:s15], $0x1A0  }
0x5e: {  	_ =	swait.ge [sflag:s16], $0x1A0  }
0x5f: {  	s24 =	rddreg [dreg:$0xd]  }
0x60: {  	[sflag:s16] =	ssyncset.done $0x0;
	s14 =	sshrl.u32 s24, $0x3  }
0x61: {  	[sflag:s16] =	ssyncadd.s32 $0xFFFFFE60;
	[dreg:$0x1c] =	wrdreg s14  }
0x62: {  	[spmem:s14], [sflag:s8] =	dma.local [hbm:s22], $0x1A0  }
0x63: {  	_ =	swait.ge [sflag:s16], $0x1A0  }
0x64: {  	[sflag:s16] =	ssyncset.done $0x0;
	s30 =	rddreg [dreg:$0x17]  }
0x65: {  	s31 =	rddreg [dreg:$0x19];
	[sflag:s16] =	ssyncadd.s32 $0xFFFFFE60  }
0x66: {  	[spmem:s30], [sflag:s8] =	dma.local [hbm:s31], $0x1A0  }
0x67: {  	_ =	swait.ge [sflag:s16], $0x1A0  }
0x68: {  	s15 =	rddreg [dreg:$0xe]  }
0x69: {  	[sflag:s16] =	ssyncset.done $0x0;
	s14 =	sshrl.u32 s15, $0x3  }
0x6a: {  	[sflag:s16] =	ssyncadd.s32 $0xFFFFFE60;
	[dreg:$0x1d] =	wrdreg s14  }
0x6b: {  	[spmem:s14], [sflag:s8] =	dma.local [hbm:s22], $0x1A0  }
0x6c: {  	_ =	swait.ge [sflag:s16], $0x1A0  }
0x6d: {  	[sflag:s16] =	ssyncset.done $0x0  }
0x6e: {  	[sflag:s16] =	ssyncadd.s32 $0xFFFFFE60  }
0x6f: {  	[bflag:$0x0] =	sbarrier.arrive $0xFFFF  }
0x70: {  	s22 =	simm.s32 $0x4E00;
	s16 =	simm.s32 $0x0;
	s17 =	rddreg [dreg:$0xf]  }
0x71: {  	[tilespmem:s22], [sflag:$0x5] =	stream.linear.gather [hbm4b:s17+s16], $0x800, $0x38;
	[tilespmem:$0x10E00] =	vst v63  }
0x72: {  	s24 =	simm.s32 $0x7E00;
	s23 =	rddreg [dreg:$0x10]  }
0x73: {  	[tilespmem:s24], [sflag:$0x5] =	stream.linear.gather [hbm4b:s23+s16], $0xC00, $0x38;
	[tilespmem:$0x10E00] =	vst v63  }
0x74: {  	_ =	swait.ge [sflag:s19], $0x800  }
0x75: {  	[sflag:s19] =	ssyncset.done $0x0  }
0x76: {  	[sflag:s19] =	ssyncadd.s32 $0xFFFFF800  }
0x77: {  	_ =	swait.ge [sflag:s19], $0xC00  }
0x78: {  	[sflag:s19] =	ssyncset.done $0x0  }
0x79: {  	s30 =	simm.s32 $0x4E10;
	[sflag:s19] =	ssyncadd.s32 $0xFFFFF400  }
0x7a: {  	v6 =	vld [tilespmem:s30+$0xFFFFFFF0]  }
0x7b: {  	v7 =	vld [tilespmem:s30+$0x0];
	_ =	sdelay $0x4  }
0x7c: {  	v8 =	vperm.xlane v6, v0;
	v9 =	vperm.xlane v7, v0  }
0x7d: {  	v6 =	vperm.xlane v6, v1;
	v7 =	vperm.xlane v7, v1  }
0x7e: {  	v8 =	vsel vm0, v8, v9  }
0x7f: {  	s31 =	sand.u32 $0x3F0, s16;
	v6 =	vsel vm0, v6, v7;
	[tilespmem:s21+$0x0] =	vst v8  }
0x80: {  	s14 =	simm.s32 $0x4E30;
	[tilespmem:s31+$0x6200] =	vst v6  }
0x81: {  	v6 =	vld [tilespmem:s14+$0xFFFFFFF0]  }
0x82: {  	v7 =	vld [tilespmem:s14+$0x0]  }
0x83: {  	s2 =	simm.s32 $0x10;
	s15 =	simm.s32 $0x20;
	s8 =	simm.s32 $0x5E00  }
.LBB2_2:
0x84: {  	p1 =	sne.s32 s15, $0x3F0;
	_ =	sdelay $0x1  }
0x85: {  	v8 =	vperm.xlane v6, v1  }
0x86: {  	v6 =	vperm.xlane v6, v0;
	v9 =	vperm.xlane v7, v0  }
0x87: {  	v7 =	vperm.xlane v7, v1  }
0x88: {  	s8 =	sadd.s32 $0x10, s8;
	v6 =	vsel vm0, v6, v9  }
.Ltmp2:
0x89: {  	s16 =	sand.u32 $0x3F0, s2;
	s2 =	smov.u32 s15;
	[tilespmem:s8+$0x0] =	vst v6;
	v6 =	vsel vm0, v8, v7;
	(pc) =	sbr.rel @p1 .LBB2_2-.Ltmp2, $4  }
0x8a: {  	s14 =	sadd.s32 $0x20, s14;
	[tilespmem:s16+$0x6200] =	vst v6  }
0x8b: {  	v6 =	vld [tilespmem:s14+$0xFFFFFFF0]  }
0x8c: {  	v7 =	vld [tilespmem:s14+$0x0]  }
0x8d: {  	s15 =	sadd.s32 $0x10, s15  }
0x8e: {  	_ =	sdelay $0x2  }
0x8f: {  	v8 =	vperm.xlane v6, v0;
	v9 =	vperm.xlane v7, v0  }
0x90: {  	v6 =	vperm.xlane v6, v1;
	v7 =	vperm.xlane v7, v1  }
0x91: {  	s8 =	sadd.s32 $0x10, s8;
	v8 =	vsel vm0, v8, v9  }
0x92: {  	s2 =	sand.u32 $0x3F0, s2;
	v6 =	vsel vm0, v6, v7;
	[tilespmem:s8+$0x0] =	vst v8  }
0x93: {  	s24 =	simm.s32 $0xAE00;
	[tilespmem:s2+$0x6200] =	vst v6  }
0x94: {  	[tilespmem:s24], [sflag:$0x1] =	stream.indirect.gather [spmem:s0], $0x1, s21, s20, $0xb8;
	[tilespmem:$0x10E00] =	vst v63  }
.Ltmp3:
0x95: {  	_ = 	snop;
	(pc) =	sbr.rel @p0 .LBB2_21-.Ltmp3, $4  }
0x96: {  	s30 =	simm.s32 $0xBE00  }
0x97: {  	[tilespmem:s30], [sflag:$0x1] =	stream.indirect.gather [spmem:s3], $0x1, s21, s20, $0xb8;
	[tilespmem:$0x10E00] =	vst v63  }
0x98: {  	s31 =	simm.s32 $0xCE00;
	s16 =	simm.s32 $0x0  }
0x99: {  	[tilespmem:s31], [sflag:$0x1] =	stream.indirect.gather [spmem:s6], $0x1, s21, s20, $0xb8;
	[tilespmem:$0x10E00] =	vst v63  }
.LBB2_4:
0x9a: {  	_ =	swait.ge [sflag:s4], $0x800  }
0x9b: {  	[sflag:s4] =	ssyncset.done $0x0  }
0x9c: {  	[sflag:s4] =	ssyncadd.s32 $0xFFFFF800  }
0x9d: {  	_ =	swait.ge [sflag:s4], $0x800  }
0x9e: {  	[sflag:s4] =	ssyncset.done $0x0  }
0x9f: {  	[sflag:s4] =	ssyncadd.s32 $0xFFFFF800  }
0xa0: {  	_ =	swait.ge [sflag:s4], $0x800  }
0xa1: {  	[sflag:s4] =	ssyncset.done $0x0  }
0xa2: {  	s2 =	simm.s32 $0x0;
	[sflag:s4] =	ssyncadd.s32 $0xFFFFF800  }
0xa3: {  	s8 =	simm.s32 $0x40;
	v6 =	vld [tilespmem:s2+$0x5E00]  }
.LBB2_5:
0xa4: {  	p1 =	sne.s32 s8, $0x1FC0  }
.Ltmp4:
0xa5: {  	_ = 	snop;
	(pc) =	sbr.rel @p1 .LBB2_5-.Ltmp4, $3  }
0xa6: {  	_ =	sdelay $0x1  }
0xa7: {  	[tilespmem:s2+$0x6E00] =	vst v6;
	s2 =	sshra.s32 s8, $0x2;
	s8 =	sadd.s32 $0x40, s8  }
0xa8: {  	v6 =	vld [tilespmem:s2+$0x5E00]  }
0xa9: {  	s8 =	sshll.u32 s16, $0x1  }
0xaa: {  	s31 =	sadd.s32 s11, s8  }
0xab: {  	s30 =	sadd.s32 $0x1, s31  }
0xac: {  	p1 =	slt.u32 s31, $0x619;
	s14 =	sshll.u32 s30, $0xA  }
0xad: {  	s14 =	simm.s32 @!p1 $0x186600  }
0xae: {  	s22 =	sshrl.u32 s14, $0x2;
	s15 =	smul.u32 $0x3, s14  }
0xaf: {  	s17 =	simm.s32 $0x5600;
	s8 =	sand.u32 $0x1FFFFF80, s22  }
0xb0: {  	[tilespmem:s2+$0x6E00] =	vst v6;
	s2 =	simm.s32 $0x0;
	s8 =	sadd.s32 s9, s8;
	s23 =	sshrl.u32 s15, $0x3  }
0xb1: {  	[tilespmem:s17], [sflag:$0x5] =	stream.linear.gather [hbm4b:s8+s2], $0x800, $0x38;
	[tilespmem:$0x10E00] =	vst v63  }
0xb2: {  	s24 =	simm.s32 $0x8A00;
	s8 =	sadd.s32 s10, s23  }
0xb3: {  	[tilespmem:s24], [sflag:$0x5] =	stream.linear.gather [hbm4b:s8+s2], $0xC00, $0x38;
	[tilespmem:$0x10E00] =	vst v63  }
0xb4: {  	s8 =	simm.s32 $0x7E20  }
0xb5: {  	v7 =	vld [tilespmem:s8+$0xFFFFFFF0]  }
0xb6: {  	s15 =	simm.s32 $0x40;
	v6 =	vld [tilespmem:s8+$0x0]  }
.LBB2_7:
0xb7: {  	p2 =	sne.s32 s15, $0xFC0;
	v8 =	vld [tilespmem:s8+$0xFFFFFFE0];
	_ =	sdelay $0x2  }
0xb8: {  	v9 =	vperm.xlane v7, v2;
	v10 =	vperm.xlane v7, v3  }
0xb9: {  	v7 =	vperm.xlane v7, v4;
	v11 =	vperm.xlane v6, v4  }
0xba: {  	v12 =	vperm.xlane v6, v2;
	v13 =	vperm.xlane v8, v4  }
0xbb: {  	v6 =	vperm.xlane v6, v3;
	v14 =	vperm.xlane v8, v2;
	v7 =	vsel vm5, v7, v11  }
0xbc: {  	s17 =	sshra.s32 s2, $0x2;
	s2 =	smov.u32 s15;
	v8 =	vperm.xlane v8, v3;
	v9 =	vsel vm1, v9, v12;
	v7 =	vsel vm4, v13, v7  }
.Ltmp5:
0xbd: {  	v6 =	vsel vm3, v10, v6;
	v9 =	vsel vm2, v14, v9;
	[tilespmem:s17+$0xA600] =	vst v7;
	(pc) =	sbr.rel @p2 .LBB2_7-.Ltmp5, $4  }
0xbe: {  	v6 =	vsel vm4, v8, v6;
	[tilespmem:s17+$0x9600] =	vst v9  }
0xbf: {  	s8 =	sadd.s32 $0x30, s8;
	[tilespmem:s17+$0x9E00] =	vst v6  }
0xc0: {  	v7 =	vld [tilespmem:s8+$0xFFFFFFF0]  }
0xc1: {  	s15 =	sadd.s32 $0x40, s15;
	v6 =	vld [tilespmem:s8+$0x0]  }
0xc2: {  	v8 =	vld [tilespmem:s8+$0xFFFFFFE0];
	_ =	sdelay $0x2  }
0xc3: {  	v9 =	vperm.xlane v7, v2;
	v10 =	vperm.xlane v7, v3  }
0xc4: {  	v7 =	vperm.xlane v7, v4;
	v11 =	vperm.xlane v6, v4  }
0xc5: {  	v12 =	vperm.xlane v6, v2;
	v13 =	vperm.xlane v8, v4  }
0xc6: {  	v6 =	vperm.xlane v6, v3;
	v14 =	vperm.xlane v8, v2;
	v7 =	vsel vm5, v7, v11  }
0xc7: {  	s2 =	sshra.s32 s2, $0x2;
	v8 =	vperm.xlane v8, v3;
	v9 =	vsel vm1, v9, v12;
	v7 =	vsel vm4, v13, v7  }
0xc8: {  	v6 =	vsel vm3, v10, v6;
	v9 =	vsel vm2, v14, v9;
	[tilespmem:s2+$0xA600] =	vst v7  }
0xc9: {  	v6 =	vsel vm4, v8, v6;
	[tilespmem:s2+$0x9600] =	vst v9  }
0xca: {  	s22 =	simm.s32 $0x0;
	[tilespmem:s2+$0x9E00] =	vst v6  }
0xcb: {  	v16 =	vld [tilespmem:s22+$0x9600]  }
0xcc: {  	v18 =	vld [tilespmem:s22+$0x9E00];
	_ =	sdelay $0x1  }
0xcd: {  	v19 =	vld [tilespmem:s22+$0xA600];
	_ =	sdelay $0x2  }
0xce: {  	v6 =	vmul.f32 v16, v16;
	v7 =	vmul.f32 v18, v18;
	_ =	sdelay $0x1  }
0xcf: {  	v8 =	vmul.f32 v19, v19;
	v6 =	vadd.f32 v7, v6;
	_ =	sdelay $0x1  }
0xd0: {  	v6 =	vadd.f32 v8, v6;
	_ =	sdelay $0x1  }
0xd1: {  	v7 =	vshra.s32 v6, $0x1;
	v8 =	vmul.f32 $5.000000000e-01, v6  }
0xd2: {  	v6 =	vsub.s32 $0x5F3759DF, v7  }
0xd3: {  	v7 =	vmul.f32 v6, v8;
	_ =	sdelay $0x1  }
0xd4: {  	v7 =	vmul.f32 v6, v7;
	_ =	sdelay $0x1  }
0xd5: {  	s17 =	simm.s32 $0x10;
	v7 =	vsub.f32 $1.500000000e+00, v7  }
0xd6: {  	v12 =	vld [tilespmem:s17+$0x9600]  }
0xd7: {  	v7 =	vmul.f32 v6, v7;
	v6 =	vld [tilespmem:s17+$0x9E00];
	_ =	sdelay $0x1  }
0xd8: {  	v13 =	vld [tilespmem:s17+$0xA600];
	v9 =	vmul.f32 v7, v8;
	_ =	sdelay $0x1  }
0xd9: {  	v9 =	vmul.f32 v9, v7  }
0xda: {  	v10 =	vmul.f32 v12, v12;
	v11 =	vmul.f32 v6, v6  }
0xdb: {  	v9 =	vsub.f32 $1.500000000e+00, v9  }
0xdc: {  	v14 =	vmul.f32 v13, v13;
	v10 =	vadd.f32 v11, v10  }
0xdd: {  	v7 =	vmul.f32 v9, v7  }
0xde: {  	v9 =	vadd.f32 v14, v10  }
0xdf: {  	v21 =	vld [tilespmem:s22+$0xB200];
	v8 =	vmul.f32 v7, v8  }
0xe0: {  	v28 =	vld [tilespmem:s22+$0xC200];
	v10 =	vshra.s32 v9, $0x1;
	v22 =	vmul.f32 $5.000000000e-01, v9  }
0xe1: {  	v29 =	vld [tilespmem:s22+$0xD200];
	v8 =	vmul.f32 v8, v7;
	v9 =	vsub.s32 $0x5F3759DF, v10  }
0xe2: {  	v15 =	vld [tilespmem:s17+$0xB200];
	v10 =	vmul.f32 v9, v22  }
0xe3: {  	v35 =	vld [tilespmem:s22+$0xBE00];
	v8 =	vsub.f32 $1.500000000e+00, v8  }
0xe4: {  	v33 =	vld [tilespmem:s22+$0xAE00];
	v10 =	vmul.f32 v9, v10  }
0xe5: {  	vm7 =	vmmov vm6;
	v24 =	vld [tilespmem:s22+$0xCE00];
	v7 =	vmul.f32 v8, v7  }
0xe6: {  	v20 =	vld [tilespmem:s17+$0xD200];
	v11 =	vmul.f32 v28, v18;
	v8 =	vmul.f32 v21, v16;
	v10 =	vsub.f32 $1.500000000e+00, v10  }
0xe7: {  	vm8 =	vmmov vm6;
	s15 =	simm.s32 $0x20;
	v17 =	vmul.f32 v29, v19;
	v14 =	vld [tilespmem:s17+$0xC200];
	v23 =	vmul.f32 v7, v7  }
0xe8: {  	p2 =	slt.u32 s31, $0x61A;
	v32 =	vmul.f32 v35, v18;
	v8 =	vadd.f32 v11, v8;
	v25 =	vmul.f32 v9, v10;
	v9 =	vld [tilespmem:s15+$0x9600]  }
0xe9: {  	s8 =	sshll.u32 s31, $0xA;
	p3 =	slt.u32 s31, s12;
	vm7 =	vmneg @p2 vm7;
	v11 =	vmul.f32 v33, v16;
	v10 =	vmul.f32 v23, v7;
	v7 =	vld [tilespmem:s15+$0x9E00]  }
0xea: {  	vm8 =	vmneg @p3 vm8;
	s2 =	smov.u32 s8;
	v26 =	vmul.f32 v15, v12;
	v30 =	vadd.f32 v17, v8;
	v17 =	vld [tilespmem:s15+$0xA600]  }
0xeb: {  	s2 =	simm.s32 @!p2 $0x186600;
	v36 =	vmul.f32 v24, v19;
	v32 =	vadd.f32 v32, v11;
	v11 =	vld [tilespmem:s15+$0xD200];
	v8 =	vmul.f32 v25, v22  }
0xec: {  	v57 =	vmul.f32 v20, v13;
	v31 =	vmul.f32 $5.000000000e-01, v10;
	v10 =	vmov s2  }
0xed: {  	v27 =	vmul.f32 v14, v6;
	vm9 =	vgt.s32 v10, v5;
	v34 =	vmul.f32 v8, v25  }
0xee: {  	v32 =	vadd.f32 v36, v32;
	v23 =	vmul.f32 v31, v23;
	vm9 =	vmor vm7, vm9  }
0xef: {  	v37 =	vmul.f32 v9, v9;
	v34 =	vsub.f32 $1.500000000e+00, v34;
	v38 =	vmul.f32 v7, v7  }
0xf0: {  	vm9 =	vmand vm8, vm9;
	v40 =	vmul.f32 v11, v17;
	v23 =	vmul.f32 $3.000000000e+00, v23  }
0xf1: {  	v39 =	vnsel vm9, $0x0, v31;
	v34 =	vmul.f32 v34, v25;
	v25 =	vmul.f32 v17, v17  }
0xf2: {  	v10 =	vld [tilespmem:s15+$0xB200];
	v37 =	vadd.f32 v38, v37;
	v24 =	vmul.f32 v39, v24;
	v23 =	vnsel vm9, $0x0, v23  }
0xf3: {  	v61 =	vmul.f32 v39, v21;
	v32 =	vmul.f32 v23, v32  }
0xf4: {  	v8 =	vld [tilespmem:s15+$0xC200];
	v28 =	vmul.f32 v39, v28;
	v22 =	vmul.f32 v34, v22;
	v25 =	vadd.f32 v25, v37  }
0xf5: {  	v27 =	vadd.f32 v27, v26;
	v33 =	vmul.f32 v39, v33;
	v31 =	vmul.f32 v32, v19  }
0xf6: {  	v26 =	vshra.s32 v25, $0x1;
	v25 =	vmul.f32 $5.000000000e-01, v25;
	v22 =	vmul.f32 v22, v34  }
0xf7: {  	v58 =	vmul.f32 v10, v9;
	v30 =	vmul.f32 v23, v30;
	v41 =	vsub.s32 $0x5F3759DF, v26  }
0xf8: {  	v24 =	vsub.f32 v24, v31;
	v31 =	vmul.f32 v41, v25;
	v22 =	vsub.f32 $1.500000000e+00, v22  }
0xf9: {  	v59 =	vmul.f32 v8, v7;
	v42 =	vmul.f32 v30, v18  }
0xfa: {  	[tilespmem:s22+$0x10200] =	vst v24;
	v31 =	vmul.f32 v41, v31;
	v60 =	vmul.f32 v22, v34  }
0xfb: {  	v23 =	vadd.f32 v57, v27;
	v26 =	vmul.f32 v32, v16;
	v16 =	vmul.f32 v30, v16;
	v22 =	vld [tilespmem:s17+$0xAE00]  }
0xfc: {  	s23 =	simm.s32 $0x30;
	v30 =	vmul.f32 v30, v19;
	v27 =	vld [tilespmem:s17+$0xBE00];
	v19 =	vsub.f32 $1.500000000e+00, v31;
	v34 =	vmul.f32 v60, v60  }
0xfd: {  	v37 =	vadd.f32 v59, v58;
	v24 =	vmul.f32 v32, v18;
	v32 =	vmul.f32 v39, v29;
	v18 =	vld [tilespmem:s23+$0x9600]  }
0xfe: {  	s24 =	sadd.s32 $0x10, s2;
	v63 =	vsub.f32 v61, v16;
	v31 =	vld [tilespmem:s17+$0xCE00];
	v29 =	vmul.f32 v41, v19;
	v62 =	vmul.f32 v34, v60  }
0xff: {  	v38 =	vmov s24;
	v36 =	vsub.f32 v28, v42;
	v28 =	vmul.f32 v39, v35;
	v19 =	vld [tilespmem:s23+$0x9E00]  }
0x100: {  	s2 =	simm.s32 $0x100;
	v21 =	vadd.f32 v40, v37;
	v16 =	vld [tilespmem:s23+$0xA600];
	[tilespmem:s22+$0xDE00] =	vst v63;
	v37 =	vmul.f32 v29, v25;
	v35 =	vmul.f32 $5.000000000e-01, v62  }
.LBB2_9:
0x101: {  	p2 =	sne.s32 s2, $0xFC0;
	v39 =	vld [tilespmem:s23+$0xB200];
	vm9 =	vgt.s32 v38, v5;
	v38 =	vmul.f32 v22, v12;
	v40 =	vmul.f32 v27, v6;
	[tilespmem:s22+$0xEE00] =	vst v36  }
0x102: {  	v41 =	vmovc v27;
	v36 =	vld [tilespmem:s23+$0xC200];
	v37 =	vmul.f32 v37, v29;
	v34 =	vmul.f32 v35, v34;
	vm9 =	vmor vm7, vm9  }
0x103: {  	v27 =	vmul.f32 v18, v18;
	v42 =	vld [tilespmem:s23+$0xD200];
	v38 =	vadd.f32 v40, v38;
	v40 =	vmul.f32 v31, v13  }
0x104: {  	v43 =	vmul.f32 v19, v19;
	v37 =	vsub.f32 $1.500000000e+00, v37;
	v34 =	vmul.f32 $3.000000000e+00, v34  }
0x105: {  	vm9 =	vmand vm8, vm9;
	v44 =	vmul.f32 v16, v16;
	v38 =	vadd.f32 v40, v38  }
0x106: {  	v27 =	vadd.f32 v43, v27;
	v29 =	vmul.f32 v37, v29;
	v34 =	vnsel vm9, $0x0, v34  }
0x107: {  	v30 =	vsub.f32 v32, v30;
	v37 =	vmul.f32 v39, v18;
	v38 =	vmul.f32 v34, v38  }
0x108: {  	v35 =	vnsel vm9, $0x0, v35;
	v27 =	vadd.f32 v44, v27;
	v32 =	vmul.f32 v29, v25  }
0x109: {  	v26 =	vsub.f32 v33, v26;
	v31 =	vmul.f32 v35, v31;
	v40 =	vmul.f32 v38, v13;
	[tilespmem:s22+$0xFE00] =	vst v30  }
0x10a: {  	v33 =	vmul.f32 v36, v19;
	v43 =	vmul.f32 v42, v16;
	v30 =	vshra.s32 v27, $0x1  }
0x10b: {  	v25 =	vmul.f32 $5.000000000e-01, v27;
	v27 =	vmul.f32 v32, v29;
	v31 =	vsub.f32 v31, v40;
	[tilespmem:s22+$0xE200] =	vst v26  }
0x10c: {  	v32 =	vmul.f32 v34, v23;
	v23 =	vmovc v21;
	v40 =	vsub.s32 $0x5F3759DF, v30;
	v30 =	vadd.f32 v33, v37  }
0x10d: {  	v26 =	vmul.f32 v38, v12;
	v33 =	vmul.f32 v40, v25;
	v27 =	vsub.f32 $1.500000000e+00, v27;
	[tilespmem:s17+$0x10200] =	vst v31  }
0x10e: {  	v37 =	vmul.f32 v32, v12;
	v12 =	vmovc v9;
	v21 =	vadd.f32 v43, v30;
	v43 =	vmul.f32 v32, v6  }
0x10f: {  	v28 =	vsub.f32 v28, v24;
	v9 =	vmovc v18;
	v31 =	vmul.f32 v40, v33;
	v33 =	vmul.f32 v27, v29  }
0x110: {  	v24 =	vmul.f32 v38, v6;
	v30 =	vmul.f32 v32, v13;
	v6 =	vmovc v7;
	v7 =	vmovc v19;
	v13 =	vmov v17;
	v44 =	vld [tilespmem:s15+$0xAE00]  }
.Ltmp6:
0x111: {  	v19 =	vmul.f32 v35, v15;
	v15 =	vmovc v10;
	v17 =	vsub.f32 $1.500000000e+00, v31;
	v34 =	vmul.f32 v33, v33;
	v27 =	vld [tilespmem:s15+$0xBE00];
	[tilespmem:s22+$0xF200] =	vst v28;
	s22 =	smov.u32 s17;
	s17 =	smov.u32 s15;
	(pc) =	sbr.rel @p2 .LBB2_9-.Ltmp6, $4  }
0x112: {  	v32 =	vmul.f32 v35, v20;
	v10 =	vmovc v39;
	v28 =	vmul.f32 v35, v14;
	v14 =	vmovc v8;
	v8 =	vmov v36;
	s15 =	smov.u32 s23;
	s23 =	sshra.s32 s2, $0x2;
	v31 =	vld [tilespmem:s17+$0xCE00]  }
0x113: {  	v20 =	vmovc v11;
	v39 =	vsub.f32 v19, v37;
	v29 =	vmul.f32 v40, v17;
	v40 =	vmul.f32 v34, v33;
	v18 =	vld [tilespmem:s23+$0x9600]  }
0x114: {  	s24 =	sadd.s32 $0x10, s24;
	v11 =	vmovc v42;
	v33 =	vmul.f32 v35, v22;
	v36 =	vsub.f32 v28, v43;
	v28 =	vmul.f32 v35, v41;
	v19 =	vld [tilespmem:s23+$0x9E00]  }
0x115: {  	v38 =	vmov s24;
	s2 =	sadd.s32 $0x40, s2;
	v37 =	vmul.f32 v29, v25;
	v35 =	vmul.f32 $5.000000000e-01, v40;
	v17 =	vmovc v16;
	[tilespmem:s22+$0xDE00] =	vst v39;
	v22 =	vmovc v44;
	v16 =	vld [tilespmem:s23+$0xA600]  }
0x116: {  	_ = 	snop  }
0x117: {  	v39 =	vmul.f32 v22, v12;
	v56 =	vmul.f32 v27, v6  }
0x118: {  	vm9 =	vgt.s32 v38, v5;
	v37 =	vmul.f32 v37, v29;
	v34 =	vmul.f32 v35, v34  }
0x119: {  	vm9 =	vmor vm7, vm9;
	v40 =	vmul.f32 v18, v18;
	v41 =	vmul.f32 v19, v19  }
0x11a: {  	v57 =	vmul.f32 v31, v13;
	v38 =	vadd.f32 v56, v39;
	v37 =	vsub.f32 $1.500000000e+00, v37  }
0x11b: {  	v34 =	vmul.f32 $3.000000000e+00, v34;
	v42 =	vmul.f32 v16, v16;
	v58 =	vadd.f32 v41, v40  }
0x11c: {  	vm9 =	vmand vm8, vm9;
	v38 =	vadd.f32 v57, v38;
	v37 =	vmul.f32 v37, v29  }
0x11d: {  	v30 =	vsub.f32 v32, v30;
	v34 =	vnsel vm9, $0x0, v34;
	v39 =	vadd.f32 v42, v58  }
0x11e: {  	v32 =	vnsel vm9, $0x0, v35;
	v38 =	vmul.f32 v34, v38;
	v25 =	vmul.f32 v37, v25  }
0x11f: {  	v59 =	vmul.f32 v32, v31;
	v60 =	vshra.s32 v39, $0x1;
	v61 =	vmul.f32 $5.000000000e-01, v39  }
0x120: {  	v29 =	vld [tilespmem:s23+$0xB200];
	[tilespmem:s22+$0xEE00] =	vst v36;
	v62 =	vmul.f32 v38, v13;
	v25 =	vmul.f32 v25, v37;
	v35 =	vsub.s32 $0x5F3759DF, v60  }
0x121: {  	v26 =	vsub.f32 v33, v26;
	v41 =	vld [tilespmem:s23+$0xD200];
	v63 =	vmul.f32 v35, v61  }
0x122: {  	v39 =	vld [tilespmem:s23+$0xC200];
	[tilespmem:s22+$0xFE00] =	vst v30;
	v42 =	vsub.f32 v59, v62;
	v25 =	vsub.f32 $1.500000000e+00, v25  }
0x123: {  	[tilespmem:s22+$0xE200] =	vst v26;
	v43 =	vmul.f32 v35, v63  }
0x124: {  	[tilespmem:s17+$0x10200] =	vst v42;
	v25 =	vmul.f32 v25, v37  }
0x125: {  	v24 =	vsub.f32 v28, v24;
	v23 =	vmul.f32 v34, v23;
	v28 =	vld [tilespmem:s15+$0xAE00];
	v26 =	vsub.f32 $1.500000000e+00, v43  }
0x126: {  	v15 =	vmul.f32 v32, v15;
	v33 =	vld [tilespmem:s15+$0xBE00];
	v45 =	vmul.f32 v25, v25  }
0x127: {  	v46 =	vmul.f32 v23, v12;
	[tilespmem:s22+$0xF200] =	vst v24;
	v47 =	vmul.f32 v35, v26  }
0x128: {  	v48 =	vmul.f32 v23, v6;
	v49 =	vld [tilespmem:s15+$0xCE00];
	v25 =	vmul.f32 v45, v25  }
0x129: {  	v50 =	vmul.f32 v23, v13;
	v51 =	vmul.f32 v47, v61  }
0x12a: {  	s2 =	sadd.s32 $0x10, s24;
	v52 =	vmul.f32 v28, v9;
	v25 =	vmul.f32 $5.000000000e-01, v25  }
0x12b: {  	v53 =	vmov s2;
	v54 =	vmul.f32 v33, v7;
	v23 =	vmul.f32 v51, v47  }
0x12c: {  	vm14 =	vgt.s32 v53, v5;
	v14 =	vmul.f32 v32, v14;
	v31 =	vmul.f32 v25, v45  }
0x12d: {  	v55 =	vmul.f32 v49, v17;
	v35 =	vadd.f32 v54, v52;
	v23 =	vsub.f32 $1.500000000e+00, v23  }
0x12e: {  	v20 =	vmul.f32 v32, v20;
	vm9 =	vmor vm7, vm14;
	v31 =	vmul.f32 $3.000000000e+00, v31  }
0x12f: {  	vm9 =	vmand vm8, vm9;
	v35 =	vadd.f32 v55, v35;
	v23 =	vmul.f32 v23, v47  }
0x130: {  	v44 =	vmul.f32 v38, v12;
	v12 =	vsub.f32 v15, v46;
	v56 =	vnsel vm9, $0x0, v31  }
0x131: {  	v25 =	vnsel vm9, $0x0, v25;
	v24 =	vmul.f32 v56, v35;
	v57 =	vmul.f32 v23, v61  }
0x132: {  	v58 =	vmul.f32 v32, v22;
	v14 =	vsub.f32 v14, v48;
	v59 =	vmul.f32 v25, v49  }
0x133: {  	v60 =	vsub.f32 v20, v50;
	[tilespmem:s17+$0xDE00] =	vst v12;
	v61 =	vmul.f32 v24, v17;
	v62 =	vmul.f32 v57, v23  }
0x134: {  	v63 =	vsub.f32 v58, v44;
	[tilespmem:s17+$0xEE00] =	vst v14  }
0x135: {  	[tilespmem:s17+$0xFE00] =	vst v60;
	v30 =	vsub.f32 v59, v61;
	v31 =	vsub.f32 $1.500000000e+00, v62  }
0x136: {  	v34 =	vmul.f32 v32, v27;
	v6 =	vmul.f32 v38, v6;
	[tilespmem:s17+$0xE200] =	vst v63  }
0x137: {  	[tilespmem:s15+$0x10200] =	vst v30;
	v35 =	vmul.f32 v31, v23  }
0x138: {  	v6 =	vsub.f32 v34, v6;
	v36 =	vld [tilespmem:s23+$0xAE00]  }
0x139: {  	v38 =	vld [tilespmem:s23+$0xBE00];
	v37 =	vmul.f32 v35, v35  }
0x13a: {  	v40 =	vmul.f32 v29, v18;
	[tilespmem:s17+$0xF200] =	vst v6  }
0x13b: {  	s2 =	sadd.s32 $0x10, s2;
	v44 =	vmul.f32 v41, v16;
	v43 =	vld [tilespmem:s23+$0xCE00];
	v12 =	vmul.f32 v37, v35  }
0x13c: {  	v50 =	vmov s2;
	v42 =	vmul.f32 v39, v19;
	v10 =	vmul.f32 v25, v10  }
0x13d: {  	vm15 =	vgt.s32 v50, v5;
	v8 =	vmul.f32 v25, v8;
	v12 =	vmul.f32 $5.000000000e-01, v12  }
0x13e: {  	v22 =	vadd.f32 v42, v40;
	v47 =	vmul.f32 v36, v18;
	v48 =	vmul.f32 v38, v19  }
0x13f: {  	vm7 =	vmor vm7, vm15;
	v6 =	vmul.f32 v56, v21;
	v14 =	vmul.f32 v12, v37  }
0x140: {  	v21 =	vadd.f32 v44, v22;
	v51 =	vmul.f32 v43, v16;
	v22 =	vadd.f32 v48, v47  }
0x141: {  	vm7 =	vmand vm8, vm7;
	v11 =	vmul.f32 v25, v11;
	v14 =	vmul.f32 $3.000000000e+00, v14  }
0x142: {  	v45 =	vmul.f32 v24, v9;
	v46 =	vmul.f32 v6, v9;
	v52 =	vadd.f32 v51, v22  }
0x143: {  	v49 =	vmul.f32 v6, v7;
	v6 =	vmul.f32 v6, v17;
	v14 =	vnsel vm7, $0x0, v14  }
0x144: {  	v9 =	vsub.f32 v10, v46;
	v12 =	vnsel vm7, $0x0, v12;
	v53 =	vmul.f32 v14, v52  }
0x145: {  	v54 =	vmul.f32 v25, v28;
	v8 =	vsub.f32 v8, v49;
	v15 =	vmul.f32 v12, v43  }
0x146: {  	v6 =	vsub.f32 v11, v6;
	[tilespmem:s15+$0xDE00] =	vst v9;
	v56 =	vmul.f32 v14, v21;
	v55 =	vmul.f32 v53, v16  }
0x147: {  	v57 =	vmul.f32 v25, v33;
	v7 =	vmul.f32 v24, v7;
	[tilespmem:s15+$0xEE00] =	vst v8;
	v8 =	vsub.f32 v54, v45  }
0x148: {  	[tilespmem:s15+$0xFE00] =	vst v6;
	v59 =	vmul.f32 v12, v29;
	v58 =	vmul.f32 v56, v18;
	v6 =	vsub.f32 v15, v55  }
0x149: {  	v7 =	vsub.f32 v57, v7;
	[tilespmem:s15+$0xE200] =	vst v8;
	v60 =	vmul.f32 v12, v39;
	v8 =	vmul.f32 v56, v19  }
0x14a: {  	v61 =	vmul.f32 v12, v41;
	v9 =	vsub.f32 v59, v58;
	[tilespmem:s23+$0x10200] =	vst v6;
	v6 =	vmul.f32 v56, v16  }
0x14b: {  	v62 =	vmul.f32 v53, v18;
	[tilespmem:s15+$0xF200] =	vst v7;
	v7 =	vsub.f32 v60, v8;
	v8 =	vmul.f32 v12, v36  }
0x14c: {  	v10 =	vmul.f32 v53, v19;
	v12 =	vmul.f32 v12, v38;
	[tilespmem:s23+$0xDE00] =	vst v9;
	v6 =	vsub.f32 v61, v6  }
0x14d: {  	[tilespmem:s23+$0xEE00] =	vst v7;
	v7 =	vsub.f32 v8, v62  }
0x14e: {  	[tilespmem:s23+$0xFE00] =	vst v6;
	v6 =	vsub.f32 v12, v10  }
0x14f: {  	p2 =	seq.s32 s16, $0x0;
	[tilespmem:s23+$0xE200] =	vst v7  }
0x150: {  	s2 =	simm.s32 @!p2 $0x4;
	[tilespmem:s23+$0xF200] =	vst v6  }
0x151: {  	_ =	swait.ge @!p2 [sflag:s2], $0x800  }
0x152: {  	[sflag:s2] =	ssyncset.done @!p2 $0x0  }
0x153: {  	[sflag:s2] =	ssyncadd.s32 @!p2 $0xFFFFF800  }
0x154: {  	_ =	swait.ge @!p2 [sflag:s2], $0x800  }
0x155: {  	[sflag:s2] =	ssyncset.done @!p2 $0x0  }
0x156: {  	[sflag:s2] =	ssyncadd.s32 @!p2 $0xFFFFF800  }
0x157: {  	_ =	swait.ge @!p2 [sflag:s2], $0x800  }
0x158: {  	[sflag:s2] =	ssyncset.done @!p2 $0x0  }
0x159: {  	s15 =	simm.s32 $0xDE00;
	[sflag:s2] =	ssyncadd.s32 @!p2 $0xFFFFF800  }
0x15a: {  	[spmem:s1] =	stream.indirect.scatter.add.f32 [tilespmem:s15], [sflag:$0x3], $0x1, s28, s20, $0xb8;
	[tilespmem:$0x10E00] =	vst v63  }
0x15b: {  	s17 =	simm.s32 $0xEE00  }
0x15c: {  	[spmem:s5] =	stream.indirect.scatter.add.f32 [tilespmem:s17], [sflag:$0x3], $0x1, s28, s20, $0xb8;
	[tilespmem:$0x10E00] =	vst v63  }
0x15d: {  	s22 =	simm.s32 $0xFE00  }
0x15e: {  	[spmem:s7] =	stream.indirect.scatter.add.f32 [tilespmem:s22], [sflag:$0x3], $0x1, s28, s20, $0xb8;
	[tilespmem:$0x10E00] =	vst v63  }
0x15f: {  	_ =	swait.ge [sflag:s19], $0x800  }
0x160: {  	[sflag:s19] =	ssyncset.done $0x0  }
0x161: {  	[sflag:s19] =	ssyncadd.s32 $0xFFFFF800  }
0x162: {  	_ =	swait.ge [sflag:s19], $0xC00  }
0x163: {  	[sflag:s19] =	ssyncset.done $0x0  }
0x164: {  	s23 =	simm.s32 $0x5610;
	[sflag:s19] =	ssyncadd.s32 $0xFFFFF400  }
0x165: {  	v6 =	vld [tilespmem:s23+$0xFFFFFFF0]  }
0x166: {  	v7 =	vld [tilespmem:s23+$0x0];
	_ =	sdelay $0x4  }
0x167: {  	v8 =	vperm.xlane v6, v0;
	v63 =	vperm.xlane v7, v0  }
0x168: {  	v6 =	vperm.xlane v6, v1;
	v7 =	vperm.xlane v7, v1  }
0x169: {  	s24 =	simm.s32 $0x0;
	s2 =	simm.s32 $0x6600;
	v8 =	vsel vm0, v8, v63  }
0x16a: {  	s15 =	sand.u32 $0x3F0, s24;
	v6 =	vsel vm0, v6, v7;
	[tilespmem:s2+$0x0] =	vst v8  }
0x16b: {  	s17 =	simm.s32 $0x5630;
	[tilespmem:s15+$0x6A00] =	vst v6  }
0x16c: {  	v6 =	vld [tilespmem:s17+$0xFFFFFFF0]  }
0x16d: {  	v7 =	vld [tilespmem:s17+$0x0]  }
0x16e: {  	s22 =	simm.s32 $0x20;
	s15 =	simm.s32 $0x10  }
.LBB2_11:
0x16f: {  	p2 =	sne.s32 s22, $0x3F0;
	_ =	sdelay $0x1  }
0x170: {  	v8 =	vperm.xlane v6, v1  }
0x171: {  	v6 =	vperm.xlane v6, v0;
	v9 =	vperm.xlane v7, v0  }
0x172: {  	v7 =	vperm.xlane v7, v1  }
0x173: {  	s2 =	sadd.s32 $0x10, s2;
	v6 =	vsel vm0, v6, v9  }
.Ltmp7:
0x174: {  	s23 =	sand.u32 $0x3F0, s15;
	s15 =	smov.u32 s22;
	[tilespmem:s2+$0x0] =	vst v6;
	v6 =	vsel vm0, v8, v7;
	(pc) =	sbr.rel @p2 .LBB2_11-.Ltmp7, $4  }
0x175: {  	s17 =	sadd.s32 $0x20, s17;
	[tilespmem:s23+$0x6A00] =	vst v6  }
0x176: {  	v6 =	vld [tilespmem:s17+$0xFFFFFFF0]  }
0x177: {  	v7 =	vld [tilespmem:s17+$0x0]  }
0x178: {  	s22 =	sadd.s32 $0x10, s22  }
0x179: {  	_ =	sdelay $0x2  }
0x17a: {  	v8 =	vperm.xlane v6, v0;
	v9 =	vperm.xlane v7, v0  }
0x17b: {  	v6 =	vperm.xlane v6, v1;
	v7 =	vperm.xlane v7, v1  }
0x17c: {  	s2 =	sadd.s32 $0x10, s2;
	v8 =	vsel vm0, v8, v9  }
0x17d: {  	s17 =	sand.u32 $0x3F0, s15;
	v6 =	vsel vm0, v6, v7;
	[tilespmem:s2+$0x0] =	vst v8  }
0x17e: {  	s22 =	simm.s32 $0xB600;
	[tilespmem:s17+$0x6A00] =	vst v6  }
0x17f: {  	[tilespmem:s22], [sflag:$0x2] =	stream.indirect.gather [spmem:s0], $0x1, s13, s20, $0xb8;
	[tilespmem:$0x10E00] =	vst v63  }
0x180: {  	s23 =	simm.s32 $0xC600  }
0x181: {  	[tilespmem:s23], [sflag:$0x2] =	stream.indirect.gather [spmem:s3], $0x1, s13, s20, $0xb8;
	[tilespmem:$0x10E00] =	vst v63  }
0x182: {  	s24 =	simm.s32 $0xD600  }
0x183: {  	[tilespmem:s24], [sflag:$0x2] =	stream.indirect.gather [spmem:s6], $0x1, s13, s20, $0xb8;
	[tilespmem:$0x10E00] =	vst v63  }
0x184: {  	_ =	swait.ge [sflag:s25], $0x800  }
0x185: {  	[sflag:s25] =	ssyncset.done $0x0  }
0x186: {  	[sflag:s25] =	ssyncadd.s32 $0xFFFFF800  }
0x187: {  	_ =	swait.ge [sflag:s25], $0x800  }
0x188: {  	[sflag:s25] =	ssyncset.done $0x0  }
0x189: {  	[sflag:s25] =	ssyncadd.s32 $0xFFFFF800  }
0x18a: {  	_ =	swait.ge [sflag:s25], $0x800  }
0x18b: {  	[sflag:s25] =	ssyncset.done $0x0  }
0x18c: {  	s2 =	simm.s32 $0x0;
	[sflag:s25] =	ssyncadd.s32 $0xFFFFF800  }
0x18d: {  	s15 =	simm.s32 $0x40;
	v6 =	vld [tilespmem:s2+$0x6600]  }
.LBB2_13:
0x18e: {  	p2 =	sne.s32 s15, $0x1FC0  }
.Ltmp8:
0x18f: {  	_ = 	snop;
	(pc) =	sbr.rel @p2 .LBB2_13-.Ltmp8, $3  }
0x190: {  	_ =	sdelay $0x1  }
0x191: {  	[tilespmem:s2+$0x7600] =	vst v6;
	s2 =	sshra.s32 s15, $0x2;
	s15 =	sadd.s32 $0x40, s15  }
0x192: {  	v6 =	vld [tilespmem:s2+$0x6600]  }
0x193: {  	p2 =	sgt.u32 s31, $0x617;
	s8 =	sadd.s32 $0x800, s8  }
0x194: {  	s8 =	simm.s32 @p2 $0x186600  }
0x195: {  	s15 =	sshrl.u32 s8, $0x2;
	s8 =	smul.u32 $0x3, s8  }
0x196: {  	s17 =	simm.s32 $0x4E00;
	s15 =	sand.u32 $0x1FFFFF80, s15  }
0x197: {  	[tilespmem:s2+$0x7600] =	vst v6;
	s15 =	sadd.s32 s9, s15;
	s2 =	simm.s32 $0x0;
	s8 =	sshrl.u32 s8, $0x3  }
0x198: {  	[tilespmem:s17], [sflag:$0x5] =	stream.linear.gather [hbm4b:s15+s2], $0x800, $0x38;
	[tilespmem:$0x10E00] =	vst v63  }
0x199: {  	s31 =	simm.s32 $0x7E00;
	s8 =	sadd.s32 s10, s8  }
0x19a: {  	[tilespmem:s31], [sflag:$0x5] =	stream.linear.gather [hbm4b:s8+s2], $0xC00, $0x38;
	[tilespmem:$0x10E00] =	vst v63  }
0x19b: {  	s8 =	simm.s32 $0x8A20  }
0x19c: {  	v7 =	vld [tilespmem:s8+$0xFFFFFFF0]  }
0x19d: {  	s15 =	simm.s32 $0x40;
	v6 =	vld [tilespmem:s8+$0x0]  }
.LBB2_15:
0x19e: {  	p2 =	sne.s32 s15, $0xFC0;
	v8 =	vld [tilespmem:s8+$0xFFFFFFE0];
	_ =	sdelay $0x2  }
0x19f: {  	v9 =	vperm.xlane v7, v2;
	v10 =	vperm.xlane v7, v3  }
0x1a0: {  	v7 =	vperm.xlane v7, v4;
	v11 =	vperm.xlane v6, v4  }
0x1a1: {  	v12 =	vperm.xlane v6, v2;
	v13 =	vperm.xlane v8, v4  }
0x1a2: {  	v6 =	vperm.xlane v6, v3;
	v14 =	vperm.xlane v8, v2;
	v7 =	vsel vm5, v7, v11  }
0x1a3: {  	s17 =	sshra.s32 s2, $0x2;
	s2 =	smov.u32 s15;
	v8 =	vperm.xlane v8, v3;
	v9 =	vsel vm1, v9, v12;
	v7 =	vsel vm4, v13, v7  }
.Ltmp9:
0x1a4: {  	v6 =	vsel vm3, v10, v6;
	v9 =	vsel vm2, v14, v9;
	[tilespmem:s17+$0xAA00] =	vst v7;
	(pc) =	sbr.rel @p2 .LBB2_15-.Ltmp9, $4  }
0x1a5: {  	v6 =	vsel vm4, v8, v6;
	[tilespmem:s17+$0x9A00] =	vst v9  }
0x1a6: {  	s8 =	sadd.s32 $0x30, s8;
	[tilespmem:s17+$0xA200] =	vst v6  }
0x1a7: {  	v7 =	vld [tilespmem:s8+$0xFFFFFFF0]  }
0x1a8: {  	s15 =	sadd.s32 $0x40, s15;
	v6 =	vld [tilespmem:s8+$0x0]  }
0x1a9: {  	v8 =	vld [tilespmem:s8+$0xFFFFFFE0];
	_ =	sdelay $0x2  }
0x1aa: {  	v9 =	vperm.xlane v7, v2;
	v10 =	vperm.xlane v7, v3  }
0x1ab: {  	v7 =	vperm.xlane v7, v4;
	v11 =	vperm.xlane v6, v4  }
0x1ac: {  	v12 =	vperm.xlane v6, v2;
	v13 =	vperm.xlane v8, v4  }
0x1ad: {  	v6 =	vperm.xlane v6, v3;
	v14 =	vperm.xlane v8, v2;
	v7 =	vsel vm5, v7, v11  }
0x1ae: {  	s2 =	sshra.s32 s2, $0x2;
	v8 =	vperm.xlane v8, v3;
	v9 =	vsel vm1, v9, v12;
	v7 =	vsel vm4, v13, v7  }
0x1af: {  	v6 =	vsel vm3, v10, v6;
	v9 =	vsel vm2, v14, v9;
	[tilespmem:s2+$0xAA00] =	vst v7  }
0x1b0: {  	v6 =	vsel vm4, v8, v6;
	[tilespmem:s2+$0x9A00] =	vst v9  }
0x1b1: {  	s17 =	simm.s32 $0x0;
	[tilespmem:s2+$0xA200] =	vst v6  }
0x1b2: {  	v16 =	vld [tilespmem:s17+$0x9A00]  }
0x1b3: {  	v18 =	vld [tilespmem:s17+$0xA200];
	_ =	sdelay $0x1  }
0x1b4: {  	v19 =	vld [tilespmem:s17+$0xAA00];
	_ =	sdelay $0x2  }
0x1b5: {  	v6 =	vmul.f32 v16, v16;
	v7 =	vmul.f32 v18, v18;
	_ =	sdelay $0x1  }
0x1b6: {  	v8 =	vmul.f32 v19, v19;
	v6 =	vadd.f32 v7, v6;
	_ =	sdelay $0x1  }
0x1b7: {  	v6 =	vadd.f32 v8, v6;
	_ =	sdelay $0x1  }
0x1b8: {  	v7 =	vshra.s32 v6, $0x1;
	v6 =	vmul.f32 $5.000000000e-01, v6  }
0x1b9: {  	v7 =	vsub.s32 $0x5F3759DF, v7  }
0x1ba: {  	v8 =	vmul.f32 v7, v6;
	_ =	sdelay $0x1  }
0x1bb: {  	v8 =	vmul.f32 v7, v8;
	_ =	sdelay $0x1  }
0x1bc: {  	s15 =	simm.s32 $0x10;
	v8 =	vsub.f32 $1.500000000e+00, v8  }
0x1bd: {  	v12 =	vld [tilespmem:s15+$0x9A00]  }
0x1be: {  	v8 =	vmul.f32 v7, v8;
	v7 =	vld [tilespmem:s15+$0xA200];
	_ =	sdelay $0x1  }
0x1bf: {  	v13 =	vld [tilespmem:s15+$0xAA00];
	v9 =	vmul.f32 v8, v6;
	_ =	sdelay $0x1  }
0x1c0: {  	v9 =	vmul.f32 v9, v8  }
0x1c1: {  	v10 =	vmul.f32 v12, v12;
	v11 =	vmul.f32 v7, v7  }
0x1c2: {  	v9 =	vsub.f32 $1.500000000e+00, v9  }
0x1c3: {  	v14 =	vmul.f32 v13, v13;
	v10 =	vadd.f32 v11, v10  }
0x1c4: {  	v8 =	vmul.f32 v9, v8  }
0x1c5: {  	v9 =	vadd.f32 v14, v10  }
0x1c6: {  	v21 =	vld [tilespmem:s17+$0xBA00];
	v6 =	vmul.f32 v8, v6  }
0x1c7: {  	v28 =	vld [tilespmem:s17+$0xCA00];
	v10 =	vshra.s32 v9, $0x1;
	v22 =	vmul.f32 $5.000000000e-01, v9  }
0x1c8: {  	v29 =	vld [tilespmem:s17+$0xDA00];
	v6 =	vmul.f32 v6, v8;
	v9 =	vsub.s32 $0x5F3759DF, v10  }
0x1c9: {  	v15 =	vld [tilespmem:s15+$0xBA00];
	v10 =	vmul.f32 v9, v22  }
0x1ca: {  	v35 =	vld [tilespmem:s17+$0xC600];
	v6 =	vsub.f32 $1.500000000e+00, v6  }
0x1cb: {  	v33 =	vld [tilespmem:s17+$0xB600];
	v10 =	vmul.f32 v9, v10  }
0x1cc: {  	vm7 =	vmmov vm6;
	v24 =	vld [tilespmem:s17+$0xD600];
	v6 =	vmul.f32 v6, v8  }
0x1cd: {  	v20 =	vld [tilespmem:s15+$0xDA00];
	v11 =	vmul.f32 v28, v18;
	v8 =	vmul.f32 v21, v16;
	v10 =	vsub.f32 $1.500000000e+00, v10  }
0x1ce: {  	vm8 =	vmmov vm6;
	s8 =	simm.s32 $0x20;
	v17 =	vmul.f32 v29, v19;
	v14 =	vld [tilespmem:s15+$0xCA00];
	v23 =	vmul.f32 v6, v6  }
0x1cf: {  	v32 =	vmul.f32 v35, v18;
	v8 =	vadd.f32 v11, v8;
	v25 =	vmul.f32 v9, v10;
	v9 =	vld [tilespmem:s8+$0x9A00]  }
0x1d0: {  	vm7 =	vmneg @p1 vm7;
	p1 =	slt.u32 s30, s12;
	v11 =	vmul.f32 v33, v16;
	v10 =	vmul.f32 v23, v6;
	v6 =	vld [tilespmem:s8+$0xA200]  }
0x1d1: {  	vm8 =	vmneg @p1 vm8;
	v26 =	vmul.f32 v15, v12;
	v30 =	vadd.f32 v17, v8;
	v17 =	vld [tilespmem:s8+$0xAA00]  }
0x1d2: {  	v36 =	vmul.f32 v24, v19;
	v32 =	vadd.f32 v32, v11;
	v11 =	vld [tilespmem:s8+$0xDA00];
	v8 =	vmul.f32 v25, v22  }
0x1d3: {  	v57 =	vmul.f32 v20, v13;
	v31 =	vmul.f32 $5.000000000e-01, v10;
	v10 =	vmov s14  }
0x1d4: {  	v27 =	vmul.f32 v14, v7;
	vm9 =	vgt.s32 v10, v5;
	v34 =	vmul.f32 v8, v25  }
0x1d5: {  	v32 =	vadd.f32 v36, v32;
	v23 =	vmul.f32 v31, v23;
	vm9 =	vmor vm7, vm9  }
0x1d6: {  	v37 =	vmul.f32 v9, v9;
	v34 =	vsub.f32 $1.500000000e+00, v34;
	v38 =	vmul.f32 v6, v6  }
0x1d7: {  	vm9 =	vmand vm8, vm9;
	v40 =	vmul.f32 v11, v17;
	v23 =	vmul.f32 $3.000000000e+00, v23  }
0x1d8: {  	v39 =	vnsel vm9, $0x0, v31;
	v34 =	vmul.f32 v34, v25;
	v25 =	vmul.f32 v17, v17  }
0x1d9: {  	v10 =	vld [tilespmem:s8+$0xBA00];
	v37 =	vadd.f32 v38, v37;
	v24 =	vmul.f32 v39, v24;
	v23 =	vnsel vm9, $0x0, v23  }
0x1da: {  	v61 =	vmul.f32 v39, v21;
	v32 =	vmul.f32 v23, v32  }
0x1db: {  	v8 =	vld [tilespmem:s8+$0xCA00];
	v28 =	vmul.f32 v39, v28;
	v22 =	vmul.f32 v34, v22;
	v25 =	vadd.f32 v25, v37  }
0x1dc: {  	v27 =	vadd.f32 v27, v26;
	v33 =	vmul.f32 v39, v33;
	v31 =	vmul.f32 v32, v19  }
0x1dd: {  	v26 =	vshra.s32 v25, $0x1;
	v25 =	vmul.f32 $5.000000000e-01, v25;
	v22 =	vmul.f32 v22, v34  }
0x1de: {  	v58 =	vmul.f32 v10, v9;
	v30 =	vmul.f32 v23, v30;
	v41 =	vsub.s32 $0x5F3759DF, v26  }
0x1df: {  	v24 =	vsub.f32 v24, v31;
	v31 =	vmul.f32 v41, v25;
	v22 =	vsub.f32 $1.500000000e+00, v22  }
0x1e0: {  	v59 =	vmul.f32 v8, v6;
	v42 =	vmul.f32 v30, v18  }
0x1e1: {  	[tilespmem:s17+$0x10A00] =	vst v24;
	v31 =	vmul.f32 v41, v31;
	v60 =	vmul.f32 v22, v34  }
0x1e2: {  	v23 =	vadd.f32 v57, v27;
	v26 =	vmul.f32 v32, v16;
	v16 =	vmul.f32 v30, v16;
	v22 =	vld [tilespmem:s15+$0xB600]  }
0x1e3: {  	s22 =	simm.s32 $0x30;
	v30 =	vmul.f32 v30, v19;
	v27 =	vld [tilespmem:s15+$0xC600];
	v19 =	vsub.f32 $1.500000000e+00, v31;
	v34 =	vmul.f32 v60, v60  }
0x1e4: {  	v37 =	vadd.f32 v59, v58;
	v24 =	vmul.f32 v32, v18;
	v32 =	vmul.f32 v39, v29;
	v18 =	vld [tilespmem:s22+$0x9A00]  }
0x1e5: {  	s14 =	sadd.s32 $0x10, s14;
	v63 =	vsub.f32 v61, v16;
	v31 =	vld [tilespmem:s15+$0xD600];
	v29 =	vmul.f32 v41, v19;
	v62 =	vmul.f32 v34, v60  }
0x1e6: {  	v38 =	vmov s14;
	v36 =	vsub.f32 v28, v42;
	v28 =	vmul.f32 v39, v35;
	v19 =	vld [tilespmem:s22+$0xA200]  }
0x1e7: {  	s2 =	simm.s32 $0x100;
	v21 =	vadd.f32 v40, v37;
	v16 =	vld [tilespmem:s22+$0xAA00];
	[tilespmem:s17+$0xE600] =	vst v63;
	v37 =	vmul.f32 v29, v25;
	v35 =	vmul.f32 $5.000000000e-01, v62  }
.LBB2_17:
0x1e8: {  	p1 =	sne.s32 s2, $0xFC0;
	v39 =	vld [tilespmem:s22+$0xBA00];
	vm9 =	vgt.s32 v38, v5;
	v38 =	vmul.f32 v22, v12;
	v40 =	vmul.f32 v27, v7;
	[tilespmem:s17+$0xF600] =	vst v36  }
0x1e9: {  	v41 =	vmovc v27;
	v36 =	vld [tilespmem:s22+$0xCA00];
	v37 =	vmul.f32 v37, v29;
	v34 =	vmul.f32 v35, v34;
	vm9 =	vmor vm7, vm9  }
0x1ea: {  	v27 =	vmul.f32 v18, v18;
	v42 =	vld [tilespmem:s22+$0xDA00];
	v38 =	vadd.f32 v40, v38;
	v40 =	vmul.f32 v31, v13  }
0x1eb: {  	v43 =	vmul.f32 v19, v19;
	v37 =	vsub.f32 $1.500000000e+00, v37;
	v34 =	vmul.f32 $3.000000000e+00, v34  }
0x1ec: {  	vm9 =	vmand vm8, vm9;
	v44 =	vmul.f32 v16, v16;
	v38 =	vadd.f32 v40, v38  }
0x1ed: {  	v27 =	vadd.f32 v43, v27;
	v29 =	vmul.f32 v37, v29;
	v34 =	vnsel vm9, $0x0, v34  }
0x1ee: {  	v30 =	vsub.f32 v32, v30;
	v37 =	vmul.f32 v39, v18;
	v38 =	vmul.f32 v34, v38  }
0x1ef: {  	v35 =	vnsel vm9, $0x0, v35;
	v27 =	vadd.f32 v44, v27;
	v32 =	vmul.f32 v29, v25  }
0x1f0: {  	v26 =	vsub.f32 v33, v26;
	v31 =	vmul.f32 v35, v31;
	v40 =	vmul.f32 v38, v13;
	[tilespmem:s17+$0x10600] =	vst v30  }
0x1f1: {  	v33 =	vmul.f32 v36, v19;
	v43 =	vmul.f32 v42, v16;
	v30 =	vshra.s32 v27, $0x1  }
0x1f2: {  	v25 =	vmul.f32 $5.000000000e-01, v27;
	v27 =	vmul.f32 v32, v29;
	v31 =	vsub.f32 v31, v40;
	[tilespmem:s17+$0xEA00] =	vst v26  }
0x1f3: {  	v32 =	vmul.f32 v34, v23;
	v23 =	vmovc v21;
	v40 =	vsub.s32 $0x5F3759DF, v30;
	v30 =	vadd.f32 v33, v37  }
0x1f4: {  	v26 =	vmul.f32 v38, v12;
	v33 =	vmul.f32 v40, v25;
	v27 =	vsub.f32 $1.500000000e+00, v27;
	[tilespmem:s15+$0x10A00] =	vst v31  }
0x1f5: {  	v37 =	vmul.f32 v32, v12;
	v12 =	vmovc v9;
	v21 =	vadd.f32 v43, v30;
	v43 =	vmul.f32 v32, v7  }
0x1f6: {  	v28 =	vsub.f32 v28, v24;
	v9 =	vmovc v18;
	v31 =	vmul.f32 v40, v33;
	v33 =	vmul.f32 v27, v29  }
0x1f7: {  	v24 =	vmul.f32 v38, v7;
	v30 =	vmul.f32 v32, v13;
	v7 =	vmovc v6;
	v6 =	vmovc v19;
	v13 =	vmov v17;
	v44 =	vld [tilespmem:s8+$0xB600]  }
.Ltmp10:
0x1f8: {  	v19 =	vmul.f32 v35, v15;
	v15 =	vmovc v10;
	v17 =	vsub.f32 $1.500000000e+00, v31;
	v34 =	vmul.f32 v33, v33;
	v27 =	vld [tilespmem:s8+$0xC600];
	[tilespmem:s17+$0xFA00] =	vst v28;
	s17 =	smov.u32 s15;
	s15 =	smov.u32 s8;
	(pc) =	sbr.rel @p1 .LBB2_17-.Ltmp10, $4  }
0x1f9: {  	v32 =	vmul.f32 v35, v20;
	v10 =	vmovc v39;
	v28 =	vmul.f32 v35, v14;
	v14 =	vmovc v8;
	v8 =	vmov v36;
	s8 =	smov.u32 s22;
	s22 =	sshra.s32 s2, $0x2;
	v31 =	vld [tilespmem:s15+$0xD600]  }
0x1fa: {  	v20 =	vmovc v11;
	v39 =	vsub.f32 v19, v37;
	v29 =	vmul.f32 v40, v17;
	v40 =	vmul.f32 v34, v33;
	v18 =	vld [tilespmem:s22+$0x9A00]  }
0x1fb: {  	s14 =	sadd.s32 $0x10, s14;
	v11 =	vmovc v42;
	v33 =	vmul.f32 v35, v22;
	v36 =	vsub.f32 v28, v43;
	v28 =	vmul.f32 v35, v41;
	v19 =	vld [tilespmem:s22+$0xA200]  }
0x1fc: {  	v38 =	vmov s14;
	s2 =	sadd.s32 $0x40, s2;
	v37 =	vmul.f32 v29, v25;
	v35 =	vmul.f32 $5.000000000e-01, v40;
	v17 =	vmovc v16;
	[tilespmem:s17+$0xE600] =	vst v39;
	v22 =	vmovc v44;
	v16 =	vld [tilespmem:s22+$0xAA00]  }
0x1fd: {  	_ = 	snop  }
0x1fe: {  	v39 =	vmul.f32 v22, v12;
	v56 =	vmul.f32 v27, v7  }
0x1ff: {  	vm9 =	vgt.s32 v38, v5;
	v37 =	vmul.f32 v37, v29;
	v34 =	vmul.f32 v35, v34  }
0x200: {  	vm9 =	vmor vm7, vm9;
	v40 =	vmul.f32 v18, v18;
	v41 =	vmul.f32 v19, v19  }
0x201: {  	v57 =	vmul.f32 v31, v13;
	v38 =	vadd.f32 v56, v39;
	v37 =	vsub.f32 $1.500000000e+00, v37  }
0x202: {  	v34 =	vmul.f32 $3.000000000e+00, v34;
	v42 =	vmul.f32 v16, v16;
	v58 =	vadd.f32 v41, v40  }
0x203: {  	vm9 =	vmand vm8, vm9;
	v38 =	vadd.f32 v57, v38;
	v37 =	vmul.f32 v37, v29  }
0x204: {  	v30 =	vsub.f32 v32, v30;
	v34 =	vnsel vm9, $0x0, v34;
	v39 =	vadd.f32 v42, v58  }
0x205: {  	v32 =	vnsel vm9, $0x0, v35;
	v38 =	vmul.f32 v34, v38;
	v25 =	vmul.f32 v37, v25  }
0x206: {  	v59 =	vmul.f32 v32, v31;
	v60 =	vshra.s32 v39, $0x1;
	v61 =	vmul.f32 $5.000000000e-01, v39  }
0x207: {  	v29 =	vld [tilespmem:s22+$0xBA00];
	[tilespmem:s17+$0xF600] =	vst v36;
	v62 =	vmul.f32 v38, v13;
	v25 =	vmul.f32 v25, v37;
	v35 =	vsub.s32 $0x5F3759DF, v60  }
0x208: {  	v26 =	vsub.f32 v33, v26;
	v41 =	vld [tilespmem:s22+$0xDA00];
	v63 =	vmul.f32 v35, v61  }
0x209: {  	v39 =	vld [tilespmem:s22+$0xCA00];
	[tilespmem:s17+$0x10600] =	vst v30;
	v42 =	vsub.f32 v59, v62;
	v25 =	vsub.f32 $1.500000000e+00, v25  }
0x20a: {  	[tilespmem:s17+$0xEA00] =	vst v26;
	v43 =	vmul.f32 v35, v63  }
0x20b: {  	[tilespmem:s15+$0x10A00] =	vst v42;
	v25 =	vmul.f32 v25, v37  }
0x20c: {  	v24 =	vsub.f32 v28, v24;
	v23 =	vmul.f32 v34, v23;
	v28 =	vld [tilespmem:s8+$0xB600];
	v26 =	vsub.f32 $1.500000000e+00, v43  }
0x20d: {  	v15 =	vmul.f32 v32, v15;
	v33 =	vld [tilespmem:s8+$0xC600];
	v45 =	vmul.f32 v25, v25  }
0x20e: {  	v46 =	vmul.f32 v23, v12;
	[tilespmem:s17+$0xFA00] =	vst v24;
	v47 =	vmul.f32 v35, v26  }
0x20f: {  	v48 =	vmul.f32 v23, v7;
	v49 =	vld [tilespmem:s8+$0xD600];
	v25 =	vmul.f32 v45, v25  }
0x210: {  	v50 =	vmul.f32 v23, v13;
	v51 =	vmul.f32 v47, v61  }
0x211: {  	s2 =	sadd.s32 $0x10, s14;
	v52 =	vmul.f32 v28, v9;
	v25 =	vmul.f32 $5.000000000e-01, v25  }
0x212: {  	v53 =	vmov s2;
	v54 =	vmul.f32 v33, v6;
	v23 =	vmul.f32 v51, v47  }
0x213: {  	vm14 =	vgt.s32 v53, v5;
	v14 =	vmul.f32 v32, v14;
	v31 =	vmul.f32 v25, v45  }
0x214: {  	v55 =	vmul.f32 v49, v17;
	v35 =	vadd.f32 v54, v52;
	v23 =	vsub.f32 $1.500000000e+00, v23  }
0x215: {  	v20 =	vmul.f32 v32, v20;
	vm9 =	vmor vm7, vm14;
	v31 =	vmul.f32 $3.000000000e+00, v31  }
0x216: {  	vm9 =	vmand vm8, vm9;
	v35 =	vadd.f32 v55, v35;
	v23 =	vmul.f32 v23, v47  }
0x217: {  	v44 =	vmul.f32 v38, v12;
	v12 =	vsub.f32 v15, v46;
	v56 =	vnsel vm9, $0x0, v31  }
0x218: {  	v25 =	vnsel vm9, $0x0, v25;
	v24 =	vmul.f32 v56, v35;
	v57 =	vmul.f32 v23, v61  }
0x219: {  	v58 =	vmul.f32 v32, v22;
	v14 =	vsub.f32 v14, v48;
	v59 =	vmul.f32 v25, v49  }
0x21a: {  	v60 =	vsub.f32 v20, v50;
	[tilespmem:s15+$0xE600] =	vst v12;
	v61 =	vmul.f32 v24, v17;
	v62 =	vmul.f32 v57, v23  }
0x21b: {  	v63 =	vsub.f32 v58, v44;
	[tilespmem:s15+$0xF600] =	vst v14  }
0x21c: {  	[tilespmem:s15+$0x10600] =	vst v60;
	v30 =	vsub.f32 v59, v61;
	v31 =	vsub.f32 $1.500000000e+00, v62  }
0x21d: {  	v34 =	vmul.f32 v32, v27;
	v7 =	vmul.f32 v38, v7;
	[tilespmem:s15+$0xEA00] =	vst v63  }
0x21e: {  	[tilespmem:s8+$0x10A00] =	vst v30;
	v35 =	vmul.f32 v31, v23  }
0x21f: {  	v7 =	vsub.f32 v34, v7;
	v36 =	vld [tilespmem:s22+$0xB600]  }
0x220: {  	v38 =	vld [tilespmem:s22+$0xC600];
	v37 =	vmul.f32 v35, v35  }
0x221: {  	v40 =	vmul.f32 v29, v18;
	[tilespmem:s15+$0xFA00] =	vst v7  }
0x222: {  	s2 =	sadd.s32 $0x10, s2;
	v44 =	vmul.f32 v41, v16;
	v43 =	vld [tilespmem:s22+$0xD600];
	v12 =	vmul.f32 v37, v35  }
0x223: {  	v50 =	vmov s2;
	v42 =	vmul.f32 v39, v19;
	v10 =	vmul.f32 v25, v10  }
0x224: {  	vm15 =	vgt.s32 v50, v5;
	v8 =	vmul.f32 v25, v8;
	v12 =	vmul.f32 $5.000000000e-01, v12  }
0x225: {  	v22 =	vadd.f32 v42, v40;
	v47 =	vmul.f32 v36, v18;
	v48 =	vmul.f32 v38, v19  }
0x226: {  	vm7 =	vmor vm7, vm15;
	v7 =	vmul.f32 v56, v21;
	v14 =	vmul.f32 v12, v37  }
0x227: {  	v21 =	vadd.f32 v44, v22;
	v51 =	vmul.f32 v43, v16;
	v22 =	vadd.f32 v48, v47  }
0x228: {  	vm7 =	vmand vm8, vm7;
	v11 =	vmul.f32 v25, v11;
	v14 =	vmul.f32 $3.000000000e+00, v14  }
0x229: {  	v45 =	vmul.f32 v24, v9;
	v46 =	vmul.f32 v7, v9;
	v52 =	vadd.f32 v51, v22  }
0x22a: {  	v49 =	vmul.f32 v7, v6;
	v7 =	vmul.f32 v7, v17;
	v14 =	vnsel vm7, $0x0, v14  }
0x22b: {  	v9 =	vsub.f32 v10, v46;
	v12 =	vnsel vm7, $0x0, v12;
	v53 =	vmul.f32 v14, v52  }
0x22c: {  	v54 =	vmul.f32 v25, v28;
	v8 =	vsub.f32 v8, v49;
	v15 =	vmul.f32 v12, v43  }
0x22d: {  	v7 =	vsub.f32 v11, v7;
	[tilespmem:s8+$0xE600] =	vst v9;
	v56 =	vmul.f32 v14, v21;
	v55 =	vmul.f32 v53, v16  }
0x22e: {  	v57 =	vmul.f32 v25, v33;
	v6 =	vmul.f32 v24, v6;
	[tilespmem:s8+$0xF600] =	vst v8;
	v8 =	vsub.f32 v54, v45  }
0x22f: {  	[tilespmem:s8+$0x10600] =	vst v7;
	v59 =	vmul.f32 v12, v29;
	v58 =	vmul.f32 v56, v18;
	v7 =	vsub.f32 v15, v55  }
0x230: {  	v6 =	vsub.f32 v57, v6;
	[tilespmem:s8+$0xEA00] =	vst v8;
	v60 =	vmul.f32 v12, v39;
	v8 =	vmul.f32 v56, v19  }
0x231: {  	v61 =	vmul.f32 v12, v41;
	v9 =	vsub.f32 v59, v58;
	[tilespmem:s22+$0x10A00] =	vst v7;
	v7 =	vmul.f32 v56, v16  }
0x232: {  	v62 =	vmul.f32 v53, v18;
	[tilespmem:s8+$0xFA00] =	vst v6;
	v6 =	vsub.f32 v60, v8;
	v8 =	vmul.f32 v12, v36  }
0x233: {  	v10 =	vmul.f32 v53, v19;
	v12 =	vmul.f32 v12, v38;
	[tilespmem:s22+$0xE600] =	vst v9;
	v7 =	vsub.f32 v61, v7  }
0x234: {  	[tilespmem:s22+$0xF600] =	vst v6;
	v6 =	vsub.f32 v8, v62  }
0x235: {  	[tilespmem:s22+$0x10600] =	vst v7;
	v7 =	vsub.f32 v12, v10  }
0x236: {  	[tilespmem:s22+$0xEA00] =	vst v6  }
0x237: {  	[tilespmem:s22+$0xFA00] =	vst v7  }
0x238: {  	_ =	swait.ge [sflag:s26], $0x800  }
0x239: {  	[sflag:s26] =	ssyncset.done $0x0  }
0x23a: {  	[sflag:s26] =	ssyncadd.s32 $0xFFFFF800  }
0x23b: {  	_ =	swait.ge [sflag:s26], $0x800  }
0x23c: {  	[sflag:s26] =	ssyncset.done $0x0  }
0x23d: {  	[sflag:s26] =	ssyncadd.s32 $0xFFFFF800  }
0x23e: {  	_ =	swait.ge [sflag:s26], $0x800  }
0x23f: {  	[sflag:s26] =	ssyncset.done $0x0  }
0x240: {  	s22 =	simm.s32 $0xE600;
	[sflag:s26] =	ssyncadd.s32 $0xFFFFF800  }
0x241: {  	[spmem:s1] =	stream.indirect.scatter.add.f32 [tilespmem:s22], [sflag:$0x4], $0x1, s29, s20, $0xb8;
	[tilespmem:$0x10E00] =	vst v63  }
0x242: {  	s23 =	simm.s32 $0xF600  }
0x243: {  	[spmem:s5] =	stream.indirect.scatter.add.f32 [tilespmem:s23], [sflag:$0x4], $0x1, s29, s20, $0xb8;
	[tilespmem:$0x10E00] =	vst v63  }
0x244: {  	s24 =	simm.s32 $0x10600  }
0x245: {  	[spmem:s7] =	stream.indirect.scatter.add.f32 [tilespmem:s24], [sflag:$0x4], $0x1, s29, s20, $0xb8;
	[tilespmem:$0x10E00] =	vst v63  }
0x246: {  	_ =	swait.ge [sflag:s19], $0x800  }
0x247: {  	[sflag:s19] =	ssyncset.done $0x0  }
0x248: {  	[sflag:s19] =	ssyncadd.s32 $0xFFFFF800  }
0x249: {  	_ =	swait.ge [sflag:s19], $0xC00  }
0x24a: {  	[sflag:s19] =	ssyncset.done $0x0  }
0x24b: {  	s30 =	simm.s32 $0x4E10;
	[sflag:s19] =	ssyncadd.s32 $0xFFFFF400  }
0x24c: {  	v6 =	vld [tilespmem:s30+$0xFFFFFFF0]  }
0x24d: {  	v7 =	vld [tilespmem:s30+$0x0];
	_ =	sdelay $0x4  }
0x24e: {  	v8 =	vperm.xlane v6, v0;
	v63 =	vperm.xlane v7, v0  }
0x24f: {  	v6 =	vperm.xlane v6, v1;
	v7 =	vperm.xlane v7, v1  }
0x250: {  	s31 =	simm.s32 $0x0;
	s2 =	simm.s32 $0x5E00;
	v8 =	vsel vm0, v8, v63  }
0x251: {  	s8 =	sand.u32 $0x3F0, s31;
	v6 =	vsel vm0, v6, v7;
	[tilespmem:s2+$0x0] =	vst v8  }
0x252: {  	s14 =	simm.s32 $0x4E30;
	[tilespmem:s8+$0x6200] =	vst v6  }
0x253: {  	v6 =	vld [tilespmem:s14+$0xFFFFFFF0]  }
0x254: {  	v7 =	vld [tilespmem:s14+$0x0]  }
0x255: {  	s15 =	simm.s32 $0x20;
	s8 =	simm.s32 $0x10  }
.LBB2_19:
0x256: {  	p1 =	sne.s32 s15, $0x3F0;
	_ =	sdelay $0x1  }
0x257: {  	v8 =	vperm.xlane v6, v1  }
0x258: {  	v6 =	vperm.xlane v6, v0;
	v9 =	vperm.xlane v7, v0  }
0x259: {  	v7 =	vperm.xlane v7, v1  }
0x25a: {  	s2 =	sadd.s32 $0x10, s2;
	v6 =	vsel vm0, v6, v9  }
.Ltmp11:
0x25b: {  	s17 =	sand.u32 $0x3F0, s8;
	s8 =	smov.u32 s15;
	[tilespmem:s2+$0x0] =	vst v6;
	v6 =	vsel vm0, v8, v7;
	(pc) =	sbr.rel @p1 .LBB2_19-.Ltmp11, $4  }
0x25c: {  	s14 =	sadd.s32 $0x20, s14;
	[tilespmem:s17+$0x6200] =	vst v6  }
0x25d: {  	v6 =	vld [tilespmem:s14+$0xFFFFFFF0]  }
0x25e: {  	v7 =	vld [tilespmem:s14+$0x0]  }
0x25f: {  	s15 =	sadd.s32 $0x10, s15  }
0x260: {  	_ =	sdelay $0x2  }
0x261: {  	v8 =	vperm.xlane v6, v0;
	v9 =	vperm.xlane v7, v0  }
0x262: {  	v6 =	vperm.xlane v6, v1;
	v7 =	vperm.xlane v7, v1  }
0x263: {  	s2 =	sadd.s32 $0x10, s2;
	v8 =	vsel vm0, v8, v9  }
0x264: {  	s23 =	sand.u32 $0x3F0, s8;
	s16 =	sadd.s32 $0x1, s16;
	v6 =	vsel vm0, v6, v7;
	[tilespmem:s2+$0x0] =	vst v8  }
0x265: {  	s24 =	simm.s32 $0xAE00;
	p1 =	slt.s32 s16, s18;
	[tilespmem:s23+$0x6200] =	vst v6  }
0x266: {  	[tilespmem:s24], [sflag:$0x1] =	stream.indirect.gather [spmem:s0], $0x1, s21, s20, $0xb8;
	[tilespmem:$0x10E00] =	vst v63  }
.Ltmp12:
0x267: {  	_ = 	snop;
	(pc) =	sbr.rel @p1 .LBB2_4-.Ltmp12, $4  }
.Ltmp13:
0x268: {  	s30 =	simm.s32 $0xBE00;
	(pc) =	sbr.rel @!p1 .LBB2_21-.Ltmp13, $4  }
0x269: {  	[tilespmem:s30], [sflag:$0x1] =	stream.indirect.gather [spmem:s3], $0x1, s21, s20, $0xb8;
	[tilespmem:$0x10E00] =	vst v63  }
0x26a: {  	s31 =	simm.s32 $0xCE00  }
0x26b: {  	[tilespmem:s31], [sflag:$0x1] =	stream.indirect.gather [spmem:s6], $0x1, s21, s20, $0xb8;
	[tilespmem:$0x10E00] =	vst v63  }
0x26c: {  	_ = 	snop  }
.LBB2_22:
0x26d: {  	_ =	sfence.sel $0x180000  }
0x26e: {  	[bflag:$0x0] =	sbarrier.arrive $0xFFFF  }
0x26f: {  	_ =	strace $0x90000047  }
0x270: {  	s0 =	stileid.u32;
	[bflag:$0x2] =	sbarrier.arrive $0xFFFF  }
0x271: {  	p0 =	sne.s32 s0, $0x0;
	s0 =	rddreg [dreg:$0x8]  }
0x272: {  	s0 =	sadd.s32 @!p0 $0x100000, s0  }
0x273: {  	[sflag:s0] =	ssyncadd.tile.s32 @!p0 $0x1;
	_ =	shalt  }
.Lfunc_end2:
_tile_overlayer_lowered:
.L_overlay_start_2:
0x274: {  	(tag) =	ssettag $0x2  }
0x275: {  	s0 =	rddreg [dreg:$0x0];
	s2 =	stileid.u32  }
0x276: {  	s1 =	rddreg [dreg:$0x1];
	p0 =	sne.s32 s2, $0x0  }
0x277: {  	s3 =	rddreg [dreg:$0x2];
	[bflag:$0x3] =	sbarrier.arrive $0xFFFF;
	s2 =	simm.s32 @!p0 $0x1C06  }
0x278: {  	[timem:s3], [sflag:s2] =	dma.local @!p0 [hbm:s0], s1  }
0x279: {  	s0 =	simm.s32 @!p0 $0x6  }
0x27a: {  	_ =	swait.ge @!p0 [sflag:s0], s1  }
0x27b: {  	s1 =	ssub.s32 @!p0 $0x0, s1;
	[sflag:s0] =	ssyncset.done @!p0 $0x0  }
0x27c: {  	[sflag:s0] =	ssyncadd.s32 @!p0 s1  }
0x27d: {  	[bflag:$0x3] =	sbarrier.arrive $0xFFFF  }
0x27e: {  	_ =	shalt  }

// kernel: kernel.7.cloned.1.call-start
scs
__scs_entry_jumppad:
0x0: {  	(pc) =	sbr.rel $0x88, $3  }
0x1: {  	(tag) =	ssettag $0x0;
	lr =	simm.s32 $0x1  }
0x2: {  	[smem:$0x3F9E] =	sst lr;
	_ =	strace $0xD0000000  }
0x3: {  	_ = 	snop  }
0x4: {  	_ = 	snop  }
0x5: {  	_ = 	snop  }
0x6: {  	_ = 	snop  }
0x7: {  	_ = 	snop  }
__scs_overlays_trampoline_lowered:
0x8: {  	[smem:$0x3FAD] =	sst s0  }
0x9: {  	[smem:$0x3FAE] =	sst s1  }
0xa: {  	[smem:$0x3FAF] =	sst s2  }
0xb: {  	[smem:$0x3FB0] =	sst s3  }
0xc: {  	[smem:$0x3FB1] =	sst s4  }
0xd: {  	[smem:$0x3FB2] =	sst s5  }
0xe: {  	[smem:$0x3FB3] =	sst s6  }
0xf: {  	[smem:$0x3FB4] =	sst s7  }
0x10: {  	[smem:$0x3FB5] =	sst s8  }
0x11: {  	[smem:$0x3FB6] =	sst s9;
	s0 =	simm.s32 @!p0 $0x0  }
0x12: {  	s1 =	sld [smem:$0x3F9C];
	s0 =	simm.s32 @p0 $0x1  }
0x13: {  	[smem:$0x3FB7] =	sst s0;
	s0 =	simm.s32 @!p1 $0x0  }
0x14: {  	s2 =	sld [smem:$0x3F9B];
	s0 =	simm.s32 @p1 $0x1  }
0x15: {  	[smem:$0x3FB8] =	sst s0;
	s0 =	simm.s32 @!p2 $0x0  }
0x16: {  	s3 =	sld [smem:$0x3FDB];
	s0 =	simm.s32 @p2 $0x1  }
0x17: {  	s4 =	simm.s32 $0x1BF5;
	[smem:$0x3FBA] =	sst s0  }
0x18: {  	s0 =	sld [smem:$0x3F9D];
	_ =	swait.ge [sflag:s4], $0x0  }
0x19: {  	s7 =	sld [smem:$0x3F9E]  }
0x1a: {  	s8 =	sadd.s32 $0xFFFFE003, lr  }
0x1b: {  	s9 =	sadd.s32 $0xFFFFFEF7, lr;
	s5 =	simm.s32 $0xFFFFFFFF;
	p2 =	slt.u32 s8, $0xFFFFF086  }
0x1c: {  	p1 =	slt.u32 s9, $0xF7A;
	s5 =	simm.s32 @!p2 $0x0  }
0x1d: {  	s5 =	simm.s32 @p1 $0x1;
	p0 =	seq.s32 s7, s2  }
0x1e: {  	s7 =	smul.u32 @!p0 $0xF7A, s2;
	p2 =	seq.s32 @!p0 s5, $0x0  }
0x1f: {  	s9 =	smul.u32 $0xF7A, s1;
	s8 =	simm.s32 @!p0 $0x1BF5;
	p2 =	por !p2, p0  }
0x20: {  	[sflag:s8] =	ssyncset.s32 @!p0 $0xFFFFF086;
	s6 =	sadd.s32 @!p0 s3, s7;
	s7 =	simm.s32 @!p0 $0x108  }
0x21: {  	s3 =	sadd.s32 s3, s9;
	s6 =	sadd.s32 @!p0 $0x88, s6;
	s7 =	simm.s32 @p2 $0x1082  }
0x22: {  	[simem:s7], [sflag:s8] =	dma.local @!p0 [hbm:s6], $0xF7A  }
0x23: {  	s9 =	sor.u32 $0xD0000000, s2;
	s6 =	simm.s32 $0x108;
	_ =	swait.ge @!p0 [sflag:s8], $0x0  }
0x24: {  	s3 =	sadd.s32 $0x88, s3;
	s6 =	simm.s32 @!p1 $0x1082;
	[sflag:s4] =	ssyncset.s32 $0xFFFFF086  }
0x25: {  	[simem:s6], [sflag:s4] =	dma.local [hbm:s3], $0xF7A  }
0x26: {  	[smem:$0x3F9E] =	sst s1;
	(tag) =	ssettag s2;
	_ =	strace s9  }
0x27: {  	s1 =	sld [smem:$0x3FAE]  }
0x28: {  	s2 =	sld [smem:$0x3FAF]  }
0x29: {  	s4 =	sld [smem:$0x3FB1]  }
0x2a: {  	p0 =	seq.s32 s5, $0x0;
	s5 =	sld [smem:$0x3FB2]  }
0x2b: {  	s6 =	sld [smem:$0x3FB3]  }
0x2c: {  	s7 =	sld [smem:$0x3FB4]  }
0x2d: {  	s3 =	simm.s32 $0x108;
	s8 =	sld [smem:$0x3FB5]  }
0x2e: {  	s3 =	simm.s32 @!p0 $0x1082;
	s9 =	sld [smem:$0x3FB6]  }
0x2f: {  	lr =	sadd.s32 s0, s3;
	s0 =	sld [smem:$0x3FAD]  }
0x30: {  	s3 =	sld [smem:$0x3FB0]  }
0x31: {  	[smem:$0x3FB9] =	sst s10  }
0x32: {  	s10 =	sld [smem:$0x3FB7];
	_ =	sdelay $0x3  }
0x33: {  	p0 =	seq.s32 s10, $0x1;
	s10 =	sld [smem:$0x3FB9];
	_ =	sdelay $0x3  }
0x34: {  	[smem:$0x3FB9] =	sst s10  }
0x35: {  	s10 =	sld [smem:$0x3FB8];
	_ =	sdelay $0x3  }
0x36: {  	p1 =	seq.s32 s10, $0x1;
	s10 =	sld [smem:$0x3FB9];
	_ =	sdelay $0x3  }
0x37: {  	[smem:$0x3FB9] =	sst s10  }
0x38: {  	s10 =	sld [smem:$0x3FBA]  }
0x39: {  	_ = 	snop;
	(pc) =	sbr.ind lr, $3  }
0x3a: {  	_ = 	snop  }
0x3b: {  	_ = 	snop  }
0x3c: {  	p2 =	seq.s32 s10, $0x1;
	s10 =	sld [smem:$0x3FB9]  }
0x3d: {  	_ =	shalt  }
0x3e: {  	_ =	shalt  }
0x3f: {  	_ =	shalt  }
0x40: {  	_ =	shalt  }
0x41: {  	_ =	shalt  }
0x42: {  	_ =	shalt  }
0x43: {  	_ =	shalt  }
0x44: {  	_ =	shalt  }
0x45: {  	_ =	shalt  }
0x46: {  	_ =	shalt  }
0x47: {  	_ =	shalt  }
0x48: {  	_ =	shalt  }
0x49: {  	_ =	shalt  }
0x4a: {  	_ =	shalt  }
0x4b: {  	_ =	shalt  }
0x4c: {  	_ =	shalt  }
0x4d: {  	_ =	shalt  }
0x4e: {  	_ =	shalt  }
0x4f: {  	_ =	shalt  }
0x50: {  	_ =	shalt  }
0x51: {  	_ =	shalt  }
0x52: {  	_ =	shalt  }
0x53: {  	_ =	shalt  }
0x54: {  	_ =	shalt  }
0x55: {  	_ =	shalt  }
0x56: {  	_ =	shalt  }
0x57: {  	_ =	shalt  }
0x58: {  	_ =	shalt  }
0x59: {  	_ =	shalt  }
0x5a: {  	_ =	shalt  }
0x5b: {  	_ =	shalt  }
0x5c: {  	_ =	shalt  }
0x5d: {  	_ =	shalt  }
0x5e: {  	_ =	shalt  }
0x5f: {  	_ =	shalt  }
0x60: {  	_ =	shalt  }
0x61: {  	_ =	shalt  }
0x62: {  	_ =	shalt  }
0x63: {  	_ =	shalt  }
0x64: {  	_ =	shalt  }
0x65: {  	_ =	shalt  }
0x66: {  	_ =	shalt  }
0x67: {  	_ =	shalt  }
0x68: {  	_ =	shalt  }
0x69: {  	_ =	shalt  }
0x6a: {  	_ =	shalt  }
0x6b: {  	_ =	shalt  }
0x6c: {  	_ =	shalt  }
0x6d: {  	_ =	shalt  }
0x6e: {  	_ =	shalt  }
0x6f: {  	_ =	shalt  }
0x70: {  	_ =	shalt  }
0x71: {  	_ =	shalt  }
0x72: {  	_ =	shalt  }
0x73: {  	_ =	shalt  }
0x74: {  	_ =	shalt  }
0x75: {  	_ =	shalt  }
0x76: {  	_ =	shalt  }
0x77: {  	_ =	shalt  }
0x78: {  	_ =	shalt  }
0x79: {  	_ =	shalt  }
0x7a: {  	_ =	shalt  }
0x7b: {  	_ =	shalt  }
0x7c: {  	_ =	shalt  }
0x7d: {  	_ =	shalt  }
0x7e: {  	_ =	shalt  }
0x7f: {  	_ =	shalt  }
0x80: {  	_ =	shalt  }
0x81: {  	_ =	shalt  }
0x82: {  	_ =	shalt  }
0x83: {  	_ =	shalt  }
0x84: {  	_ =	shalt  }
0x85: {  	_ =	shalt  }
0x86: {  	_ =	shalt  }
0x87: {  	_ =	shalt  }
.Lfunc_end0:
.L_simem_size_0:
called_computation.1_lowered:
.L_overlay_start_0:
0x88: {  	s2 =	sld [smem:$0x3FD9]  }
0x89: {  	s3 =	sld [smem:$0x3FFE];
	_ =	sdelay $0x1  }
0x8a: {  	s1 =	srdreg.scid  }
0x8b: {  	s0 =	sand.u32 $0x1, s1  }
0x8c: {  	s17 =	sshll.u32 s0, $0xA;
	s2 =	sadd.s32 s3, s2  }
0x8d: {  	s2 =	sadd.s32 s2, s17  }
0x8e: {  	[smem:$0x3FC5] =	sst s2  }
0x8f: {  	_ = 	snop  }
0x90: {  	s2 =	sld [smem:$0x3FD0];
	(tm) =	ssettm $0x1  }
0x91: {  	s18 =	sld [smem:$0x3FFB];
	_ =	sdelay $0x3  }
0x92: {  	_ =	strace s18  }
0x93: {  	s3 =	sld [smem:$0x3FFC];
	_ =	sdelay $0x3  }
0x94: {  	_ =	strace s3  }
0x95: {  	s3 =	sld [smem:$0x3FFD];
	_ =	sdelay $0x3  }
0x96: {  	_ =	strace s3  }
0x97: {  	_ =	strace $0x8FFFFFFF  }
0x98: {  	s19 =	sld [smem:$0x3FDB];
	_ =	sdelay $0x1  }
0x99: {  	s4 =	simm.s32 $_scs_section_size  }
0x9a: {  	s5 =	simm.s32 $_size__tile_overlayer_lowered;
	s6 =	simm.s32 $_tile_overlayer_lowered  }
0x9b: {  	s22 =	simm.s32 $0x1BFF;
	s21 =	sshll.u32 s6, $0x1;
	s3 =	sadd.s32 s4, s19  }
0x9c: {  	s7 =	simm.s32 $0x0;
	s20 =	sshll.u32 s5, $0x1;
	s5 =	sadd.s32 s21, s3  }
0x9d: {  	[timem:s7], [sflag:s22] =	dma.local [hbm:s5], s20  }
0x9e: {  	_ =	swait.ge [sflag:s22], s20  }
0x9f: {  	s4 =	ssub.s32 $0x0, s20;
	[sflag:s22] =	ssyncset.done $0x0  }
0xa0: {  	[sflag:s22] =	ssyncadd.s32 s4;
	_ =	sdelay $0x1  }
0xa1: {  	s23 =	simm.s32 $0x1B8B  }
0xa2: {  	_ =	swait.ge [sflag:s23], $0x1  }
0xa3: {  	[sflag:s23] =	ssyncset.done $0x0  }
0xa4: {  	s25 =	simm.s32 $0x1B8E;
	s24 =	sld [smem:$0x3FFE];
	[sflag:s23] =	ssyncadd.s32 $0xFFFFFFFF  }
0xa5: {  	s26 =	simm.s32 $execute0_lowered;
	[smem:$0x3FD2] =	sst s25  }
0xa6: {  	s5 =	sshll.u32 s26, $0x1;
	_ =	strace $0x80000049;
	[dreg:$0x1] =	wrdreg $0xFFFFFFFF  }
0xa7: {  	s28 =	simm.s32 $_size_execute0_lowered;
	s3 =	sadd.s32 s3, s5;
	[dreg:$0x0] =	wrdreg $0x0  }
0xa8: {  	s5 =	sshll.u32 s28, $0x1;
	[dreg:$0x2] =	wrdreg s3  }
0xa9: {  	[dreg:$0x3] =	wrdreg s5  }
0xaa: {  	[dreg:$0x4] =	wrdreg $0xC0  }
0xab: {  	_ =	task [dreg:s7], $0x5FFFF  }
0xac: {  	[dreg:$0x1] =	wrdreg $0xFFFFFFFF  }
0xad: {  	[dreg:$0x0] =	wrdreg $0x60  }
0xae: {  	[dreg:$0x2] =	wrdreg s24  }
0xaf: {  	[dreg:$0x3] =	wrdreg s2  }
0xb0: {  	[dreg:$0x4] =	wrdreg $0x9  }
0xb1: {  	_ =	task.clear_ibuf [dreg:s7], $0x5FFFF;
	_ =	strace $0x90000049  }
0xb2: {  	s29 =	simm.s32 $0x9;
	_ =	strace $0x8000004B  }
0xb3: {  	_ =	swait.ge [sflag:s29], $0x1  }
0xb4: {  	[sflag:s29] =	ssyncadd.s32 $0xFFFFFFFF  }
0xb5: {  	_ =	strace $0x9000004B  }
0xb6: {  	_ =	sfence  }
0xb7: {  	s30 =	sld [smem:$0x0];
	_ =	sdelay $0x2  }
0xb8: {  	s31 =	sshll.u32 s1, $0xD;
	s1 =	sshrl.u32 s1, $0x2  }
0xb9: {  	s3 =	sand.u32 $0x4000, s31;
	s1 =	sadd.s32 s1, s30  }
0xba: {  	s0 =	sor.u32 s3, s0;
	s1 =	sshll.u32 s1, $0x11  }
0xbb: {  	s0 =	sor.u32 s1, s0  }
0xbc: {  	s0 =	sadd.s32 $0x8F2B, s0  }
0xbd: {  	[sflag:s0] =	ssyncadd.remote.s32 $0x1  }
0xbe: {  	_ =	sfence.sel $0xFFFF  }
0xbf: {  	[dreg:$0x0] =	wrdreg $0xFFFFFFFF;
	(pc) =	sbr.abs _section_cstart, $3  }
0xc0: {  	[dreg:$0x1] =	wrdreg $0xFFFFFFFF  }
0xc1: {  	_ =	task.clear_ibuf [dreg:s7], $0x2FFFF;
	_ =	strace $0x9FFFFFFF  }
0xc2: {  	(tm) =	ssettm $0x7FFFFFFF  }
0xc3: {  	_ =	shalt  }
tec
execute0_lowered:
.L_overlay_start_1:
0x0: {  	(tag) =	ssettag $0x1  }
0x1: {  	s1 =	srdreg.scid;
	s0 =	stileid.u32  }
0x2: {  	s4 =	rddreg [dreg:$0x0];
	s3 =	sand.u32 $0x1, s1;
	s31 =	sshll.u32 s0, $0x1  }
0x3: {  	s9 =	rddreg [dreg:$0x1];
	s2 =	simm.s32 $0x0;
	s5 =	sor.u32 s3, s31  }
0x4: {  	s12 =	simm.s32 $0x2700;
	s13 =	simm.s32 $0x0;
	s6 =	smul.u32 $0x680, s5  }
0x5: {  	[smem:$0x7FF] =	sst s2;
	s3 =	ssub.s32 $0x2, s3;
	s11 =	smul.u32 $0x270, s5  }
0x6: {  	s1 =	rddreg [dreg:$0x2];
	_ =	strace $0x8000004A;
	s7 =	sshrl.u32 s3, $0x1  }
0x7: {  	v0 =	vlaneseq.u32;
	s10 =	ssub.s32 s3, s7;
	s6 =	sshrl.u32 s6, $0x3;
	s9 =	sadd.s32 s9, s11  }
0x8: {  	v0 =	vmul.u32 $0x3, v0;
	s10 =	smax.u32 s10, $0x1;
	s11 =	simm.s32 $0x1;
	s8 =	sadd.s32 s6, s4  }
0x9: {  	s3 =	sadd.s32 $0x2600, s8;
	s4 =	sadd.s32 $0x4000, s8;
	s5 =	sadd.s32 $0x5A00, s8  }
0xa: {  	v1 =	vadd.s32 $0x1, v0;
	v2 =	vadd.s32 $0x2, v0;
	s6 =	sadd.s32 $0x7400, s8;
	s7 =	sadd.s32 $0x8E00, s8;
	s8 =	sadd.s32 $0xA800, s8  }
.LBB2_1:
0xb: {  	[tilespmem:s2], [sflag:$0x1] =	stream.linear.gather [hbm4b:s3+s2], $0x680, $0x38;
	[tilespmem:$0x3A80] =	vst v63  }
0xc: {  	_ =	swait.ge [sflag:s11], $0x680  }
0xd: {  	[sflag:s11] =	ssyncset.done $0x0  }
0xe: {  	s14 =	simm.s32 $0x680;
	[sflag:s11] =	ssyncadd.s32 $0xFFFFF980  }
0xf: {  	[tilespmem:s14], [sflag:$0x1] =	stream.linear.gather [hbm4b:s4+s2], $0x680, $0x38;
	[tilespmem:$0x3A80] =	vst v63  }
0x10: {  	_ =	swait.ge [sflag:s11], $0x680  }
0x11: {  	[sflag:s11] =	ssyncset.done $0x0  }
0x12: {  	s15 =	simm.s32 $0xD00;
	[sflag:s11] =	ssyncadd.s32 $0xFFFFF980  }
0x13: {  	[tilespmem:s15], [sflag:$0x1] =	stream.linear.gather [hbm4b:s5+s2], $0x680, $0x38;
	[tilespmem:$0x3A80] =	vst v63  }
0x14: {  	_ =	swait.ge [sflag:s11], $0x680  }
0x15: {  	[sflag:s11] =	ssyncset.done $0x0  }
0x16: {  	s16 =	simm.s32 $0x1380;
	[sflag:s11] =	ssyncadd.s32 $0xFFFFF980  }
0x17: {  	[tilespmem:s16], [sflag:$0x1] =	stream.linear.gather [hbm4b:s6+s2], $0x680, $0x38;
	[tilespmem:$0x3A80] =	vst v63  }
0x18: {  	_ =	swait.ge [sflag:s11], $0x680  }
0x19: {  	[sflag:s11] =	ssyncset.done $0x0  }
0x1a: {  	s17 =	simm.s32 $0x1A00;
	[sflag:s11] =	ssyncadd.s32 $0xFFFFF980  }
0x1b: {  	[tilespmem:s17], [sflag:$0x1] =	stream.linear.gather [hbm4b:s7+s2], $0x680, $0x38;
	[tilespmem:$0x3A80] =	vst v63  }
0x1c: {  	_ =	swait.ge [sflag:s11], $0x680  }
0x1d: {  	[sflag:s11] =	ssyncset.done $0x0  }
0x1e: {  	s18 =	simm.s32 $0x2080;
	[sflag:s11] =	ssyncadd.s32 $0xFFFFF980  }
0x1f: {  	[tilespmem:s18], [sflag:$0x1] =	stream.linear.gather [hbm4b:s8+s2], $0x680, $0x38;
	[tilespmem:$0x3A80] =	vst v63  }
0x20: {  	_ =	swait.ge [sflag:s11], $0x680  }
0x21: {  	[sflag:s11] =	ssyncset.done $0x0  }
0x22: {  	[sflag:s11] =	ssyncadd.s32 $0xFFFFF980  }
0x23: {  	v3 =	vld [tilespmem:s14+$0x0]  }
0x24: {  	v4 =	vld [tilespmem:s2+$0x0]  }
0x25: {  	v5 =	vld [tilespmem:s17+$0x0]  }
0x26: {  	v7 =	vld [tilespmem:s16+$0x0]  }
0x27: {  	v6 =	vld [tilespmem:s18+$0x0]  }
0x28: {  	v9 =	vadd.s32 s2, v0;
	s20 =	simm.s32 $0x30;
	s19 =	simm.s32 $0x0;
	s21 =	simm.s32 $0x0;
	v8 =	vld [tilespmem:s15+$0x0]  }
.LBB2_2:
0x29: {  	p0 =	sne.s32 s20, $0x1350;
	v10 =	vadd.s32 s19, v1  }
0x2a: {  	v11 =	vadd.s32 s19, v2;
	s19 =	smov.u32 s20  }
0x2b: {  	v4 =	vadd.f32 v7, v4  }
0x2c: {  	v3 =	vadd.f32 v5, v3  }
0x2d: {  	v5 =	vadd.f32 v6, v8;
	[tilespmem:v9+s12+$0x0] =	vst.idx.msk $0xffff, v4  }
0x2e: {  	[tilespmem:v10+s12+$0x0] =	vst.idx.msk $0xffff, v3  }
0x2f: {  	s14 =	sadd.s32 $0x10, s14;
	[tilespmem:v11+s12+$0x0] =	vst.idx.msk $0xffff, v5  }
0x30: {  	s21 =	sadd.s32 $0x10, s21;
	v3 =	vld [tilespmem:s14+$0x0]  }
.Ltmp0:
0x31: {  	s17 =	sadd.s32 $0x10, s17;
	v4 =	vld [tilespmem:s21+$0x0];
	(pc) =	sbr.rel @p0 .LBB2_2-.Ltmp0, $4  }
0x32: {  	s16 =	sadd.s32 $0x10, s16;
	v5 =	vld [tilespmem:s17+$0x0]  }
0x33: {  	s18 =	sadd.s32 $0x10, s18;
	v7 =	vld [tilespmem:s16+$0x0]  }
0x34: {  	s15 =	sadd.s32 $0x10, s15;
	v6 =	vld [tilespmem:s18+$0x0]  }
0x35: {  	s20 =	sadd.s32 $0x30, s20;
	v9 =	vadd.s32 s19, v0;
	v8 =	vld [tilespmem:s15+$0x0]  }
0x36: {  	v10 =	vadd.s32 s19, v1  }
0x37: {  	v11 =	vadd.s32 s19, v2  }
0x38: {  	v4 =	vadd.f32 v7, v4  }
0x39: {  	v3 =	vadd.f32 v5, v3  }
0x3a: {  	s13 =	sadd.s32 $0x1, s13;
	v63 =	vadd.f32 v6, v8;
	[tilespmem:v9+s12+$0x0] =	vst.idx.msk $0xffff, v4  }
0x3b: {  	p0 =	sne.s32 s13, s10;
	[tilespmem:v10+s12+$0x0] =	vst.idx.msk $0xffff, v3  }
.Ltmp1:
0x3c: {  	[tilespmem:v11+s12+$0x0] =	vst.idx.msk $0xffff, v63;
	(pc) =	sbr.rel @p0 .LBB2_1-.Ltmp1, $4  }
0x3d: {  	[hbm4b:s9+s2] =	stream.linear.scatter [tilespmem:s12], [sflag:$0x1], $0x1380, $0x38;
	[tilespmem:$0x3A80] =	vst v63  }
0x3e: {  	_ =	swait.ge [sflag:s11], $0x1380  }
0x3f: {  	[sflag:s11] =	ssyncset.done $0x0  }
0x40: {  	[sflag:s11] =	ssyncadd.s32 $0xFFFFEC80  }
0x41: {  	_ =	sfence.sel $0x180000  }
0x42: {  	[bflag:$0x0] =	sbarrier.arrive $0xFFFF  }
0x43: {  	p0 =	sne.s32 s0, $0x0;
	_ =	strace $0x9000004A  }
0x44: {  	s0 =	sadd.s32 @!p0 $0x100000, s1;
	[bflag:$0x2] =	sbarrier.arrive $0xFFFF  }
0x45: {  	[sflag:s0] =	ssyncadd.tile.s32 @!p0 $0x1;
	_ =	shalt  }
.Lfunc_end2:
_tile_overlayer_lowered:
.L_overlay_start_2:
0x46: {  	(tag) =	ssettag $0x2  }
0x47: {  	s0 =	rddreg [dreg:$0x0];
	s2 =	stileid.u32  }
0x48: {  	s1 =	rddreg [dreg:$0x1];
	p0 =	sne.s32 s2, $0x0  }
0x49: {  	s3 =	rddreg [dreg:$0x2];
	[bflag:$0x3] =	sbarrier.arrive $0xFFFF;
	s2 =	simm.s32 @!p0 $0x1C01  }
0x4a: {  	[timem:s3], [sflag:s2] =	dma.local @!p0 [hbm:s0], s1  }
0x4b: {  	s0 =	simm.s32 @!p0 $0x1  }
0x4c: {  	_ =	swait.ge @!p0 [sflag:s0], s1  }
0x4d: {  	s1 =	ssub.s32 @!p0 $0x0, s1;
	[sflag:s0] =	ssyncset.done @!p0 $0x0  }
0x4e: {  	[sflag:s0] =	ssyncadd.s32 @!p0 s1  }
0x4f: {  	[bflag:$0x3] =	sbarrier.arrive $0xFFFF  }
0x50: {  	_ =	shalt  }

</sc_bundles>
